<compile_context>
chip_gen: v7x
topology: tpu7x:2x2x1
jax: 0.10.2.dev20260603
libtpu: 0.0.44.dev20260713+nightly
codegen_flags: <defaults>
</compile_context>

<pallas_src>
import functools

import jax
import jax.numpy as jnp
from jax import lax
from jax.experimental import pallas as pl
from jax.experimental.pallas import tpu as pltpu
from jax.experimental.pallas import tpu_sc as plsc

N_NODES = 100000
N_LINKS = 800000
MAX_LPN = 16

GRAVITY = 9.81
ICE_DENSITY = 917.0
WATER_DENSITY = 1000.0
LATENT_HEAT = 335000.0
STEP_HEIGHT = 0.1
ICE_FLUIDITY = 6e-24
GLENS_N = 3
DARCY_FRICTION = 0.0375
FLOW_EXP = 1.25
NONZERO = 1e-12
MELT_CONSTANT = 1.0 / (ICE_DENSITY * LATENT_HEAT)
CLOSURE_CONSTANT = 2.0 * ICE_FLUIDITY * GLENS_N ** (-GLENS_N)
PI = 3.141592653589793
FLOW_CONSTANT = (
    2.0 ** 0.25 * (PI + 2.0) ** 0.5
    / (PI ** 0.25 * (WATER_DENSITY * DARCY_FRICTION) ** 0.5)
)
RHOI_G = ICE_DENSITY * GRAVITY
RHOW_G = WATER_DENSITY * GRAVITY

NC = 2
NS = 16
L = 16
NW = NC * NS

LINK_CHUNK = 1600
N_LINK_CHUNKS = N_LINKS // LINK_CHUNK
LINK_T = -(-N_LINK_CHUNKS // NW)
GATHER_SLICE = 1600
N_GATHER = LINK_CHUNK // GATHER_SLICE

NODE_CHUNK = 800
N_NODE_CHUNKS = N_NODES // NODE_CHUNK
NODE_T = -(-N_NODE_CHUNKS // NW)
NODE_IDX = NODE_CHUNK * MAX_LPN
NODE_SLICES = NODE_IDX // 128

_mesh = plsc.VectorSubcoreMesh(core_axis_name="c", subcore_axis_name="s")


_LINK_BUFS = [
    pltpu.VMEM((LINK_CHUNK,), jnp.int32),
    pltpu.VMEM((LINK_CHUNK,), jnp.int32),
    pltpu.VMEM((LINK_CHUNK,), jnp.float32),
    pltpu.VMEM((LINK_CHUNK,), jnp.float32),
    pltpu.VMEM((LINK_CHUNK,), jnp.float32),
    pltpu.VMEM((LINK_CHUNK,), jnp.float32),
    pltpu.VMEM((LINK_CHUNK,), jnp.float32),
    pltpu.VMEM((LINK_CHUNK,), jnp.float32),
    pltpu.VMEM((LINK_CHUNK,), jnp.float32),
    pltpu.VMEM((LINK_CHUNK,), jnp.int32),
    pltpu.VMEM((LINK_CHUNK,), jnp.float32),
    pltpu.VMEM((LINK_CHUNK,), jnp.float32),
]


@functools.partial(
    pl.kernel,
    out_type=[
        jax.ShapeDtypeStruct((N_LINKS,), jnp.float32),
        jax.ShapeDtypeStruct((N_LINKS,), jnp.float32),
    ],
    mesh=_mesh,
    scratch_types=(
        _LINK_BUFS + _LINK_BUFS + [pltpu.SemaphoreType.DMA] * 6
    ),
)
def _link_kernel(th_hbm, bd_hbm, wp_hbm, head_hbm, tail_hbm, len_hbm,
                 status_hbm, hg_hbm, cp_hbm, *sc):
    bufs = (sc[0:12], sc[12:24])
    sem_l = sc[24:26]
    sem_g = sc[26:28]
    sem_o = sc[28:30]
    wid = lax.axis_index("s") * NC + lax.axis_index("c")

    def hbm_slice(c):
        c = jnp.minimum(c, N_LINK_CHUNKS - 1)
        return pl.ds(pl.multiple_of(c * LINK_CHUNK, LINK_CHUNK), LINK_CHUNK)

    def lin_descs(c, b):
        s = hbm_slice(c)
        B = bufs[b]
        return [pltpu.make_async_copy(head_hbm.at[s], B[0], sem_l[b]),
                pltpu.make_async_copy(tail_hbm.at[s], B[1], sem_l[b]),
                pltpu.make_async_copy(len_hbm.at[s], B[8], sem_l[b]),
                pltpu.make_async_copy(status_hbm.at[s], B[9], sem_l[b])]

    def gat_descs(b):
        B = bufs[b]
        return [pltpu.make_async_copy(th_hbm.at[B[0]], B[2], sem_g[b]),
                pltpu.make_async_copy(bd_hbm.at[B[0]], B[3], sem_g[b]),
                pltpu.make_async_copy(wp_hbm.at[B[0]], B[4], sem_g[b]),
                pltpu.make_async_copy(th_hbm.at[B[1]], B[5], sem_g[b]),
                pltpu.make_async_copy(bd_hbm.at[B[1]], B[6], sem_g[b]),
                pltpu.make_async_copy(wp_hbm.at[B[1]], B[7], sem_g[b])]

    def out_descs(c, b):
        s = hbm_slice(c)
        B = bufs[b]
        return [pltpu.make_async_copy(B[10], hg_hbm.at[s], sem_o[b]),
                pltpu.make_async_copy(B[11], cp_hbm.at[s], sem_o[b])]

    def start(descs):
        for d in descs:
            d.start()

    def wait(descs):
        for d in descs:
            d.wait()

    def compute(b):
        B = bufs[b]

        def vec_body(j, _):
            lb = pl.multiple_of(j * L, L)
            vsl = pl.ds(lb, L)
            th_h = B[2][vsl]
            bd_h = B[3][vsl]
            wp_h = B[4][vsl]
            th_t = B[5][vsl]
            bd_t = B[6][vsl]
            wp_t = B[7][vsl]
            lv = B[8][vsl]
            inactive = B[9][vsl] != 0
            d_wp = wp_h - wp_t
            d_all = RHOI_G * (th_h - th_t) + RHOW_G * (bd_h - bd_t) + d_wp
            hg = -jnp.where(inactive, d_wp, d_all) / lv
            cpv = 0.5 * (RHOI_G * (th_h + th_t) - (wp_h + wp_t))
            B[10][vsl] = hg
            B[11][vsl] = cpv
            return 0

        lax.fori_loop(0, LINK_CHUNK // L, vec_body, 0)

    start(lin_descs(wid, 0))
    wait(lin_descs(wid, 0))
    start(gat_descs(0))
    start(lin_descs(wid + NW, 1))

    def pair_body(tp, _):
        c0 = wid + 2 * tp * NW
        c1 = c0 + NW
        c2 = c0 + 2 * NW
        c3 = c0 + 3 * NW

        @pl.when(c1 < N_LINK_CHUNKS)
        def _():
            wait(lin_descs(c1, 1))
            start(gat_descs(1))

        wait(gat_descs(0))

        @pl.when(tp > 0)
        def _():
            wait(out_descs(c0 - 2 * NW, 0))

        compute(0)
        start(out_descs(c0, 0))

        @pl.when(c2 < N_LINK_CHUNKS)
        def _():
            start(lin_descs(c2, 0))

        @pl.when(c1 < N_LINK_CHUNKS)
        def _():
            wait(gat_descs(1))

            @pl.when(tp > 0)
            def _():
                wait(out_descs(c1 - 2 * NW, 1))

            compute(1)
            start(out_descs(c1, 1))

            @pl.when(c2 < N_LINK_CHUNKS)
            def _():
                wait(lin_descs(c2, 0))
                start(gat_descs(0))

            @pl.when(c3 < N_LINK_CHUNKS)
            def _():
                start(lin_descs(c3, 1))
        return 0

    lax.fori_loop(0, LINK_T // 2, pair_body, 0)
    wait(out_descs(wid + (LINK_T - 2) * NW, 0))
    wait(out_descs(wid + (LINK_T - 1) * NW, 1))


def _rk4_body(dt_ref, hg_ref, cp_ref, s0_ref, sl_ref, st_ref, nc_ref, q0_ref):
    dt = dt_ref[0, 0]
    hg = hg_ref[...]
    cp = cp_ref[...]
    s0 = s0_ref[...]
    inactive = st_ref[...] != 0
    sign = jnp.where(hg >= 0, 1.0, -1.0)
    nz = jnp.where(jnp.abs(hg) < NONZERO, sign * NONZERO, hg)
    coef = lax.rsqrt(jnp.abs(nz)) * nz
    s0p = jnp.maximum(s0, 0.0)
    q0 = FLOW_CONSTANT * (s0p * jnp.sqrt(jnp.sqrt(s0p))) * coef
    a = (MELT_CONSTANT * FLOW_CONSTANT) * coef * hg
    gap = sl_ref[...] * STEP_HEIGHT
    ccl = CLOSURE_CONSTANT * (cp * cp * cp)

    def rate(s):
        sp = jnp.maximum(s, 0.0)
        r = a * (sp * jnp.sqrt(jnp.sqrt(sp))) + gap - ccl * s
        return jnp.where(inactive, 0.0, r)

    k1 = rate(s0)
    k2 = rate(s0 + k1 * (dt * 0.5))
    k3 = rate(s0 + k2 * (dt * 0.5))
    k4 = rate(s0 + k3 * dt)
    nc = s0 + dt * (k1 + 2.0 * k2 + 2.0 * k3 + k4) * (1.0 / 6.0)
    nc = jnp.where(nc < 0.0, 0.0, nc)
    nc = jnp.where(inactive, 0.0, nc)
    nc_ref[...] = nc
    q0_ref[...] = q0


_RK_ROWS = N_LINKS // 128
_RK_BLOCK = 250


def _rk4_call(dt_arr, hg2, cp2, s02, sl2, st2):
    bspec = pl.BlockSpec(memory_space=pltpu.VMEM)
    return pl.pallas_call(
        _rk4_body,
        in_specs=[
            pl.BlockSpec(memory_space=pltpu.SMEM),
            bspec, bspec, bspec, bspec, bspec,
        ],
        out_specs=[bspec, bspec],
        out_shape=[
            jax.ShapeDtypeStruct((_RK_ROWS, 128), jnp.float32),
            jax.ShapeDtypeStruct((_RK_ROWS, 128), jnp.float32),
        ],
    )(dt_arr, hg2, cp2, s02, sl2, st2)


_NODE_BUFS = [
    pltpu.VMEM((NODE_IDX,), jnp.int32),
    pltpu.VMEM((NODE_IDX,), jnp.float32),
    pltpu.VMEM((NODE_IDX,), jnp.float32),
    pltpu.VMEM((NODE_CHUNK,), jnp.float32),
    pltpu.VMEM((NODE_CHUNK,), jnp.float32),
]


@functools.partial(
    pl.kernel,
    out_type=jax.ShapeDtypeStruct((N_NODES,), jnp.float32),
    mesh=_mesh,
    scratch_types=(
        _NODE_BUFS + _NODE_BUFS + [pltpu.SemaphoreType.DMA] * 6
    ),
    compiler_params=pltpu.CompilerParams(needs_layout_passes=False),
)
def _node_kernel(q0_hbm, links_hbm, dirs_hbm, melt_hbm, out_hbm, *sc):
    bufs = (sc[0:5], sc[5:10])
    sem_l = sc[10:12]
    sem_g = sc[12:14]
    sem_o = sc[14:16]
    wid = lax.axis_index("s") * NC + lax.axis_index("c")

    def slices(c):
        c = jnp.minimum(c, N_NODE_CHUNKS - 1)
        nb = pl.multiple_of(c * NODE_CHUNK, NODE_CHUNK)
        ib = pl.multiple_of(c * NODE_IDX, NODE_IDX)
        return pl.ds(nb, NODE_CHUNK), pl.ds(ib, NODE_IDX)

    def lin_descs(c, b):
        ns, isl = slices(c)
        B = bufs[b]
        return [pltpu.make_async_copy(links_hbm.at[isl], B[0], sem_l[b]),
                pltpu.make_async_copy(dirs_hbm.at[isl], B[1], sem_l[b]),
                pltpu.make_async_copy(melt_hbm.at[ns], B[3], sem_l[b])]

    def gat_descs(b):
        B = bufs[b]
        return [pltpu.make_async_copy(q0_hbm.at[B[0]], B[2], sem_g[b])]

    def out_descs(c, b):
        ns, _ = slices(c)
        B = bufs[b]
        return [pltpu.make_async_copy(B[4], out_hbm.at[ns], sem_o[b])]

    def start(descs):
        for d in descs:
            d.start()

    def wait(descs):
        for d in descs:
            d.wait()

    def compute(b):
        B = bufs[b]
        lanes = lax.iota(jnp.int32, L)

        def blk(j, _):
            base = j * (L * MAX_LPN)
            acc = jnp.zeros((L,), jnp.float32)
            for s in range(MAX_LPN):
                flat = base + lanes * MAX_LPN + s
                qq = plsc.load_gather(B[2], [flat])
                dd = plsc.load_gather(B[1], [flat])
                acc = acc + qq * dd
            ob = pl.multiple_of(j * L, L)
            B[4][pl.ds(ob, L)] = acc - B[3][pl.ds(ob, L)]
            return 0

        lax.fori_loop(0, NODE_CHUNK // L, blk, 0)

    start(lin_descs(wid, 0))
    wait(lin_descs(wid, 0))
    start(gat_descs(0))
    start(lin_descs(wid + NW, 1))

    def pair_body(tp, _):
        c0 = wid + 2 * tp * NW
        c1 = c0 + NW
        c2 = c0 + 2 * NW
        c3 = c0 + 3 * NW

        @pl.when(c1 < N_NODE_CHUNKS)
        def _():
            wait(lin_descs(c1, 1))
            start(gat_descs(1))

        wait(gat_descs(0))

        @pl.when(tp > 0)
        def _():
            wait(out_descs(c0 - 2 * NW, 0))

        compute(0)
        start(out_descs(c0, 0))

        @pl.when(c2 < N_NODE_CHUNKS)
        def _():
            start(lin_descs(c2, 0))

        @pl.when(c1 < N_NODE_CHUNKS)
        def _():
            wait(gat_descs(1))

            @pl.when(tp > 0)
            def _():
                wait(out_descs(c1 - 2 * NW, 1))

            compute(1)
            start(out_descs(c1, 1))

            @pl.when(c2 < N_NODE_CHUNKS)
            def _():
                wait(lin_descs(c2, 0))
                start(gat_descs(0))

            @pl.when(c3 < N_NODE_CHUNKS)
            def _():
                start(lin_descs(c3, 1))
        return 0

    lax.fori_loop(0, NODE_T // 2, pair_body, 0)
    wait(out_descs(wid + (NODE_T - 2) * NW, 0))
    wait(out_descs(wid + (NODE_T - 1) * NW, 1))


def kernel(node_at_link_head, node_at_link_tail, length_of_link, links_at_node,
           link_dirs_at_node, status_at_link, ice_thickness, bedrock_elevation,
           meltwater_input, ice_sliding_velocity, init_water_pressure,
           init_conduit_area, dt):
    f32 = jnp.float32
    head = node_at_link_head.astype(jnp.int32)
    tail = node_at_link_tail.astype(jnp.int32)

    hg, cp = _link_kernel(ice_thickness.astype(f32),
                          bedrock_elevation.astype(f32),
                          init_water_pressure.astype(f32),
                          head, tail,
                          length_of_link.astype(f32),
                          status_at_link.astype(jnp.int32))

    dt_arr = jnp.asarray(dt, f32).reshape(1, 1)
    nc2, q02 = _rk4_call(
        dt_arr,
        hg.reshape(_RK_ROWS, 128),
        cp.reshape(_RK_ROWS, 128),
        init_conduit_area.astype(f32).reshape(_RK_ROWS, 128),
        ice_sliding_velocity.astype(f32).reshape(_RK_ROWS, 128),
        status_at_link.astype(jnp.int32).reshape(_RK_ROWS, 128))
    new_conduits = nc2.reshape(N_LINKS)
    q0 = q02.reshape(N_LINKS)

    links_flat = links_at_node.astype(jnp.int32).reshape(N_NODES * MAX_LPN)
    dirs_flat = link_dirs_at_node.astype(f32).reshape(N_NODES * MAX_LPN)
    overflow = _node_kernel(q0, links_flat, dirs_flat, meltwater_input.astype(f32))
    return new_conduits, overflow

# --- scband reference (transcript-rebuilt; emitter-appended) ---
"""Pipeline reference for scband-conduits-77876347011668 (READ-ONLY COPY).

The authoritative reference and input builder live on the scoring server;
editing this copy changes nothing except your own understanding.
"""

import jax, jax.numpy as jnp
import numpy as np

N_NODES = 100000
N_LINKS = 800000
MAX_LPN = 16
GRAVITY = 9.81
ICE_DENSITY = 917.0
WATER_DENSITY = 1000.0
LATENT_HEAT = 335000.0
STEP_HEIGHT = 0.1
ICE_FLUIDITY = 6e-24
GLENS_N = 3
DARCY_FRICTION = 0.0375
FLOW_EXP = 1.25
NONZERO = 1e-12
MELT_CONSTANT = 1.0 / (ICE_DENSITY * LATENT_HEAT)
CLOSURE_CONSTANT = 2.0 * ICE_FLUIDITY * GLENS_N ** (-GLENS_N)
FLOW_CONSTANT = 2.0 ** 0.25 * np.sqrt(np.pi + 2.0) / (np.pi ** 0.25 * np.sqrt(WATER_DENSITY * DARCY_FRICTION))


def setup_inputs(seed: int = 0):
    key = jax.random.key(seed)
    ks = jax.random.split(key, 12)
    return {
        "node_at_link_head": jax.random.randint(ks[0], (N_LINKS,), 0, N_NODES),
        "node_at_link_tail": jax.random.randint(ks[1], (N_LINKS,), 0, N_NODES),
        "length_of_link": jax.random.uniform(ks[2], (N_LINKS,), minval=50.0, maxval=150.0),
        "links_at_node": jax.random.randint(ks[3], (N_NODES, MAX_LPN), 0, N_LINKS),
        "link_dirs_at_node": jax.random.randint(ks[4], (N_NODES, MAX_LPN), -1, 2).astype(jnp.int32),
        "status_at_link": (jax.random.uniform(ks[5], (N_LINKS,)) < 0.05).astype(jnp.int32),
        "ice_thickness": jax.random.uniform(ks[6], (N_NODES,), minval=100.0, maxval=800.0),
        "bedrock_elevation": jax.random.uniform(ks[7], (N_NODES,), minval=0.0, maxval=500.0),
        "meltwater_input": jax.random.uniform(ks[8], (N_NODES,)) * 1e-6,
        "ice_sliding_velocity": jax.random.uniform(ks[9], (N_LINKS,)) * 1e-6,
        "init_water_pressure": jax.random.uniform(ks[10], (N_NODES,)) * ICE_DENSITY * GRAVITY * 100.0,
        "init_conduit_area": jax.random.uniform(ks[11], (N_LINKS,)) + 0.01,
        "dt": 60,
    }


def reference(node_at_link_head, node_at_link_tail, length_of_link, links_at_node,
              link_dirs_at_node, status_at_link, ice_thickness, bedrock_elevation,
              meltwater_input, ice_sliding_velocity, init_water_pressure,
              init_conduit_area, dt):
    head = node_at_link_head
    tail = node_at_link_tail
    inactive = status_at_link != 0
    dirs = link_dirs_at_node.astype(init_conduit_area.dtype)

    def grad_at_link(a):
        # StaticGraph.calc_grad_at_link: node->link gather (message passing)
        return (a[head] - a[tail]) / length_of_link

    # Glacier.__post_init__
    overburden = ICE_DENSITY * GRAVITY * ice_thickness
    pressure_slope = grad_at_link(overburden)
    bedrock_slope = grad_at_link(bedrock_elevation)
    base_gradient = -pressure_slope - WATER_DENSITY * GRAVITY * bedrock_slope
    base_gradient = jnp.where(inactive, 0.0, base_gradient)

    def resolve_state(wp, S):
        eff = overburden - wp
        # map_mean_of_link_nodes_to_link
        conduit_pressure = 0.5 * (eff[head] + eff[tail])
        hg = base_gradient - grad_at_link(wp)
        sign = jnp.where(hg >= 0, 1.0, -1.0)
        nz = jnp.where(jnp.abs(hg) < NONZERO, sign * NONZERO, hg)
        S_pos = jnp.maximum(S, 0.0)
        discharge = FLOW_CONSTANT * jnp.power(S_pos, FLOW_EXP) * jnp.power(jnp.abs(nz), -0.5) * nz
        return conduit_pressure, hg, discharge

    def conduit_rate(wp, S):
        cp, hg, q = resolve_state(wp, S)
        melt_opening = MELT_CONSTANT * q * hg
        gap_opening = ice_sliding_velocity * STEP_HEIGHT
        creep_closure = CLOSURE_CONSTANT * (cp ** GLENS_N) * S
        rate = melt_opening + gap_opening - creep_closure
        return jnp.where(inactive, 0.0, rate)

    wp = init_water_pressure
    S0 = init_conduit_area
    # _evolve_conduits: RK4
    k1 = conduit_rate(wp, S0)
    k2 = conduit_rate(wp, S0 + k1 * dt / 2)
    k3 = conduit_rate(wp, S0 + k2 * dt / 2)
    k4 = conduit_rate(wp, S0 + k3 * dt)
    dSdt = dt * (k1 + 2 * k2 + 2 * k3 + k4) / 6.0
    new_conduits = S0 + dSdt
    new_conduits = jnp.where(new_conduits < 0, 0.0, new_conduits)
    new_conduits = jnp.where(inactive, 0.0, new_conduits)

    # node mass balance (sum_at_nodes): link->node gather-reduce, used by the
    # pressure solver's overflow objective
    _, _, q0 = resolve_state(wp, S0)
    overflow = jnp.sum(dirs * q0[links_at_node], axis=1) - meltwater_input
    return new_conduits, overflow

if __name__ == "__main__":
    import jax
    _d = setup_inputs()
    print(jax.jit(kernel)(*tuple(_d.values())))

</pallas_src>

<mosaic_0001>
#map = affine_map<(d0, d1) -> (0)>
module attributes {stable_mosaic.version = 14 : i64} {
  func.func @_node_kernel(%arg0: i32, %arg1: i32, %arg2: memref<800000xf32, #tpu.memory_space<hbm>>, %arg3: memref<1600000xi32, #tpu.memory_space<hbm>>, %arg4: memref<1600000xf32, #tpu.memory_space<hbm>>, %arg5: memref<100000xf32, #tpu.memory_space<hbm>>, %arg6: memref<100000xf32, #tpu.memory_space<hbm>>, %arg7: memref<12800xi32, #tpu.memory_space<vmem>>, %arg8: memref<12800xf32, #tpu.memory_space<vmem>>, %arg9: memref<12800xf32, #tpu.memory_space<vmem>>, %arg10: memref<800xf32, #tpu.memory_space<vmem>>, %arg11: memref<800xf32, #tpu.memory_space<vmem>>, %arg12: memref<12800xi32, #tpu.memory_space<vmem>>, %arg13: memref<12800xf32, #tpu.memory_space<vmem>>, %arg14: memref<12800xf32, #tpu.memory_space<vmem>>, %arg15: memref<800xf32, #tpu.memory_space<vmem>>, %arg16: memref<800xf32, #tpu.memory_space<vmem>>, %arg17: memref<!tpu.dma_semaphore, #tpu.memory_space<semaphore_mem>>, %arg18: memref<!tpu.dma_semaphore, #tpu.memory_space<semaphore_mem>>, %arg19: memref<!tpu.dma_semaphore, #tpu.memory_space<semaphore_mem>>, %arg20: memref<!tpu.dma_semaphore, #tpu.memory_space<semaphore_mem>>, %arg21: memref<!tpu.dma_semaphore, #tpu.memory_space<semaphore_mem>>, %arg22: memref<!tpu.dma_semaphore, #tpu.memory_space<semaphore_mem>>) attributes {dimension_semantics = [#tpu.dimension_semantics<core_parallel>, #tpu.dimension_semantics<subcore_parallel>], iteration_bounds = array<i64: 2, 16>, scalar_prefetch = 0 : i64, scratch_operands = 16 : i64, tpu.core_type = #tpu.core_type<sc_vector_subcore>, window_params = [{transform_indices = #map}, {transform_indices = #map}, {transform_indices = #map}, {transform_indices = #map}, {transform_indices = #map}]} {
    %mul3A = arith.constant 2 : i32
    %mul3A_0 = arith.muli %arg1, %mul3A : i32
    %add3A = arith.addi %mul3A_0, %arg0 : i32
    %min3A = arith.constant 124 : i32
    %min3A_1 = arith.minsi %add3A, %min3A : i32
    %mul3A_2 = arith.constant 800 : i32
    %mul3A_3 = arith.muli %min3A_1, %mul3A_2 : i32
    %multiple_of3A = tpu.assume_multiple %mul3A_3, 800 : i32
    %mul3A_4 = arith.constant 12800 : i32
    %mul3A_5 = arith.muli %min3A_1, %mul3A_4 : i32
    %multiple_of3A_6 = tpu.assume_multiple %mul3A_5, 12800 : i32
    %dma_start3A = tpu.memref_slice %arg3[%multiple_of3A_6] : memref<1600000xi32, #tpu.memory_space<hbm>> -> memref<12800xi32, #tpu.memory_space<hbm>>
    %dma_start3A_7 = tpu.memref_slice %arg3[%multiple_of3A_6] : memref<1600000xi32, #tpu.memory_space<hbm>> -> memref<12800xi32, #tpu.memory_space<hbm>>
    tpu.enqueue_dma source(%dma_start3A_7 : memref<12800xi32, #tpu.memory_space<hbm>>) target(%arg7 : memref<12800xi32, #tpu.memory_space<vmem>>) target_semaphore(%arg17 : memref<!tpu.dma_semaphore, #tpu.memory_space<semaphore_mem>>)
    %dma_start3A_8 = tpu.memref_slice %arg4[%multiple_of3A_6] : memref<1600000xf32, #tpu.memory_space<hbm>> -> memref<12800xf32, #tpu.memory_space<hbm>>
    %dma_start3A_9 = tpu.memref_slice %arg4[%multiple_of3A_6] : memref<1600000xf32, #tpu.memory_space<hbm>> -> memref<12800xf32, #tpu.memory_space<hbm>>
    tpu.enqueue_dma source(%dma_start3A_9 : memref<12800xf32, #tpu.memory_space<hbm>>) target(%arg8 : memref<12800xf32, #tpu.memory_space<vmem>>) target_semaphore(%arg17 : memref<!tpu.dma_semaphore, #tpu.memory_space<semaphore_mem>>)
    %dma_start3A_10 = tpu.memref_slice %arg5[%multiple_of3A] : memref<100000xf32, #tpu.memory_space<hbm>> -> memref<800xf32, #tpu.memory_space<hbm>>
    %dma_start3A_11 = tpu.memref_slice %arg5[%multiple_of3A] : memref<100000xf32, #tpu.memory_space<hbm>> -> memref<800xf32, #tpu.memory_space<hbm>>
    tpu.enqueue_dma source(%dma_start3A_11 : memref<800xf32, #tpu.memory_space<hbm>>) target(%arg10 : memref<800xf32, #tpu.memory_space<vmem>>) target_semaphore(%arg17 : memref<!tpu.dma_semaphore, #tpu.memory_space<semaphore_mem>>)
    %min3A_12 = arith.constant 124 : i32
    %min3A_13 = arith.minsi %add3A, %min3A_12 : i32
    %mul3A_14 = arith.constant 800 : i32
    %mul3A_15 = arith.muli %min3A_13, %mul3A_14 : i32
    %multiple_of3A_16 = tpu.assume_multiple %mul3A_15, 800 : i32
    %mul3A_17 = arith.constant 12800 : i32
    %mul3A_18 = arith.muli %min3A_13, %mul3A_17 : i32
    %multiple_of3A_19 = tpu.assume_multiple %mul3A_18, 12800 : i32
    %dma_wait3A = tpu.memref_slice %arg3[%multiple_of3A_19] : memref<1600000xi32, #tpu.memory_space<hbm>> -> memref<12800xi32, #tpu.memory_space<hbm>>
    %dma_wait3A_20 = tpu.memref_slice %arg3[%multiple_of3A_19] : memref<1600000xi32, #tpu.memory_space<hbm>> -> memref<12800xi32, #tpu.memory_space<hbm>>
    tpu.wait_dma2 semaphore(%arg17 : memref<!tpu.dma_semaphore, #tpu.memory_space<semaphore_mem>>) src(%dma_wait3A_20 : memref<12800xi32, #tpu.memory_space<hbm>>) dst(%arg7 : memref<12800xi32, #tpu.memory_space<vmem>>)
    %dma_wait3A_21 = tpu.memref_slice %arg4[%multiple_of3A_19] : memref<1600000xf32, #tpu.memory_space<hbm>> -> memref<12800xf32, #tpu.memory_space<hbm>>
    %dma_wait3A_22 = tpu.memref_slice %arg4[%multiple_of3A_19] : memref<1600000xf32, #tpu.memory_space<hbm>> -> memref<12800xf32, #tpu.memory_space<hbm>>
    tpu.wait_dma2 semaphore(%arg17 : memref<!tpu.dma_semaphore, #tpu.memory_space<semaphore_mem>>) src(%dma_wait3A_22 : memref<12800xf32, #tpu.memory_space<hbm>>) dst(%arg8 : memref<12800xf32, #tpu.memory_space<vmem>>)
    %dma_wait3A_23 = tpu.memref_slice %arg5[%multiple_of3A_16] : memref<100000xf32, #tpu.memory_space<hbm>> -> memref<800xf32, #tpu.memory_space<hbm>>
    %dma_wait3A_24 = tpu.memref_slice %arg5[%multiple_of3A_16] : memref<100000xf32, #tpu.memory_space<hbm>> -> memref<800xf32, #tpu.memory_space<hbm>>
    tpu.wait_dma2 semaphore(%arg17 : memref<!tpu.dma_semaphore, #tpu.memory_space<semaphore_mem>>) src(%dma_wait3A_24 : memref<800xf32, #tpu.memory_space<hbm>>) dst(%arg10 : memref<800xf32, #tpu.memory_space<vmem>>)
    %dma_start3A_25 = arith.constant 0 : i32
    %dma_start3A_26 = tpu.memref_slice %arg2[%dma_start3A_25] : memref<800000xf32, #tpu.memory_space<hbm>> -> memref<800000xf32, #tpu.memory_space<hbm>>
    tpu.enqueue_indirect_dma source(%dma_start3A_26 : memref<800000xf32, #tpu.memory_space<hbm>>) target(%arg9 : memref<12800xf32, #tpu.memory_space<vmem>>) offsets(%arg7 : memref<12800xi32, #tpu.memory_space<vmem>>) semaphore(%arg19 : memref<!tpu.dma_semaphore, #tpu.memory_space<semaphore_mem>>)
    %add3A_27 = arith.constant 32 : i32
    %add3A_28 = arith.addi %add3A, %add3A_27 : i32
    %min3A_29 = arith.constant 124 : i32
    %min3A_30 = arith.minsi %add3A_28, %min3A_29 : i32
    %mul3A_31 = arith.constant 800 : i32
    %mul3A_32 = arith.muli %min3A_30, %mul3A_31 : i32
    %multiple_of3A_33 = tpu.assume_multiple %mul3A_32, 800 : i32
    %mul3A_34 = arith.constant 12800 : i32
    %mul3A_35 = arith.muli %min3A_30, %mul3A_34 : i32
    %multiple_of3A_36 = tpu.assume_multiple %mul3A_35, 12800 : i32
    %dma_start3A_37 = tpu.memref_slice %arg3[%multiple_of3A_36] : memref<1600000xi32, #tpu.memory_space<hbm>> -> memref<12800xi32, #tpu.memory_space<hbm>>
    %dma_start3A_38 = tpu.memref_slice %arg3[%multiple_of3A_36] : memref<1600000xi32, #tpu.memory_space<hbm>> -> memref<12800xi32, #tpu.memory_space<hbm>>
    tpu.enqueue_dma source(%dma_start3A_38 : memref<12800xi32, #tpu.memory_space<hbm>>) target(%arg12 : memref<12800xi32, #tpu.memory_space<vmem>>) target_semaphore(%arg18 : memref<!tpu.dma_semaphore, #tpu.memory_space<semaphore_mem>>)
    %dma_start3A_39 = tpu.memref_slice %arg4[%multiple_of3A_36] : memref<1600000xf32, #tpu.memory_space<hbm>> -> memref<12800xf32, #tpu.memory_space<hbm>>
    %dma_start3A_40 = tpu.memref_slice %arg4[%multiple_of3A_36] : memref<1600000xf32, #tpu.memory_space<hbm>> -> memref<12800xf32, #tpu.memory_space<hbm>>
    tpu.enqueue_dma source(%dma_start3A_40 : memref<12800xf32, #tpu.memory_space<hbm>>) target(%arg13 : memref<12800xf32, #tpu.memory_space<vmem>>) target_semaphore(%arg18 : memref<!tpu.dma_semaphore, #tpu.memory_space<semaphore_mem>>)
    %dma_start3A_41 = tpu.memref_slice %arg5[%multiple_of3A_33] : memref<100000xf32, #tpu.memory_space<hbm>> -> memref<800xf32, #tpu.memory_space<hbm>>
    %dma_start3A_42 = tpu.memref_slice %arg5[%multiple_of3A_33] : memref<100000xf32, #tpu.memory_space<hbm>> -> memref<800xf32, #tpu.memory_space<hbm>>
    tpu.enqueue_dma source(%dma_start3A_42 : memref<800xf32, #tpu.memory_space<hbm>>) target(%arg15 : memref<800xf32, #tpu.memory_space<vmem>>) target_semaphore(%arg18 : memref<!tpu.dma_semaphore, #tpu.memory_space<semaphore_mem>>)
    %scan3A = arith.constant 0 : i32
    %scan3A_43 = arith.constant 0 : i32
    %scan3A_44 = arith.constant 2 : i32
    %scan3A_45 = arith.addi %scan3A_43, %scan3A_44 : i32
    %scan3A_46 = arith.constant 1 : i32
    %scan3A_47 = scf.for %scan3A_73 = %scan3A_43 to %scan3A_45 step %scan3A_46 iter_args(%scan3A_74 = %scan3A) -> (i32)  : i32 {
      %mul3A_75 = arith.constant 2 : i32
      %mul3A_76 = arith.muli %mul3A_75, %scan3A_73 : i32
      %mul3A_77 = arith.constant 32 : i32
      %mul3A_78 = arith.muli %mul3A_76, %mul3A_77 : i32
      %add3A_79 = arith.addi %add3A, %mul3A_78 : i32
      %add3A_80 = arith.constant 32 : i32
      %add3A_81 = arith.addi %add3A_79, %add3A_80 : i32
      %add3A_82 = arith.constant 64 : i32
      %add3A_83 = arith.addi %add3A_79, %add3A_82 : i32
      %add3A_84 = arith.constant 96 : i32
      %add3A_85 = arith.addi %add3A_79, %add3A_84 : i32
      %lt3A = arith.constant 125 : i32
      %lt3A_86 = arith.cmpi slt, %add3A_81, %lt3A : i32
      %convert_element_type3A = arith.extui %lt3A_86 : i1 to i32
      %cond3A = arith.constant 0 : i32
      %cond3A_87 = arith.cmpi ne, %convert_element_type3A, %cond3A : i32
      scf.if %cond3A_87 {
        %min3A_122 = arith.constant 124 : i32
        %min3A_123 = arith.minsi %add3A_81, %min3A_122 : i32
        %mul3A_124 = arith.constant 800 : i32
        %mul3A_125 = arith.muli %min3A_123, %mul3A_124 : i32
        %multiple_of3A_126 = tpu.assume_multiple %mul3A_125, 800 : i32
        %mul3A_127 = arith.constant 12800 : i32
        %mul3A_128 = arith.muli %min3A_123, %mul3A_127 : i32
        %multiple_of3A_129 = tpu.assume_multiple %mul3A_128, 12800 : i32
        %dma_wait3A_130 = tpu.memref_slice %arg3[%multiple_of3A_129] : memref<1600000xi32, #tpu.memory_space<hbm>> -> memref<12800xi32, #tpu.memory_space<hbm>>
        %dma_wait3A_131 = tpu.memref_slice %arg3[%multiple_of3A_129] : memref<1600000xi32, #tpu.memory_space<hbm>> -> memref<12800xi32, #tpu.memory_space<hbm>>
        tpu.wait_dma2 semaphore(%arg18 : memref<!tpu.dma_semaphore, #tpu.memory_space<semaphore_mem>>) src(%dma_wait3A_131 : memref<12800xi32, #tpu.memory_space<hbm>>) dst(%arg12 : memref<12800xi32, #tpu.memory_space<vmem>>)
        %dma_wait3A_132 = tpu.memref_slice %arg4[%multiple_of3A_129] : memref<1600000xf32, #tpu.memory_space<hbm>> -> memref<12800xf32, #tpu.memory_space<hbm>>
        %dma_wait3A_133 = tpu.memref_slice %arg4[%multiple_of3A_129] : memref<1600000xf32, #tpu.memory_space<hbm>> -> memref<12800xf32, #tpu.memory_space<hbm>>
        tpu.wait_dma2 semaphore(%arg18 : memref<!tpu.dma_semaphore, #tpu.memory_space<semaphore_mem>>) src(%dma_wait3A_133 : memref<12800xf32, #tpu.memory_space<hbm>>) dst(%arg13 : memref<12800xf32, #tpu.memory_space<vmem>>)
        %dma_wait3A_134 = tpu.memref_slice %arg5[%multiple_of3A_126] : memref<100000xf32, #tpu.memory_space<hbm>> -> memref<800xf32, #tpu.memory_space<hbm>>
        %dma_wait3A_135 = tpu.memref_slice %arg5[%multiple_of3A_126] : memref<100000xf32, #tpu.memory_space<hbm>> -> memref<800xf32, #tpu.memory_space<hbm>>
        tpu.wait_dma2 semaphore(%arg18 : memref<!tpu.dma_semaphore, #tpu.memory_space<semaphore_mem>>) src(%dma_wait3A_135 : memref<800xf32, #tpu.memory_space<hbm>>) dst(%arg15 : memref<800xf32, #tpu.memory_space<vmem>>)
        %dma_start3A_136 = arith.constant 0 : i32
        %dma_start3A_137 = tpu.memref_slice %arg2[%dma_start3A_136] : memref<800000xf32, #tpu.memory_space<hbm>> -> memref<800000xf32, #tpu.memory_space<hbm>>
        tpu.enqueue_indirect_dma source(%dma_start3A_137 : memref<800000xf32, #tpu.memory_space<hbm>>) target(%arg14 : memref<12800xf32, #tpu.memory_space<vmem>>) offsets(%arg12 : memref<12800xi32, #tpu.memory_space<vmem>>) semaphore(%arg20 : memref<!tpu.dma_semaphore, #tpu.memory_space<semaphore_mem>>)
      } else {
      }
      %dma_wait3A_88 = arith.constant 0 : i32
      %dma_wait3A_89 = tpu.memref_slice %arg2[%dma_wait3A_88] : memref<800000xf32, #tpu.memory_space<hbm>> -> memref<800000xf32, #tpu.memory_space<hbm>>
      tpu.wait_indirect_dma semaphore(%arg19 : memref<!tpu.dma_semaphore, #tpu.memory_space<semaphore_mem>>) src(%dma_wait3A_89 : memref<800000xf32, #tpu.memory_space<hbm>>) dst(%arg9 : memref<12800xf32, #tpu.memory_space<vmem>>)
      %gt3A = arith.constant 0 : i32
      %gt3A_90 = arith.cmpi sgt, %scan3A_73, %gt3A : i32
      %convert_element_type3A_91 = arith.extui %gt3A_90 : i1 to i32
      %cond3A_92 = arith.constant 0 : i32
      %cond3A_93 = arith.cmpi ne, %convert_element_type3A_91, %cond3A_92 : i32
      scf.if %cond3A_93 {
        %sub3A = arith.constant 64 : i32
        %sub3A_122 = arith.subi %add3A_79, %sub3A : i32
        %min3A_123 = arith.constant 124 : i32
        %min3A_124 = arith.minsi %sub3A_122, %min3A_123 : i32
        %mul3A_125 = arith.constant 800 : i32
        %mul3A_126 = arith.muli %min3A_124, %mul3A_125 : i32
        %multiple_of3A_127 = tpu.assume_multiple %mul3A_126, 800 : i32
        %mul3A_128 = arith.constant 12800 : i32
        %mul3A_129 = arith.muli %min3A_124, %mul3A_128 : i32
        %multiple_of3A_130 = tpu.assume_multiple %mul3A_129, 12800 : i32
        %dma_wait3A_131 = tpu.memref_slice %arg6[%multiple_of3A_127] : memref<100000xf32, #tpu.memory_space<hbm>> -> memref<800xf32, #tpu.memory_space<hbm>>
        %dma_wait3A_132 = tpu.memref_slice %arg6[%multiple_of3A_127] : memref<100000xf32, #tpu.memory_space<hbm>> -> memref<800xf32, #tpu.memory_space<hbm>>
        tpu.wait_dma2 semaphore(%arg21 : memref<!tpu.dma_semaphore, #tpu.memory_space<semaphore_mem>>) src(%arg11 : memref<800xf32, #tpu.memory_space<vmem>>) dst(%dma_wait3A_132 : memref<800xf32, #tpu.memory_space<hbm>>)
      } else {
      }
      %iota3A = tpu.iota {dimensions = array<i32: 0>} : vector<16xi32>
      %scan3A_94 = arith.constant 0 : i32
      %scan3A_95 = arith.constant 0 : i32
      %scan3A_96 = arith.constant 50 : i32
      %scan3A_97 = arith.addi %scan3A_95, %scan3A_96 : i32
      %scan3A_98 = arith.constant 1 : i32
      %scan3A_99 = scf.for %scan3A_122 = %scan3A_95 to %scan3A_97 step %scan3A_98 iter_args(%scan3A_123 = %scan3A_94) -> (i32)  : i32 {
        %mul3A_124 = arith.constant 256 : i32
        %mul3A_125 = arith.muli %scan3A_122, %mul3A_124 : i32
        %broadcast_in_dim3A = arith.constant 0.000000e+00 : f32
        %broadcast_in_dim3A_126 = vector.broadcast %broadcast_in_dim3A : f32 to vector<16xf32>
        %mul3A_127 = arith.constant 16 : i32
        %mul3A_128 = vector.broadcast %mul3A_127 : i32 to vector<16xi32>
        %mul3A_129 = arith.muli %iota3A, %mul3A_128 : vector<16xi32>
        %add3A_130 = vector.broadcast %mul3A_125 : i32 to vector<16xi32>
        %add3A_131 = arith.addi %add3A_130, %mul3A_129 : vector<16xi32>
        %add3A_132 = arith.constant 0 : i32
        %add3A_133 = vector.broadcast %add3A_132 : i32 to vector<16xi32>
        %add3A_134 = arith.addi %add3A_131, %add3A_133 : vector<16xi32>
        %gather3A = tpu.vector_load_idx %arg9[%add3A_134] : memref<12800xf32, #tpu.memory_space<vmem>>[vector<16xi32>], vector<16xf32>,
        %gather3A_135 = tpu.vector_load_idx %arg8[%add3A_134] : memref<12800xf32, #tpu.memory_space<vmem>>[vector<16xi32>], vector<16xf32>,
        %mul3A_136 = arith.mulf %gather3A, %gather3A_135 : vector<16xf32>
        %add3A_137 = arith.addf %broadcast_in_dim3A_126, %mul3A_136 : vector<16xf32>
        %mul3A_138 = arith.constant 16 : i32
        %mul3A_139 = vector.broadcast %mul3A_138 : i32 to vector<16xi32>
        %mul3A_140 = arith.muli %iota3A, %mul3A_139 : vector<16xi32>
        %add3A_141 = vector.broadcast %mul3A_125 : i32 to vector<16xi32>
        %add3A_142 = arith.addi %add3A_141, %mul3A_140 : vector<16xi32>
        %add3A_143 = arith.constant 1 : i32
        %add3A_144 = vector.broadcast %add3A_143 : i32 to vector<16xi32>
        %add3A_145 = arith.addi %add3A_142, %add3A_144 : vector<16xi32>
        %gather3A_146 = tpu.vector_load_idx %arg9[%add3A_145] : memref<12800xf32, #tpu.memory_space<vmem>>[vector<16xi32>], vector<16xf32>,
        %gather3A_147 = tpu.vector_load_idx %arg8[%add3A_145] : memref<12800xf32, #tpu.memory_space<vmem>>[vector<16xi32>], vector<16xf32>,
        %mul3A_148 = arith.mulf %gather3A_146, %gather3A_147 : vector<16xf32>
        %add3A_149 = arith.addf %add3A_137, %mul3A_148 : vector<16xf32>
        %mul3A_150 = arith.constant 16 : i32
        %mul3A_151 = vector.broadcast %mul3A_150 : i32 to vector<16xi32>
        %mul3A_152 = arith.muli %iota3A, %mul3A_151 : vector<16xi32>
        %add3A_153 = vector.broadcast %mul3A_125 : i32 to vector<16xi32>
        %add3A_154 = arith.addi %add3A_153, %mul3A_152 : vector<16xi32>
        %add3A_155 = arith.constant 2 : i32
        %add3A_156 = vector.broadcast %add3A_155 : i32 to vector<16xi32>
        %add3A_157 = arith.addi %add3A_154, %add3A_156 : vector<16xi32>
        %gather3A_158 = tpu.vector_load_idx %arg9[%add3A_157] : memref<12800xf32, #tpu.memory_space<vmem>>[vector<16xi32>], vector<16xf32>,
        %gather3A_159 = tpu.vector_load_idx %arg8[%add3A_157] : memref<12800xf32, #tpu.memory_space<vmem>>[vector<16xi32>], vector<16xf32>,
        %mul3A_160 = arith.mulf %gather3A_158, %gather3A_159 : vector<16xf32>
        %add3A_161 = arith.addf %add3A_149, %mul3A_160 : vector<16xf32>
        %mul3A_162 = arith.constant 16 : i32
        %mul3A_163 = vector.broadcast %mul3A_162 : i32 to vector<16xi32>
        %mul3A_164 = arith.muli %iota3A, %mul3A_163 : vector<16xi32>
        %add3A_165 = vector.broadcast %mul3A_125 : i32 to vector<16xi32>
        %add3A_166 = arith.addi %add3A_165, %mul3A_164 : vector<16xi32>
        %add3A_167 = arith.constant 3 : i32
        %add3A_168 = vector.broadcast %add3A_167 : i32 to vector<16xi32>
        %add3A_169 = arith.addi %add3A_166, %add3A_168 : vector<16xi32>
        %gather3A_170 = tpu.vector_load_idx %arg9[%add3A_169] : memref<12800xf32, #tpu.memory_space<vmem>>[vector<16xi32>], vector<16xf32>,
        %gather3A_171 = tpu.vector_load_idx %arg8[%add3A_169] : memref<12800xf32, #tpu.memory_space<vmem>>[vector<16xi32>], vector<16xf32>,
        %mul3A_172 = arith.mulf %gather3A_170, %gather3A_171 : vector<16xf32>
        %add3A_173 = arith.addf %add3A_161, %mul3A_172 : vector<16xf32>
        %mul3A_174 = arith.constant 16 : i32
        %mul3A_175 = vector.broadcast %mul3A_174 : i32 to vector<16xi32>
        %mul3A_176 = arith.muli %iota3A, %mul3A_175 : vector<16xi32>
        %add3A_177 = vector.broadcast %mul3A_125 : i32 to vector<16xi32>
        %add3A_178 = arith.addi %add3A_177, %mul3A_176 : vector<16xi32>
        %add3A_179 = arith.constant 4 : i32
        %add3A_180 = vector.broadcast %add3A_179 : i32 to vector<16xi32>
        %add3A_181 = arith.addi %add3A_178, %add3A_180 : vector<16xi32>
        %gather3A_182 = tpu.vector_load_idx %arg9[%add3A_181] : memref<12800xf32, #tpu.memory_space<vmem>>[vector<16xi32>], vector<16xf32>,
        %gather3A_183 = tpu.vector_load_idx %arg8[%add3A_181] : memref<12800xf32, #tpu.memory_space<vmem>>[vector<16xi32>], vector<16xf32>,
        %mul3A_184 = arith.mulf %gather3A_182, %gather3A_183 : vector<16xf32>
        %add3A_185 = arith.addf %add3A_173, %mul3A_184 : vector<16xf32>
        %mul3A_186 = arith.constant 16 : i32
        %mul3A_187 = vector.broadcast %mul3A_186 : i32 to vector<16xi32>
        %mul3A_188 = arith.muli %iota3A, %mul3A_187 : vector<16xi32>
        %add3A_189 = vector.broadcast %mul3A_125 : i32 to vector<16xi32>
        %add3A_190 = arith.addi %add3A_189, %mul3A_188 : vector<16xi32>
        %add3A_191 = arith.constant 5 : i32
        %add3A_192 = vector.broadcast %add3A_191 : i32 to vector<16xi32>
        %add3A_193 = arith.addi %add3A_190, %add3A_192 : vector<16xi32>
        %gather3A_194 = tpu.vector_load_idx %arg9[%add3A_193] : memref<12800xf32, #tpu.memory_space<vmem>>[vector<16xi32>], vector<16xf32>,
        %gather3A_195 = tpu.vector_load_idx %arg8[%add3A_193] : memref<12800xf32, #tpu.memory_space<vmem>>[vector<16xi32>], vector<16xf32>,
        %mul3A_196 = arith.mulf %gather3A_194, %gather3A_195 : vector<16xf32>
        %add3A_197 = arith.addf %add3A_185, %mul3A_196 : vector<16xf32>
        %mul3A_198 = arith.constant 16 : i32
        %mul3A_199 = vector.broadcast %mul3A_198 : i32 to vector<16xi32>
        %mul3A_200 = arith.muli %iota3A, %mul3A_199 : vector<16xi32>
        %add3A_201 = vector.broadcast %mul3A_125 : i32 to vector<16xi32>
        %add3A_202 = arith.addi %add3A_201, %mul3A_200 : vector<16xi32>
        %add3A_203 = arith.constant 6 : i32
        %add3A_204 = vector.broadcast %add3A_203 : i32 to vector<16xi32>
        %add3A_205 = arith.addi %add3A_202, %add3A_204 : vector<16xi32>
        %gather3A_206 = tpu.vector_load_idx %arg9[%add3A_205] : memref<12800xf32, #tpu.memory_space<vmem>>[vector<16xi32>], vector<16xf32>,
        %gather3A_207 = tpu.vector_load_idx %arg8[%add3A_205] : memref<12800xf32, #tpu.memory_space<vmem>>[vector<16xi32>], vector<16xf32>,
        %mul3A_208 = arith.mulf %gather3A_206, %gather3A_207 : vector<16xf32>
        %add3A_209 = arith.addf %add3A_197, %mul3A_208 : vector<16xf32>
        %mul3A_210 = arith.constant 16 : i32
        %mul3A_211 = vector.broadcast %mul3A_210 : i32 to vector<16xi32>
        %mul3A_212 = arith.muli %iota3A, %mul3A_211 : vector<16xi32>
        %add3A_213 = vector.broadcast %mul3A_125 : i32 to vector<16xi32>
        %add3A_214 = arith.addi %add3A_213, %mul3A_212 : vector<16xi32>
        %add3A_215 = arith.constant 7 : i32
        %add3A_216 = vector.broadcast %add3A_215 : i32 to vector<16xi32>
        %add3A_217 = arith.addi %add3A_214, %add3A_216 : vector<16xi32>
        %gather3A_218 = tpu.vector_load_idx %arg9[%add3A_217] : memref<12800xf32, #tpu.memory_space<vmem>>[vector<16xi32>], vector<16xf32>,
        %gather3A_219 = tpu.vector_load_idx %arg8[%add3A_217] : memref<12800xf32, #tpu.memory_space<vmem>>[vector<16xi32>], vector<16xf32>,
        %mul3A_220 = arith.mulf %gather3A_218, %gather3A_219 : vector<16xf32>
        %add3A_221 = arith.addf %add3A_209, %mul3A_220 : vector<16xf32>
        %mul3A_222 = arith.constant 16 : i32
        %mul3A_223 = vector.broadcast %mul3A_222 : i32 to vector<16xi32>
        %mul3A_224 = arith.muli %iota3A, %mul3A_223 : vector<16xi32>
        %add3A_225 = vector.broadcast %mul3A_125 : i32 to vector<16xi32>
        %add3A_226 = arith.addi %add3A_225, %mul3A_224 : vector<16xi32>
        %add3A_227 = arith.constant 8 : i32
        %add3A_228 = vector.broadcast %add3A_227 : i32 to vector<16xi32>
        %add3A_229 = arith.addi %add3A_226, %add3A_228 : vector<16xi32>
        %gather3A_230 = tpu.vector_load_idx %arg9[%add3A_229] : memref<12800xf32, #tpu.memory_space<vmem>>[vector<16xi32>], vector<16xf32>,
        %gather3A_231 = tpu.vector_load_idx %arg8[%add3A_229] : memref<12800xf32, #tpu.memory_space<vmem>>[vector<16xi32>], vector<16xf32>,
        %mul3A_232 = arith.mulf %gather3A_230, %gather3A_231 : vector<16xf32>
        %add3A_233 = arith.addf %add3A_221, %mul3A_232 : vector<16xf32>
        %mul3A_234 = arith.constant 16 : i32
        %mul3A_235 = vector.broadcast %mul3A_234 : i32 to vector<16xi32>
        %mul3A_236 = arith.muli %iota3A, %mul3A_235 : vector<16xi32>
        %add3A_237 = vector.broadcast %mul3A_125 : i32 to vector<16xi32>
        %add3A_238 = arith.addi %add3A_237, %mul3A_236 : vector<16xi32>
        %add3A_239 = arith.constant 9 : i32
        %add3A_240 = vector.broadcast %add3A_239 : i32 to vector<16xi32>
        %add3A_241 = arith.addi %add3A_238, %add3A_240 : vector<16xi32>
        %gather3A_242 = tpu.vector_load_idx %arg9[%add3A_241] : memref<12800xf32, #tpu.memory_space<vmem>>[vector<16xi32>], vector<16xf32>,
        %gather3A_243 = tpu.vector_load_idx %arg8[%add3A_241] : memref<12800xf32, #tpu.memory_space<vmem>>[vector<16xi32>], vector<16xf32>,
        %mul3A_244 = arith.mulf %gather3A_242, %gather3A_243 : vector<16xf32>
        %add3A_245 = arith.addf %add3A_233, %mul3A_244 : vector<16xf32>
        %mul3A_246 = arith.constant 16 : i32
        %mul3A_247 = vector.broadcast %mul3A_246 : i32 to vector<16xi32>
        %mul3A_248 = arith.muli %iota3A, %mul3A_247 : vector<16xi32>
        %add3A_249 = vector.broadcast %mul3A_125 : i32 to vector<16xi32>
        %add3A_250 = arith.addi %add3A_249, %mul3A_248 : vector<16xi32>
        %add3A_251 = arith.constant 10 : i32
        %add3A_252 = vector.broadcast %add3A_251 : i32 to vector<16xi32>
        %add3A_253 = arith.addi %add3A_250, %add3A_252 : vector<16xi32>
        %gather3A_254 = tpu.vector_load_idx %arg9[%add3A_253] : memref<12800xf32, #tpu.memory_space<vmem>>[vector<16xi32>], vector<16xf32>,
        %gather3A_255 = tpu.vector_load_idx %arg8[%add3A_253] : memref<12800xf32, #tpu.memory_space<vmem>>[vector<16xi32>], vector<16xf32>,
        %mul3A_256 = arith.mulf %gather3A_254, %gather3A_255 : vector<16xf32>
        %add3A_257 = arith.addf %add3A_245, %mul3A_256 : vector<16xf32>
        %mul3A_258 = arith.constant 16 : i32
        %mul3A_259 = vector.broadcast %mul3A_258 : i32 to vector<16xi32>
        %mul3A_260 = arith.muli %iota3A, %mul3A_259 : vector<16xi32>
        %add3A_261 = vector.broadcast %mul3A_125 : i32 to vector<16xi32>
        %add3A_262 = arith.addi %add3A_261, %mul3A_260 : vector<16xi32>
        %add3A_263 = arith.constant 11 : i32
        %add3A_264 = vector.broadcast %add3A_263 : i32 to vector<16xi32>
        %add3A_265 = arith.addi %add3A_262, %add3A_264 : vector<16xi32>
        %gather3A_266 = tpu.vector_load_idx %arg9[%add3A_265] : memref<12800xf32, #tpu.memory_space<vmem>>[vector<16xi32>], vector<16xf32>,
        %gather3A_267 = tpu.vector_load_idx %arg8[%add3A_265] : memref<12800xf32, #tpu.memory_space<vmem>>[vector<16xi32>], vector<16xf32>,
        %mul3A_268 = arith.mulf %gather3A_266, %gather3A_267 : vector<16xf32>
        %add3A_269 = arith.addf %add3A_257, %mul3A_268 : vector<16xf32>
        %mul3A_270 = arith.constant 16 : i32
        %mul3A_271 = vector.broadcast %mul3A_270 : i32 to vector<16xi32>
        %mul3A_272 = arith.muli %iota3A, %mul3A_271 : vector<16xi32>
        %add3A_273 = vector.broadcast %mul3A_125 : i32 to vector<16xi32>
        %add3A_274 = arith.addi %add3A_273, %mul3A_272 : vector<16xi32>
        %add3A_275 = arith.constant 12 : i32
        %add3A_276 = vector.broadcast %add3A_275 : i32 to vector<16xi32>
        %add3A_277 = arith.addi %add3A_274, %add3A_276 : vector<16xi32>
        %gather3A_278 = tpu.vector_load_idx %arg9[%add3A_277] : memref<12800xf32, #tpu.memory_space<vmem>>[vector<16xi32>], vector<16xf32>,
        %gather3A_279 = tpu.vector_load_idx %arg8[%add3A_277] : memref<12800xf32, #tpu.memory_space<vmem>>[vector<16xi32>], vector<16xf32>,
        %mul3A_280 = arith.mulf %gather3A_278, %gather3A_279 : vector<16xf32>
        %add3A_281 = arith.addf %add3A_269, %mul3A_280 : vector<16xf32>
        %mul3A_282 = arith.constant 16 : i32
        %mul3A_283 = vector.broadcast %mul3A_282 : i32 to vector<16xi32>
        %mul3A_284 = arith.muli %iota3A, %mul3A_283 : vector<16xi32>
        %add3A_285 = vector.broadcast %mul3A_125 : i32 to vector<16xi32>
        %add3A_286 = arith.addi %add3A_285, %mul3A_284 : vector<16xi32>
        %add3A_287 = arith.constant 13 : i32
        %add3A_288 = vector.broadcast %add3A_287 : i32 to vector<16xi32>
        %add3A_289 = arith.addi %add3A_286, %add3A_288 : vector<16xi32>
        %gather3A_290 = tpu.vector_load_idx %arg9[%add3A_289] : memref<12800xf32, #tpu.memory_space<vmem>>[vector<16xi32>], vector<16xf32>,
        %gather3A_291 = tpu.vector_load_idx %arg8[%add3A_289] : memref<12800xf32, #tpu.memory_space<vmem>>[vector<16xi32>], vector<16xf32>,
        %mul3A_292 = arith.mulf %gather3A_290, %gather3A_291 : vector<16xf32>
        %add3A_293 = arith.addf %add3A_281, %mul3A_292 : vector<16xf32>
        %mul3A_294 = arith.constant 16 : i32
        %mul3A_295 = vector.broadcast %mul3A_294 : i32 to vector<16xi32>
        %mul3A_296 = arith.muli %iota3A, %mul3A_295 : vector<16xi32>
        %add3A_297 = vector.broadcast %mul3A_125 : i32 to vector<16xi32>
        %add3A_298 = arith.addi %add3A_297, %mul3A_296 : vector<16xi32>
        %add3A_299 = arith.constant 14 : i32
        %add3A_300 = vector.broadcast %add3A_299 : i32 to vector<16xi32>
        %add3A_301 = arith.addi %add3A_298, %add3A_300 : vector<16xi32>
        %gather3A_302 = tpu.vector_load_idx %arg9[%add3A_301] : memref<12800xf32, #tpu.memory_space<vmem>>[vector<16xi32>], vector<16xf32>,
        %gather3A_303 = tpu.vector_load_idx %arg8[%add3A_301] : memref<12800xf32, #tpu.memory_space<vmem>>[vector<16xi32>], vector<16xf32>,
        %mul3A_304 = arith.mulf %gather3A_302, %gather3A_303 : vector<16xf32>
        %add3A_305 = arith.addf %add3A_293, %mul3A_304 : vector<16xf32>
        %mul3A_306 = arith.constant 16 : i32
        %mul3A_307 = vector.broadcast %mul3A_306 : i32 to vector<16xi32>
        %mul3A_308 = arith.muli %iota3A, %mul3A_307 : vector<16xi32>
        %add3A_309 = vector.broadcast %mul3A_125 : i32 to vector<16xi32>
        %add3A_310 = arith.addi %add3A_309, %mul3A_308 : vector<16xi32>
        %add3A_311 = arith.constant 15 : i32
        %add3A_312 = vector.broadcast %add3A_311 : i32 to vector<16xi32>
        %add3A_313 = arith.addi %add3A_310, %add3A_312 : vector<16xi32>
        %gather3A_314 = tpu.vector_load_idx %arg9[%add3A_313] : memref<12800xf32, #tpu.memory_space<vmem>>[vector<16xi32>], vector<16xf32>,
        %gather3A_315 = tpu.vector_load_idx %arg8[%add3A_313] : memref<12800xf32, #tpu.memory_space<vmem>>[vector<16xi32>], vector<16xf32>,
        %mul3A_316 = arith.mulf %gather3A_314, %gather3A_315 : vector<16xf32>
        %add3A_317 = arith.addf %add3A_305, %mul3A_316 : vector<16xf32>
        %mul3A_318 = arith.constant 16 : i32
        %mul3A_319 = arith.muli %scan3A_122, %mul3A_318 : i32
        %multiple_of3A_320 = tpu.assume_multiple %mul3A_319, 16 : i32
        %get3A = arith.index_cast %multiple_of3A_320 : i32 to index
        %get3A_321 = tpu.vector_load %arg10[%get3A] {strides = array<i32>} : memref<800xf32, #tpu.memory_space<vmem>>, vector<16xf32>,
        %sub3A = arith.subf %add3A_317, %get3A_321 : vector<16xf32>
        %swap3A = arith.index_cast %multiple_of3A_320 : i32 to index
        %swap3A_322 = tpu.vector_load %arg11[%swap3A] {strides = array<i32>} : memref<800xf32, #tpu.memory_space<vmem>>, vector<16xf32>,
        tpu.vector_store %arg11[%swap3A], %sub3A {strides = array<i32>} : memref<800xf32, #tpu.memory_space<vmem>>, vector<16xf32>,
        %scan3A_323 = arith.constant 0 : i32
        scf.yield %scan3A_323 : i32
      }
      %scan3A_100 = arith.constant 50 : i32
      %min3A_101 = arith.constant 124 : i32
      %min3A_102 = arith.minsi %add3A_79, %min3A_101 : i32
      %mul3A_103 = arith.constant 800 : i32
      %mul3A_104 = arith.muli %min3A_102, %mul3A_103 : i32
      %multiple_of3A_105 = tpu.assume_multiple %mul3A_104, 800 : i32
      %mul3A_106 = arith.constant 12800 : i32
      %mul3A_107 = arith.muli %min3A_102, %mul3A_106 : i32
      %multiple_of3A_108 = tpu.assume_multiple %mul3A_107, 12800 : i32
      %dma_start3A_109 = tpu.memref_slice %arg6[%multiple_of3A_105] : memref<100000xf32, #tpu.memory_space<hbm>> -> memref<800xf32, #tpu.memory_space<hbm>>
      %dma_start3A_110 = tpu.memref_slice %arg6[%multiple_of3A_105] : memref<100000xf32, #tpu.memory_space<hbm>> -> memref<800xf32, #tpu.memory_space<hbm>>
      tpu.enqueue_dma source(%arg11 : memref<800xf32, #tpu.memory_space<vmem>>) target(%dma_start3A_110 : memref<800xf32, #tpu.memory_space<hbm>>) target_semaphore(%arg21 : memref<!tpu.dma_semaphore, #tpu.memory_space<semaphore_mem>>)
      %lt3A_111 = arith.constant 125 : i32
      %lt3A_112 = arith.cmpi slt, %add3A_83, %lt3A_111 : i32
      %convert_element_type3A_113 = arith.extui %lt3A_112 : i1 to i32
      %cond3A_114 = arith.constant 0 : i32
      %cond3A_115 = arith.cmpi ne, %convert_element_type3A_113, %cond3A_114 : i32
      scf.if %cond3A_115 {
        %min3A_122 = arith.constant 124 : i32
        %min3A_123 = arith.minsi %add3A_83, %min3A_122 : i32
        %mul3A_124 = arith.constant 800 : i32
        %mul3A_125 = arith.muli %min3A_123, %mul3A_124 : i32
        %multiple_of3A_126 = tpu.assume_multiple %mul3A_125, 800 : i32
        %mul3A_127 = arith.constant 12800 : i32
        %mul3A_128 = arith.muli %min3A_123, %mul3A_127 : i32
        %multiple_of3A_129 = tpu.assume_multiple %mul3A_128, 12800 : i32
        %dma_start3A_130 = tpu.memref_slice %arg3[%multiple_of3A_129] : memref<1600000xi32, #tpu.memory_space<hbm>> -> memref<12800xi32, #tpu.memory_space<hbm>>
        %dma_start3A_131 = tpu.memref_slice %arg3[%multiple_of3A_129] : memref<1600000xi32, #tpu.memory_space<hbm>> -> memref<12800xi32, #tpu.memory_space<hbm>>
        tpu.enqueue_dma source(%dma_start3A_131 : memref<12800xi32, #tpu.memory_space<hbm>>) target(%arg7 : memref<12800xi32, #tpu.memory_space<vmem>>) target_semaphore(%arg17 : memref<!tpu.dma_semaphore, #tpu.memory_space<semaphore_mem>>)
        %dma_start3A_132 = tpu.memref_slice %arg4[%multiple_of3A_129] : memref<1600000xf32, #tpu.memory_space<hbm>> -> memref<12800xf32, #tpu.memory_space<hbm>>
        %dma_start3A_133 = tpu.memref_slice %arg4[%multiple_of3A_129] : memref<1600000xf32, #tpu.memory_space<hbm>> -> memref<12800xf32, #tpu.memory_space<hbm>>
        tpu.enqueue_dma source(%dma_start3A_133 : memref<12800xf32, #tpu.memory_space<hbm>>) target(%arg8 : memref<12800xf32, #tpu.memory_space<vmem>>) target_semaphore(%arg17 : memref<!tpu.dma_semaphore, #tpu.memory_space<semaphore_mem>>)
        %dma_start3A_134 = tpu.memref_slice %arg5[%multiple_of3A_126] : memref<100000xf32, #tpu.memory_space<hbm>> -> memref<800xf32, #tpu.memory_space<hbm>>
        %dma_start3A_135 = tpu.memref_slice %arg5[%multiple_of3A_126] : memref<100000xf32, #tpu.memory_space<hbm>> -> memref<800xf32, #tpu.memory_space<hbm>>
        tpu.enqueue_dma source(%dma_start3A_135 : memref<800xf32, #tpu.memory_space<hbm>>) target(%arg10 : memref<800xf32, #tpu.memory_space<vmem>>) target_semaphore(%arg17 : memref<!tpu.dma_semaphore, #tpu.memory_space<semaphore_mem>>)
      } else {
      }
      %lt3A_116 = arith.constant 125 : i32
      %lt3A_117 = arith.cmpi slt, %add3A_81, %lt3A_116 : i32
      %convert_element_type3A_118 = arith.extui %lt3A_117 : i1 to i32
      %cond3A_119 = arith.constant 0 : i32
      %cond3A_120 = arith.cmpi ne, %convert_element_type3A_118, %cond3A_119 : i32
      scf.if %cond3A_120 {
        %dma_wait3A_122 = arith.constant 0 : i32
        %dma_wait3A_123 = tpu.memref_slice %arg2[%dma_wait3A_122] : memref<800000xf32, #tpu.memory_space<hbm>> -> memref<800000xf32, #tpu.memory_space<hbm>>
        tpu.wait_indirect_dma semaphore(%arg20 : memref<!tpu.dma_semaphore, #tpu.memory_space<semaphore_mem>>) src(%dma_wait3A_123 : memref<800000xf32, #tpu.memory_space<hbm>>) dst(%arg14 : memref<12800xf32, #tpu.memory_space<vmem>>)
        %gt3A_124 = arith.constant 0 : i32
        %gt3A_125 = arith.cmpi sgt, %scan3A_73, %gt3A_124 : i32
        %convert_element_type3A_126 = arith.extui %gt3A_125 : i1 to i32
        %cond3A_127 = arith.constant 0 : i32
        %cond3A_128 = arith.cmpi ne, %convert_element_type3A_126, %cond3A_127 : i32
        scf.if %cond3A_128 {
          %sub3A = arith.constant 64 : i32
          %sub3A_157 = arith.subi %add3A_81, %sub3A : i32
          %min3A_158 = arith.constant 124 : i32
          %min3A_159 = arith.minsi %sub3A_157, %min3A_158 : i32
          %mul3A_160 = arith.constant 800 : i32
          %mul3A_161 = arith.muli %min3A_159, %mul3A_160 : i32
          %multiple_of3A_162 = tpu.assume_multiple %mul3A_161, 800 : i32
          %mul3A_163 = arith.constant 12800 : i32
          %mul3A_164 = arith.muli %min3A_159, %mul3A_163 : i32
          %multiple_of3A_165 = tpu.assume_multiple %mul3A_164, 12800 : i32
          %dma_wait3A_166 = tpu.memref_slice %arg6[%multiple_of3A_162] : memref<100000xf32, #tpu.memory_space<hbm>> -> memref<800xf32, #tpu.memory_space<hbm>>
          %dma_wait3A_167 = tpu.memref_slice %arg6[%multiple_of3A_162] : memref<100000xf32, #tpu.memory_space<hbm>> -> memref<800xf32, #tpu.memory_space<hbm>>
          tpu.wait_dma2 semaphore(%arg22 : memref<!tpu.dma_semaphore, #tpu.memory_space<semaphore_mem>>) src(%arg16 : memref<800xf32, #tpu.memory_space<vmem>>) dst(%dma_wait3A_167 : memref<800xf32, #tpu.memory_space<hbm>>)
        } else {
        }
        %iota3A_129 = tpu.iota {dimensions = array<i32: 0>} : vector<16xi32>
        %scan3A_130 = arith.constant 0 : i32
        %scan3A_131 = arith.constant 0 : i32
        %scan3A_132 = arith.constant 50 : i32
        %scan3A_133 = arith.addi %scan3A_131, %scan3A_132 : i32
        %scan3A_134 = arith.constant 1 : i32
        %scan3A_135 = scf.for %scan3A_157 = %scan3A_131 to %scan3A_133 step %scan3A_134 iter_args(%scan3A_158 = %scan3A_130) -> (i32)  : i32 {
          %mul3A_159 = arith.constant 256 : i32
          %mul3A_160 = arith.muli %scan3A_157, %mul3A_159 : i32
          %broadcast_in_dim3A = arith.constant 0.000000e+00 : f32
          %broadcast_in_dim3A_161 = vector.broadcast %broadcast_in_dim3A : f32 to vector<16xf32>
          %mul3A_162 = arith.constant 16 : i32
          %mul3A_163 = vector.broadcast %mul3A_162 : i32 to vector<16xi32>
          %mul3A_164 = arith.muli %iota3A_129, %mul3A_163 : vector<16xi32>
          %add3A_165 = vector.broadcast %mul3A_160 : i32 to vector<16xi32>
          %add3A_166 = arith.addi %add3A_165, %mul3A_164 : vector<16xi32>
          %add3A_167 = arith.constant 0 : i32
          %add3A_168 = vector.broadcast %add3A_167 : i32 to vector<16xi32>
          %add3A_169 = arith.addi %add3A_166, %add3A_168 : vector<16xi32>
          %gather3A = tpu.vector_load_idx %arg14[%add3A_169] : memref<12800xf32, #tpu.memory_space<vmem>>[vector<16xi32>], vector<16xf32>,
          %gather3A_170 = tpu.vector_load_idx %arg13[%add3A_169] : memref<12800xf32, #tpu.memory_space<vmem>>[vector<16xi32>], vector<16xf32>,
          %mul3A_171 = arith.mulf %gather3A, %gather3A_170 : vector<16xf32>
          %add3A_172 = arith.addf %broadcast_in_dim3A_161, %mul3A_171 : vector<16xf32>
          %mul3A_173 = arith.constant 16 : i32
          %mul3A_174 = vector.broadcast %mul3A_173 : i32 to vector<16xi32>
          %mul3A_175 = arith.muli %iota3A_129, %mul3A_174 : vector<16xi32>
          %add3A_176 = vector.broadcast %mul3A_160 : i32 to vector<16xi32>
          %add3A_177 = arith.addi %add3A_176, %mul3A_175 : vector<16xi32>
          %add3A_178 = arith.constant 1 : i32
          %add3A_179 = vector.broadcast %add3A_178 : i32 to vector<16xi32>
          %add3A_180 = arith.addi %add3A_177, %add3A_179 : vector<16xi32>
          %gather3A_181 = tpu.vector_load_idx %arg14[%add3A_180] : memref<12800xf32, #tpu.memory_space<vmem>>[vector<16xi32>], vector<16xf32>,
          %gather3A_182 = tpu.vector_load_idx %arg13[%add3A_180] : memref<12800xf32, #tpu.memory_space<vmem>>[vector<16xi32>], vector<16xf32>,
          %mul3A_183 = arith.mulf %gather3A_181, %gather3A_182 : vector<16xf32>
          %add3A_184 = arith.addf %add3A_172, %mul3A_183 : vector<16xf32>
          %mul3A_185 = arith.constant 16 : i32
          %mul3A_186 = vector.broadcast %mul3A_185 : i32 to vector<16xi32>
          %mul3A_187 = arith.muli %iota3A_129, %mul3A_186 : vector<16xi32>
          %add3A_188 = vector.broadcast %mul3A_160 : i32 to vector<16xi32>
          %add3A_189 = arith.addi %add3A_188, %mul3A_187 : vector<16xi32>
          %add3A_190 = arith.constant 2 : i32
          %add3A_191 = vector.broadcast %add3A_190 : i32 to vector<16xi32>
          %add3A_192 = arith.addi %add3A_189, %add3A_191 : vector<16xi32>
          %gather3A_193 = tpu.vector_load_idx %arg14[%add3A_192] : memref<12800xf32, #tpu.memory_space<vmem>>[vector<16xi32>], vector<16xf32>,
          %gather3A_194 = tpu.vector_load_idx %arg13[%add3A_192] : memref<12800xf32, #tpu.memory_space<vmem>>[vector<16xi32>], vector<16xf32>,
          %mul3A_195 = arith.mulf %gather3A_193, %gather3A_194 : vector<16xf32>
          %add3A_196 = arith.addf %add3A_184, %mul3A_195 : vector<16xf32>
          %mul3A_197 = arith.constant 16 : i32
          %mul3A_198 = vector.broadcast %mul3A_197 : i32 to vector<16xi32>
          %mul3A_199 = arith.muli %iota3A_129, %mul3A_198 : vector<16xi32>
          %add3A_200 = vector.broadcast %mul3A_160 : i32 to vector<16xi32>
          %add3A_201 = arith.addi %add3A_200, %mul3A_199 : vector<16xi32>
          %add3A_202 = arith.constant 3 : i32
          %add3A_203 = vector.broadcast %add3A_202 : i32 to vector<16xi32>
          %add3A_204 = arith.addi %add3A_201, %add3A_203 : vector<16xi32>
          %gather3A_205 = tpu.vector_load_idx %arg14[%add3A_204] : memref<12800xf32, #tpu.memory_space<vmem>>[vector<16xi32>], vector<16xf32>,
          %gather3A_206 = tpu.vector_load_idx %arg13[%add3A_204] : memref<12800xf32, #tpu.memory_space<vmem>>[vector<16xi32>], vector<16xf32>,
          %mul3A_207 = arith.mulf %gather3A_205, %gather3A_206 : vector<16xf32>
          %add3A_208 = arith.addf %add3A_196, %mul3A_207 : vector<16xf32>
          %mul3A_209 = arith.constant 16 : i32
          %mul3A_210 = vector.broadcast %mul3A_209 : i32 to vector<16xi32>
          %mul3A_211 = arith.muli %iota3A_129, %mul3A_210 : vector<16xi32>
          %add3A_212 = vector.broadcast %mul3A_160 : i32 to vector<16xi32>
          %add3A_213 = arith.addi %add3A_212, %mul3A_211 : vector<16xi32>
          %add3A_214 = arith.constant 4 : i32
          %add3A_215 = vector.broadcast %add3A_214 : i32 to vector<16xi32>
          %add3A_216 = arith.addi %add3A_213, %add3A_215 : vector<16xi32>
          %gather3A_217 = tpu.vector_load_idx %arg14[%add3A_216] : memref<12800xf32, #tpu.memory_space<vmem>>[vector<16xi32>], vector<16xf32>,
          %gather3A_218 = tpu.vector_load_idx %arg13[%add3A_216] : memref<12800xf32, #tpu.memory_space<vmem>>[vector<16xi32>], vector<16xf32>,
          %mul3A_219 = arith.mulf %gather3A_217, %gather3A_218 : vector<16xf32>
          %add3A_220 = arith.addf %add3A_208, %mul3A_219 : vector<16xf32>
          %mul3A_221 = arith.constant 16 : i32
          %mul3A_222 = vector.broadcast %mul3A_221 : i32 to vector<16xi32>
          %mul3A_223 = arith.muli %iota3A_129, %mul3A_222 : vector<16xi32>
          %add3A_224 = vector.broadcast %mul3A_160 : i32 to vector<16xi32>
          %add3A_225 = arith.addi %add3A_224, %mul3A_223 : vector<16xi32>
          %add3A_226 = arith.constant 5 : i32
          %add3A_227 = vector.broadcast %add3A_226 : i32 to vector<16xi32>
          %add3A_228 = arith.addi %add3A_225, %add3A_227 : vector<16xi32>
          %gather3A_229 = tpu.vector_load_idx %arg14[%add3A_228] : memref<12800xf32, #tpu.memory_space<vmem>>[vector<16xi32>], vector<16xf32>,
          %gather3A_230 = tpu.vector_load_idx %arg13[%add3A_228] : memref<12800xf32, #tpu.memory_space<vmem>>[vector<16xi32>], vector<16xf32>,
          %mul3A_231 = arith.mulf %gather3A_229, %gather3A_230 : vector<16xf32>
          %add3A_232 = arith.addf %add3A_220, %mul3A_231 : vector<16xf32>
          %mul3A_233 = arith.constant 16 : i32
          %mul3A_234 = vector.broadcast %mul3A_233 : i32 to vector<16xi32>
          %mul3A_235 = arith.muli %iota3A_129, %mul3A_234 : vector<16xi32>
          %add3A_236 = vector.broadcast %mul3A_160 : i32 to vector<16xi32>
          %add3A_237 = arith.addi %add3A_236, %mul3A_235 : vector<16xi32>
          %add3A_238 = arith.constant 6 : i32
          %add3A_239 = vector.broadcast %add3A_238 : i32 to vector<16xi32>
          %add3A_240 = arith.addi %add3A_237, %add3A_239 : vector<16xi32>
          %gather3A_241 = tpu.vector_load_idx %arg14[%add3A_240] : memref<12800xf32, #tpu.memory_space<vmem>>[vector<16xi32>], vector<16xf32>,
          %gather3A_242 = tpu.vector_load_idx %arg13[%add3A_240] : memref<12800xf32, #tpu.memory_space<vmem>>[vector<16xi32>], vector<16xf32>,
          %mul3A_243 = arith.mulf %gather3A_241, %gather3A_242 : vector<16xf32>
          %add3A_244 = arith.addf %add3A_232, %mul3A_243 : vector<16xf32>
          %mul3A_245 = arith.constant 16 : i32
          %mul3A_246 = vector.broadcast %mul3A_245 : i32 to vector<16xi32>
          %mul3A_247 = arith.muli %iota3A_129, %mul3A_246 : vector<16xi32>
          %add3A_248 = vector.broadcast %mul3A_160 : i32 to vector<16xi32>
          %add3A_249 = arith.addi %add3A_248, %mul3A_247 : vector<16xi32>
          %add3A_250 = arith.constant 7 : i32
          %add3A_251 = vector.broadcast %add3A_250 : i32 to vector<16xi32>
          %add3A_252 = arith.addi %add3A_249, %add3A_251 : vector<16xi32>
          %gather3A_253 = tpu.vector_load_idx %arg14[%add3A_252] : memref<12800xf32, #tpu.memory_space<vmem>>[vector<16xi32>], vector<16xf32>,
          %gather3A_254 = tpu.vector_load_idx %arg13[%add3A_252] : memref<12800xf32, #tpu.memory_space<vmem>>[vector<16xi32>], vector<16xf32>,
          %mul3A_255 = arith.mulf %gather3A_253, %gather3A_254 : vector<16xf32>
          %add3A_256 = arith.addf %add3A_244, %mul3A_255 : vector<16xf32>
          %mul3A_257 = arith.constant 16 : i32
          %mul3A_258 = vector.broadcast %mul3A_257 : i32 to vector<16xi32>
          %mul3A_259 = arith.muli %iota3A_129, %mul3A_258 : vector<16xi32>
          %add3A_260 = vector.broadcast %mul3A_160 : i32 to vector<16xi32>
          %add3A_261 = arith.addi %add3A_260, %mul3A_259 : vector<16xi32>
          %add3A_262 = arith.constant 8 : i32
          %add3A_263 = vector.broadcast %add3A_262 : i32 to vector<16xi32>
          %add3A_264 = arith.addi %add3A_261, %add3A_263 : vector<16xi32>
          %gather3A_265 = tpu.vector_load_idx %arg14[%add3A_264] : memref<12800xf32, #tpu.memory_space<vmem>>[vector<16xi32>], vector<16xf32>,
          %gather3A_266 = tpu.vector_load_idx %arg13[%add3A_264] : memref<12800xf32, #tpu.memory_space<vmem>>[vector<16xi32>], vector<16xf32>,
          %mul3A_267 = arith.mulf %gather3A_265, %gather3A_266 : vector<16xf32>
          %add3A_268 = arith.addf %add3A_256, %mul3A_267 : vector<16xf32>
          %mul3A_269 = arith.constant 16 : i32
          %mul3A_270 = vector.broadcast %mul3A_269 : i32 to vector<16xi32>
          %mul3A_271 = arith.muli %iota3A_129, %mul3A_270 : vector<16xi32>
          %add3A_272 = vector.broadcast %mul3A_160 : i32 to vector<16xi32>
          %add3A_273 = arith.addi %add3A_272, %mul3A_271 : vector<16xi32>
          %add3A_274 = arith.constant 9 : i32
          %add3A_275 = vector.broadcast %add3A_274 : i32 to vector<16xi32>
          %add3A_276 = arith.addi %add3A_273, %add3A_275 : vector<16xi32>
          %gather3A_277 = tpu.vector_load_idx %arg14[%add3A_276] : memref<12800xf32, #tpu.memory_space<vmem>>[vector<16xi32>], vector<16xf32>,
          %gather3A_278 = tpu.vector_load_idx %arg13[%add3A_276] : memref<12800xf32, #tpu.memory_space<vmem>>[vector<16xi32>], vector<16xf32>,
          %mul3A_279 = arith.mulf %gather3A_277, %gather3A_278 : vector<16xf32>
          %add3A_280 = arith.addf %add3A_268, %mul3A_279 : vector<16xf32>
          %mul3A_281 = arith.constant 16 : i32
          %mul3A_282 = vector.broadcast %mul3A_281 : i32 to vector<16xi32>
          %mul3A_283 = arith.muli %iota3A_129, %mul3A_282 : vector<16xi32>
          %add3A_284 = vector.broadcast %mul3A_160 : i32 to vector<16xi32>
          %add3A_285 = arith.addi %add3A_284, %mul3A_283 : vector<16xi32>
          %add3A_286 = arith.constant 10 : i32
          %add3A_287 = vector.broadcast %add3A_286 : i32 to vector<16xi32>
          %add3A_288 = arith.addi %add3A_285, %add3A_287 : vector<16xi32>
          %gather3A_289 = tpu.vector_load_idx %arg14[%add3A_288] : memref<12800xf32, #tpu.memory_space<vmem>>[vector<16xi32>], vector<16xf32>,
          %gather3A_290 = tpu.vector_load_idx %arg13[%add3A_288] : memref<12800xf32, #tpu.memory_space<vmem>>[vector<16xi32>], vector<16xf32>,
          %mul3A_291 = arith.mulf %gather3A_289, %gather3A_290 : vector<16xf32>
          %add3A_292 = arith.addf %add3A_280, %mul3A_291 : vector<16xf32>
          %mul3A_293 = arith.constant 16 : i32
          %mul3A_294 = vector.broadcast %mul3A_293 : i32 to vector<16xi32>
          %mul3A_295 = arith.muli %iota3A_129, %mul3A_294 : vector<16xi32>
          %add3A_296 = vector.broadcast %mul3A_160 : i32 to vector<16xi32>
          %add3A_297 = arith.addi %add3A_296, %mul3A_295 : vector<16xi32>
          %add3A_298 = arith.constant 11 : i32
          %add3A_299 = vector.broadcast %add3A_298 : i32 to vector<16xi32>
          %add3A_300 = arith.addi %add3A_297, %add3A_299 : vector<16xi32>
          %gather3A_301 = tpu.vector_load_idx %arg14[%add3A_300] : memref<12800xf32, #tpu.memory_space<vmem>>[vector<16xi32>], vector<16xf32>,
          %gather3A_302 = tpu.vector_load_idx %arg13[%add3A_300] : memref<12800xf32, #tpu.memory_space<vmem>>[vector<16xi32>], vector<16xf32>,
          %mul3A_303 = arith.mulf %gather3A_301, %gather3A_302 : vector<16xf32>
          %add3A_304 = arith.addf %add3A_292, %mul3A_303 : vector<16xf32>
          %mul3A_305 = arith.constant 16 : i32
          %mul3A_306 = vector.broadcast %mul3A_305 : i32 to vector<16xi32>
          %mul3A_307 = arith.muli %iota3A_129, %mul3A_306 : vector<16xi32>
          %add3A_308 = vector.broadcast %mul3A_160 : i32 to vector<16xi32>
          %add3A_309 = arith.addi %add3A_308, %mul3A_307 : vector<16xi32>
          %add3A_310 = arith.constant 12 : i32
          %add3A_311 = vector.broadcast %add3A_310 : i32 to vector<16xi32>
          %add3A_312 = arith.addi %add3A_309, %add3A_311 : vector<16xi32>
          %gather3A_313 = tpu.vector_load_idx %arg14[%add3A_312] : memref<12800xf32, #tpu.memory_space<vmem>>[vector<16xi32>], vector<16xf32>,
          %gather3A_314 = tpu.vector_load_idx %arg13[%add3A_312] : memref<12800xf32, #tpu.memory_space<vmem>>[vector<16xi32>], vector<16xf32>,
          %mul3A_315 = arith.mulf %gather3A_313, %gather3A_314 : vector<16xf32>
          %add3A_316 = arith.addf %add3A_304, %mul3A_315 : vector<16xf32>
          %mul3A_317 = arith.constant 16 : i32
          %mul3A_318 = vector.broadcast %mul3A_317 : i32 to vector<16xi32>
          %mul3A_319 = arith.muli %iota3A_129, %mul3A_318 : vector<16xi32>
          %add3A_320 = vector.broadcast %mul3A_160 : i32 to vector<16xi32>
          %add3A_321 = arith.addi %add3A_320, %mul3A_319 : vector<16xi32>
          %add3A_322 = arith.constant 13 : i32
          %add3A_323 = vector.broadcast %add3A_322 : i32 to vector<16xi32>
          %add3A_324 = arith.addi %add3A_321, %add3A_323 : vector<16xi32>
          %gather3A_325 = tpu.vector_load_idx %arg14[%add3A_324] : memref<12800xf32, #tpu.memory_space<vmem>>[vector<16xi32>], vector<16xf32>,
          %gather3A_326 = tpu.vector_load_idx %arg13[%add3A_324] : memref<12800xf32, #tpu.memory_space<vmem>>[vector<16xi32>], vector<16xf32>,
          %mul3A_327 = arith.mulf %gather3A_325, %gather3A_326 : vector<16xf32>
          %add3A_328 = arith.addf %add3A_316, %mul3A_327 : vector<16xf32>
          %mul3A_329 = arith.constant 16 : i32
          %mul3A_330 = vector.broadcast %mul3A_329 : i32 to vector<16xi32>
          %mul3A_331 = arith.muli %iota3A_129, %mul3A_330 : vector<16xi32>
          %add3A_332 = vector.broadcast %mul3A_160 : i32 to vector<16xi32>
          %add3A_333 = arith.addi %add3A_332, %mul3A_331 : vector<16xi32>
          %add3A_334 = arith.constant 14 : i32
          %add3A_335 = vector.broadcast %add3A_334 : i32 to vector<16xi32>
          %add3A_336 = arith.addi %add3A_333, %add3A_335 : vector<16xi32>
          %gather3A_337 = tpu.vector_load_idx %arg14[%add3A_336] : memref<12800xf32, #tpu.memory_space<vmem>>[vector<16xi32>], vector<16xf32>,
          %gather3A_338 = tpu.vector_load_idx %arg13[%add3A_336] : memref<12800xf32, #tpu.memory_space<vmem>>[vector<16xi32>], vector<16xf32>,
          %mul3A_339 = arith.mulf %gather3A_337, %gather3A_338 : vector<16xf32>
          %add3A_340 = arith.addf %add3A_328, %mul3A_339 : vector<16xf32>
          %mul3A_341 = arith.constant 16 : i32
          %mul3A_342 = vector.broadcast %mul3A_341 : i32 to vector<16xi32>
          %mul3A_343 = arith.muli %iota3A_129, %mul3A_342 : vector<16xi32>
          %add3A_344 = vector.broadcast %mul3A_160 : i32 to vector<16xi32>
          %add3A_345 = arith.addi %add3A_344, %mul3A_343 : vector<16xi32>
          %add3A_346 = arith.constant 15 : i32
          %add3A_347 = vector.broadcast %add3A_346 : i32 to vector<16xi32>
          %add3A_348 = arith.addi %add3A_345, %add3A_347 : vector<16xi32>
          %gather3A_349 = tpu.vector_load_idx %arg14[%add3A_348] : memref<12800xf32, #tpu.memory_space<vmem>>[vector<16xi32>], vector<16xf32>,
          %gather3A_350 = tpu.vector_load_idx %arg13[%add3A_348] : memref<12800xf32, #tpu.memory_space<vmem>>[vector<16xi32>], vector<16xf32>,
          %mul3A_351 = arith.mulf %gather3A_349, %gather3A_350 : vector<16xf32>
          %add3A_352 = arith.addf %add3A_340, %mul3A_351 : vector<16xf32>
          %mul3A_353 = arith.constant 16 : i32
          %mul3A_354 = arith.muli %scan3A_157, %mul3A_353 : i32
          %multiple_of3A_355 = tpu.assume_multiple %mul3A_354, 16 : i32
          %get3A = arith.index_cast %multiple_of3A_355 : i32 to index
          %get3A_356 = tpu.vector_load %arg15[%get3A] {strides = array<i32>} : memref<800xf32, #tpu.memory_space<vmem>>, vector<16xf32>,
          %sub3A = arith.subf %add3A_352, %get3A_356 : vector<16xf32>
          %swap3A = arith.index_cast %multiple_of3A_355 : i32 to index
          %swap3A_357 = tpu.vector_load %arg16[%swap3A] {strides = array<i32>} : memref<800xf32, #tpu.memory_space<vmem>>, vector<16xf32>,
          tpu.vector_store %arg16[%swap3A], %sub3A {strides = array<i32>} : memref<800xf32, #tpu.memory_space<vmem>>, vector<16xf32>,
          %scan3A_358 = arith.constant 0 : i32
          scf.yield %scan3A_358 : i32
        }
        %scan3A_136 = arith.constant 50 : i32
        %min3A_137 = arith.constant 124 : i32
        %min3A_138 = arith.minsi %add3A_81, %min3A_137 : i32
        %mul3A_139 = arith.constant 800 : i32
        %mul3A_140 = arith.muli %min3A_138, %mul3A_139 : i32
        %multiple_of3A_141 = tpu.assume_multiple %mul3A_140, 800 : i32
        %mul3A_142 = arith.constant 12800 : i32
        %mul3A_143 = arith.muli %min3A_138, %mul3A_142 : i32
        %multiple_of3A_144 = tpu.assume_multiple %mul3A_143, 12800 : i32
        %dma_start3A_145 = tpu.memref_slice %arg6[%multiple_of3A_141] : memref<100000xf32, #tpu.memory_space<hbm>> -> memref<800xf32, #tpu.memory_space<hbm>>
        %dma_start3A_146 = tpu.memref_slice %arg6[%multiple_of3A_141] : memref<100000xf32, #tpu.memory_space<hbm>> -> memref<800xf32, #tpu.memory_space<hbm>>
        tpu.enqueue_dma source(%arg16 : memref<800xf32, #tpu.memory_space<vmem>>) target(%dma_start3A_146 : memref<800xf32, #tpu.memory_space<hbm>>) target_semaphore(%arg22 : memref<!tpu.dma_semaphore, #tpu.memory_space<semaphore_mem>>)
        %lt3A_147 = arith.constant 125 : i32
        %lt3A_148 = arith.cmpi slt, %add3A_83, %lt3A_147 : i32
        %convert_element_type3A_149 = arith.extui %lt3A_148 : i1 to i32
        %cond3A_150 = arith.constant 0 : i32
        %cond3A_151 = arith.cmpi ne, %convert_element_type3A_149, %cond3A_150 : i32
        scf.if %cond3A_151 {
          %min3A_157 = arith.constant 124 : i32
          %min3A_158 = arith.minsi %add3A_83, %min3A_157 : i32
          %mul3A_159 = arith.constant 800 : i32
          %mul3A_160 = arith.muli %min3A_158, %mul3A_159 : i32
          %multiple_of3A_161 = tpu.assume_multiple %mul3A_160, 800 : i32
          %mul3A_162 = arith.constant 12800 : i32
          %mul3A_163 = arith.muli %min3A_158, %mul3A_162 : i32
          %multiple_of3A_164 = tpu.assume_multiple %mul3A_163, 12800 : i32
          %dma_wait3A_165 = tpu.memref_slice %arg3[%multiple_of3A_164] : memref<1600000xi32, #tpu.memory_space<hbm>> -> memref<12800xi32, #tpu.memory_space<hbm>>
          %dma_wait3A_166 = tpu.memref_slice %arg3[%multiple_of3A_164] : memref<1600000xi32, #tpu.memory_space<hbm>> -> memref<12800xi32, #tpu.memory_space<hbm>>
          tpu.wait_dma2 semaphore(%arg17 : memref<!tpu.dma_semaphore, #tpu.memory_space<semaphore_mem>>) src(%dma_wait3A_166 : memref<12800xi32, #tpu.memory_space<hbm>>) dst(%arg7 : memref<12800xi32, #tpu.memory_space<vmem>>)
          %dma_wait3A_167 = tpu.memref_slice %arg4[%multiple_of3A_164] : memref<1600000xf32, #tpu.memory_space<hbm>> -> memref<12800xf32, #tpu.memory_space<hbm>>
          %dma_wait3A_168 = tpu.memref_slice %arg4[%multiple_of3A_164] : memref<1600000xf32, #tpu.memory_space<hbm>> -> memref<12800xf32, #tpu.memory_space<hbm>>
          tpu.wait_dma2 semaphore(%arg17 : memref<!tpu.dma_semaphore, #tpu.memory_space<semaphore_mem>>) src(%dma_wait3A_168 : memref<12800xf32, #tpu.memory_space<hbm>>) dst(%arg8 : memref<12800xf32, #tpu.memory_space<vmem>>)
          %dma_wait3A_169 = tpu.memref_slice %arg5[%multiple_of3A_161] : memref<100000xf32, #tpu.memory_space<hbm>> -> memref<800xf32, #tpu.memory_space<hbm>>
          %dma_wait3A_170 = tpu.memref_slice %arg5[%multiple_of3A_161] : memref<100000xf32, #tpu.memory_space<hbm>> -> memref<800xf32, #tpu.memory_space<hbm>>
          tpu.wait_dma2 semaphore(%arg17 : memref<!tpu.dma_semaphore, #tpu.memory_space<semaphore_mem>>) src(%dma_wait3A_170 : memref<800xf32, #tpu.memory_space<hbm>>) dst(%arg10 : memref<800xf32, #tpu.memory_space<vmem>>)
          %dma_start3A_171 = arith.constant 0 : i32
          %dma_start3A_172 = tpu.memref_slice %arg2[%dma_start3A_171] : memref<800000xf32, #tpu.memory_space<hbm>> -> memref<800000xf32, #tpu.memory_space<hbm>>
          tpu.enqueue_indirect_dma source(%dma_start3A_172 : memref<800000xf32, #tpu.memory_space<hbm>>) target(%arg9 : memref<12800xf32, #tpu.memory_space<vmem>>) offsets(%arg7 : memref<12800xi32, #tpu.memory_space<vmem>>) semaphore(%arg19 : memref<!tpu.dma_semaphore, #tpu.memory_space<semaphore_mem>>)
        } else {
        }
        %lt3A_152 = arith.constant 125 : i32
        %lt3A_153 = arith.cmpi slt, %add3A_85, %lt3A_152 : i32
        %convert_element_type3A_154 = arith.extui %lt3A_153 : i1 to i32
        %cond3A_155 = arith.constant 0 : i32
        %cond3A_156 = arith.cmpi ne, %convert_element_type3A_154, %cond3A_155 : i32
        scf.if %cond3A_156 {
          %min3A_157 = arith.constant 124 : i32
          %min3A_158 = arith.minsi %add3A_85, %min3A_157 : i32
          %mul3A_159 = arith.constant 800 : i32
          %mul3A_160 = arith.muli %min3A_158, %mul3A_159 : i32
          %multiple_of3A_161 = tpu.assume_multiple %mul3A_160, 800 : i32
          %mul3A_162 = arith.constant 12800 : i32
          %mul3A_163 = arith.muli %min3A_158, %mul3A_162 : i32
          %multiple_of3A_164 = tpu.assume_multiple %mul3A_163, 12800 : i32
          %dma_start3A_165 = tpu.memref_slice %arg3[%multiple_of3A_164] : memref<1600000xi32, #tpu.memory_space<hbm>> -> memref<12800xi32, #tpu.memory_space<hbm>>
          %dma_start3A_166 = tpu.memref_slice %arg3[%multiple_of3A_164] : memref<1600000xi32, #tpu.memory_space<hbm>> -> memref<12800xi32, #tpu.memory_space<hbm>>
          tpu.enqueue_dma source(%dma_start3A_166 : memref<12800xi32, #tpu.memory_space<hbm>>) target(%arg12 : memref<12800xi32, #tpu.memory_space<vmem>>) target_semaphore(%arg18 : memref<!tpu.dma_semaphore, #tpu.memory_space<semaphore_mem>>)
          %dma_start3A_167 = tpu.memref_slice %arg4[%multiple_of3A_164] : memref<1600000xf32, #tpu.memory_space<hbm>> -> memref<12800xf32, #tpu.memory_space<hbm>>
          %dma_start3A_168 = tpu.memref_slice %arg4[%multiple_of3A_164] : memref<1600000xf32, #tpu.memory_space<hbm>> -> memref<12800xf32, #tpu.memory_space<hbm>>
          tpu.enqueue_dma source(%dma_start3A_168 : memref<12800xf32, #tpu.memory_space<hbm>>) target(%arg13 : memref<12800xf32, #tpu.memory_space<vmem>>) target_semaphore(%arg18 : memref<!tpu.dma_semaphore, #tpu.memory_space<semaphore_mem>>)
          %dma_start3A_169 = tpu.memref_slice %arg5[%multiple_of3A_161] : memref<100000xf32, #tpu.memory_space<hbm>> -> memref<800xf32, #tpu.memory_space<hbm>>
          %dma_start3A_170 = tpu.memref_slice %arg5[%multiple_of3A_161] : memref<100000xf32, #tpu.memory_space<hbm>> -> memref<800xf32, #tpu.memory_space<hbm>>
          tpu.enqueue_dma source(%dma_start3A_170 : memref<800xf32, #tpu.memory_space<hbm>>) target(%arg15 : memref<800xf32, #tpu.memory_space<vmem>>) target_semaphore(%arg18 : memref<!tpu.dma_semaphore, #tpu.memory_space<semaphore_mem>>)
        } else {
        }
      } else {
      }
      %scan3A_121 = arith.constant 0 : i32
      scf.yield %scan3A_121 : i32
    }
    %scan3A_48 = arith.constant 2 : i32
    %add3A_49 = arith.constant 64 : i32
    %add3A_50 = arith.addi %add3A, %add3A_49 : i32
    %min3A_51 = arith.constant 124 : i32
    %min3A_52 = arith.minsi %add3A_50, %min3A_51 : i32
    %mul3A_53 = arith.constant 800 : i32
    %mul3A_54 = arith.muli %min3A_52, %mul3A_53 : i32
    %multiple_of3A_55 = tpu.assume_multiple %mul3A_54, 800 : i32
    %mul3A_56 = arith.constant 12800 : i32
    %mul3A_57 = arith.muli %min3A_52, %mul3A_56 : i32
    %multiple_of3A_58 = tpu.assume_multiple %mul3A_57, 12800 : i32
    %dma_wait3A_59 = tpu.memref_slice %arg6[%multiple_of3A_55] : memref<100000xf32, #tpu.memory_space<hbm>> -> memref<800xf32, #tpu.memory_space<hbm>>
    %dma_wait3A_60 = tpu.memref_slice %arg6[%multiple_of3A_55] : memref<100000xf32, #tpu.memory_space<hbm>> -> memref<800xf32, #tpu.memory_space<hbm>>
    tpu.wait_dma2 semaphore(%arg21 : memref<!tpu.dma_semaphore, #tpu.memory_space<semaphore_mem>>) src(%arg11 : memref<800xf32, #tpu.memory_space<vmem>>) dst(%dma_wait3A_60 : memref<800xf32, #tpu.memory_space<hbm>>)
    %add3A_61 = arith.constant 96 : i32
    %add3A_62 = arith.addi %add3A, %add3A_61 : i32
    %min3A_63 = arith.constant 124 : i32
    %min3A_64 = arith.minsi %add3A_62, %min3A_63 : i32
    %mul3A_65 = arith.constant 800 : i32
    %mul3A_66 = arith.muli %min3A_64, %mul3A_65 : i32
    %multiple_of3A_67 = tpu.assume_multiple %mul3A_66, 800 : i32
    %mul3A_68 = arith.constant 12800 : i32
    %mul3A_69 = arith.muli %min3A_64, %mul3A_68 : i32
    %multiple_of3A_70 = tpu.assume_multiple %mul3A_69, 12800 : i32
    %dma_wait3A_71 = tpu.memref_slice %arg6[%multiple_of3A_67] : memref<100000xf32, #tpu.memory_space<hbm>> -> memref<800xf32, #tpu.memory_space<hbm>>
    %dma_wait3A_72 = tpu.memref_slice %arg6[%multiple_of3A_67] : memref<100000xf32, #tpu.memory_space<hbm>> -> memref<800xf32, #tpu.memory_space<hbm>>
    tpu.wait_dma2 semaphore(%arg22 : memref<!tpu.dma_semaphore, #tpu.memory_space<semaphore_mem>>) src(%arg16 : memref<800xf32, #tpu.memory_space<vmem>>) dst(%dma_wait3A_72 : memref<800xf32, #tpu.memory_space<hbm>>)
    return
  }
}

#map = affine_map<(d0, d1) -> (0)>
module attributes {stable_mosaic.version = 14 : i64} {
  func.func @_link_kernel(%arg0: i32, %arg1: i32, %arg2: memref<100000xf32, #tpu.memory_space<hbm>>, %arg3: memref<100000xf32, #tpu.memory_space<hbm>>, %arg4: memref<100000xf32, #tpu.memory_space<hbm>>, %arg5: memref<800000xi32, #tpu.memory_space<hbm>>, %arg6: memref<800000xi32, #tpu.memory_space<hbm>>, %arg7: memref<800000xf32, #tpu.memory_space<hbm>>, %arg8: memref<800000xi32, #tpu.memory_space<hbm>>, %arg9: memref<800000xf32, #tpu.memory_space<hbm>>, %arg10: memref<800000xf32, #tpu.memory_space<hbm>>, %arg11: memref<1600xi32, #tpu.memory_space<vmem>>, %arg12: memref<1600xi32, #tpu.memory_space<vmem>>, %arg13: memref<1600xf32, #tpu.memory_space<vmem>>, %arg14: memref<1600xf32, #tpu.memory_space<vmem>>, %arg15: memref<1600xf32, #tpu.memory_space<vmem>>, %arg16: memref<1600xf32, #tpu.memory_space<vmem>>, %arg17: memref<1600xf32, #tpu.memory_space<vmem>>, %arg18: memref<1600xf32, #tpu.memory_space<vmem>>, %arg19: memref<1600xf32, #tpu.memory_space<vmem>>, %arg20: memref<1600xi32, #tpu.memory_space<vmem>>, %arg21: memref<1600xf32, #tpu.memory_space<vmem>>, %arg22: memref<1600xf32, #tpu.memory_space<vmem>>, %arg23: memref<1600xi32, #tpu.memory_space<vmem>>, %arg24: memref<1600xi32, #tpu.memory_space<vmem>>, %arg25: memref<1600xf32, #tpu.memory_space<vmem>>, %arg26: memref<1600xf32, #tpu.memory_space<vmem>>, %arg27: memref<1600xf32, #tpu.memory_space<vmem>>, %arg28: memref<1600xf32, #tpu.memory_space<vmem>>, %arg29: memref<1600xf32, #tpu.memory_space<vmem>>, %arg30: memref<1600xf32, #tpu.memory_space<vmem>>, %arg31: memref<1600xf32, #tpu.memory_space<vmem>>, %arg32: memref<1600xi32, #tpu.memory_space<vmem>>, %arg33: memref<1600xf32, #tpu.memory_space<vmem>>, %arg34: memref<1600xf32, #tpu.memory_space<vmem>>, %arg35: memref<!tpu.dma_semaphore, #tpu.memory_space<semaphore_mem>>, %arg36: memref<!tpu.dma_semaphore, #tpu.memory_space<semaphore_mem>>, %arg37: memref<!tpu.dma_semaphore, #tpu.memory_space<semaphore_mem>>, %arg38: memref<!tpu.dma_semaphore, #tpu.memory_space<semaphore_mem>>, %arg39: memref<!tpu.dma_semaphore, #tpu.memory_space<semaphore_mem>>, %arg40: memref<!tpu.dma_semaphore, #tpu.memory_space<semaphore_mem>>) attributes {dimension_semantics = [#tpu.dimension_semantics<core_parallel>, #tpu.dimension_semantics<subcore_parallel>], iteration_bounds = array<i64: 2, 16>, scalar_prefetch = 0 : i64, scratch_operands = 30 : i64, tpu.core_type = #tpu.core_type<sc_vector_subcore>, window_params = [{transform_indices = #map}, {transform_indices = #map}, {transform_indices = #map}, {transform_indices = #map}, {transform_indices = #map}, {transform_indices = #map}, {transform_indices = #map}, {transform_indices = #map}, {transform_indices = #map}]} {
    %mul3A = arith.constant 2 : i32
    %mul3A_0 = arith.muli %arg1, %mul3A : i32
    %add3A = arith.addi %mul3A_0, %arg0 : i32
    %min3A = arith.constant 499 : i32
    %min3A_1 = arith.minsi %add3A, %min3A : i32
    %mul3A_2 = arith.constant 1600 : i32
    %mul3A_3 = arith.muli %min3A_1, %mul3A_2 : i32
    %multiple_of3A = tpu.assume_multiple %mul3A_3, 1600 : i32
    %dma_start3A = tpu.memref_slice %arg5[%multiple_of3A] : memref<800000xi32, #tpu.memory_space<hbm>> -> memref<1600xi32, #tpu.memory_space<hbm>>
    %dma_start3A_4 = tpu.memref_slice %arg5[%multiple_of3A] : memref<800000xi32, #tpu.memory_space<hbm>> -> memref<1600xi32, #tpu.memory_space<hbm>>
    tpu.enqueue_dma source(%dma_start3A_4 : memref<1600xi32, #tpu.memory_space<hbm>>) target(%arg11 : memref<1600xi32, #tpu.memory_space<vmem>>) target_semaphore(%arg35 : memref<!tpu.dma_semaphore, #tpu.memory_space<semaphore_mem>>)
    %dma_start3A_5 = tpu.memref_slice %arg6[%multiple_of3A] : memref<800000xi32, #tpu.memory_space<hbm>> -> memref<1600xi32, #tpu.memory_space<hbm>>
    %dma_start3A_6 = tpu.memref_slice %arg6[%multiple_of3A] : memref<800000xi32, #tpu.memory_space<hbm>> -> memref<1600xi32, #tpu.memory_space<hbm>>
    tpu.enqueue_dma source(%dma_start3A_6 : memref<1600xi32, #tpu.memory_space<hbm>>) target(%arg12 : memref<1600xi32, #tpu.memory_space<vmem>>) target_semaphore(%arg35 : memref<!tpu.dma_semaphore, #tpu.memory_space<semaphore_mem>>)
    %dma_start3A_7 = tpu.memref_slice %arg7[%multiple_of3A] : memref<800000xf32, #tpu.memory_space<hbm>> -> memref<1600xf32, #tpu.memory_space<hbm>>
    %dma_start3A_8 = tpu.memref_slice %arg7[%multiple_of3A] : memref<800000xf32, #tpu.memory_space<hbm>> -> memref<1600xf32, #tpu.memory_space<hbm>>
    tpu.enqueue_dma source(%dma_start3A_8 : memref<1600xf32, #tpu.memory_space<hbm>>) target(%arg19 : memref<1600xf32, #tpu.memory_space<vmem>>) target_semaphore(%arg35 : memref<!tpu.dma_semaphore, #tpu.memory_space<semaphore_mem>>)
    %dma_start3A_9 = tpu.memref_slice %arg8[%multiple_of3A] : memref<800000xi32, #tpu.memory_space<hbm>> -> memref<1600xi32, #tpu.memory_space<hbm>>
    %dma_start3A_10 = tpu.memref_slice %arg8[%multiple_of3A] : memref<800000xi32, #tpu.memory_space<hbm>> -> memref<1600xi32, #tpu.memory_space<hbm>>
    tpu.enqueue_dma source(%dma_start3A_10 : memref<1600xi32, #tpu.memory_space<hbm>>) target(%arg20 : memref<1600xi32, #tpu.memory_space<vmem>>) target_semaphore(%arg35 : memref<!tpu.dma_semaphore, #tpu.memory_space<semaphore_mem>>)
    %min3A_11 = arith.constant 499 : i32
    %min3A_12 = arith.minsi %add3A, %min3A_11 : i32
    %mul3A_13 = arith.constant 1600 : i32
    %mul3A_14 = arith.muli %min3A_12, %mul3A_13 : i32
    %multiple_of3A_15 = tpu.assume_multiple %mul3A_14, 1600 : i32
    %dma_wait3A = tpu.memref_slice %arg5[%multiple_of3A_15] : memref<800000xi32, #tpu.memory_space<hbm>> -> memref<1600xi32, #tpu.memory_space<hbm>>
    %dma_wait3A_16 = tpu.memref_slice %arg5[%multiple_of3A_15] : memref<800000xi32, #tpu.memory_space<hbm>> -> memref<1600xi32, #tpu.memory_space<hbm>>
    tpu.wait_dma2 semaphore(%arg35 : memref<!tpu.dma_semaphore, #tpu.memory_space<semaphore_mem>>) src(%dma_wait3A_16 : memref<1600xi32, #tpu.memory_space<hbm>>) dst(%arg11 : memref<1600xi32, #tpu.memory_space<vmem>>)
    %dma_wait3A_17 = tpu.memref_slice %arg6[%multiple_of3A_15] : memref<800000xi32, #tpu.memory_space<hbm>> -> memref<1600xi32, #tpu.memory_space<hbm>>
    %dma_wait3A_18 = tpu.memref_slice %arg6[%multiple_of3A_15] : memref<800000xi32, #tpu.memory_space<hbm>> -> memref<1600xi32, #tpu.memory_space<hbm>>
    tpu.wait_dma2 semaphore(%arg35 : memref<!tpu.dma_semaphore, #tpu.memory_space<semaphore_mem>>) src(%dma_wait3A_18 : memref<1600xi32, #tpu.memory_space<hbm>>) dst(%arg12 : memref<1600xi32, #tpu.memory_space<vmem>>)
    %dma_wait3A_19 = tpu.memref_slice %arg7[%multiple_of3A_15] : memref<800000xf32, #tpu.memory_space<hbm>> -> memref<1600xf32, #tpu.memory_space<hbm>>
    %dma_wait3A_20 = tpu.memref_slice %arg7[%multiple_of3A_15] : memref<800000xf32, #tpu.memory_space<hbm>> -> memref<1600xf32, #tpu.memory_space<hbm>>
    tpu.wait_dma2 semaphore(%arg35 : memref<!tpu.dma_semaphore, #tpu.memory_space<semaphore_mem>>) src(%dma_wait3A_20 : memref<1600xf32, #tpu.memory_space<hbm>>) dst(%arg19 : memref<1600xf32, #tpu.memory_space<vmem>>)
    %dma_wait3A_21 = tpu.memref_slice %arg8[%multiple_of3A_15] : memref<800000xi32, #tpu.memory_space<hbm>> -> memref<1600xi32, #tpu.memory_space<hbm>>
    %dma_wait3A_22 = tpu.memref_slice %arg8[%multiple_of3A_15] : memref<800000xi32, #tpu.memory_space<hbm>> -> memref<1600xi32, #tpu.memory_space<hbm>>
    tpu.wait_dma2 semaphore(%arg35 : memref<!tpu.dma_semaphore, #tpu.memory_space<semaphore_mem>>) src(%dma_wait3A_22 : memref<1600xi32, #tpu.memory_space<hbm>>) dst(%arg20 : memref<1600xi32, #tpu.memory_space<vmem>>)
    %dma_start3A_23 = arith.constant 0 : i32
    %dma_start3A_24 = tpu.memref_slice %arg2[%dma_start3A_23] : memref<100000xf32, #tpu.memory_space<hbm>> -> memref<100000xf32, #tpu.memory_space<hbm>>
    tpu.enqueue_indirect_dma source(%dma_start3A_24 : memref<100000xf32, #tpu.memory_space<hbm>>) target(%arg13 : memref<1600xf32, #tpu.memory_space<vmem>>) offsets(%arg11 : memref<1600xi32, #tpu.memory_space<vmem>>) semaphore(%arg37 : memref<!tpu.dma_semaphore, #tpu.memory_space<semaphore_mem>>)
    %dma_start3A_25 = arith.constant 0 : i32
    %dma_start3A_26 = tpu.memref_slice %arg3[%dma_start3A_25] : memref<100000xf32, #tpu.memory_space<hbm>> -> memref<100000xf32, #tpu.memory_space<hbm>>
    tpu.enqueue_indirect_dma source(%dma_start3A_26 : memref<100000xf32, #tpu.memory_space<hbm>>) target(%arg14 : memref<1600xf32, #tpu.memory_space<vmem>>) offsets(%arg11 : memref<1600xi32, #tpu.memory_space<vmem>>) semaphore(%arg37 : memref<!tpu.dma_semaphore, #tpu.memory_space<semaphore_mem>>)
    %dma_start3A_27 = arith.constant 0 : i32
    %dma_start3A_28 = tpu.memref_slice %arg4[%dma_start3A_27] : memref<100000xf32, #tpu.memory_space<hbm>> -> memref<100000xf32, #tpu.memory_space<hbm>>
    tpu.enqueue_indirect_dma source(%dma_start3A_28 : memref<100000xf32, #tpu.memory_space<hbm>>) target(%arg15 : memref<1600xf32, #tpu.memory_space<vmem>>) offsets(%arg11 : memref<1600xi32, #tpu.memory_space<vmem>>) semaphore(%arg37 : memref<!tpu.dma_semaphore, #tpu.memory_space<semaphore_mem>>)
    %dma_start3A_29 = arith.constant 0 : i32
    %dma_start3A_30 = tpu.memref_slice %arg2[%dma_start3A_29] : memref<100000xf32, #tpu.memory_space<hbm>> -> memref<100000xf32, #tpu.memory_space<hbm>>
    tpu.enqueue_indirect_dma source(%dma_start3A_30 : memref<100000xf32, #tpu.memory_space<hbm>>) target(%arg16 : memref<1600xf32, #tpu.memory_space<vmem>>) offsets(%arg12 : memref<1600xi32, #tpu.memory_space<vmem>>) semaphore(%arg37 : memref<!tpu.dma_semaphore, #tpu.memory_space<semaphore_mem>>)
    %dma_start3A_31 = arith.constant 0 : i32
    %dma_start3A_32 = tpu.memref_slice %arg3[%dma_start3A_31] : memref<100000xf32, #tpu.memory_space<hbm>> -> memref<100000xf32, #tpu.memory_space<hbm>>
    tpu.enqueue_indirect_dma source(%dma_start3A_32 : memref<100000xf32, #tpu.memory_space<hbm>>) target(%arg17 : memref<1600xf32, #tpu.memory_space<vmem>>) offsets(%arg12 : memref<1600xi32, #tpu.memory_space<vmem>>) semaphore(%arg37 : memref<!tpu.dma_semaphore, #tpu.memory_space<semaphore_mem>>)
    %dma_start3A_33 = arith.constant 0 : i32
    %dma_start3A_34 = tpu.memref_slice %arg4[%dma_start3A_33] : memref<100000xf32, #tpu.memory_space<hbm>> -> memref<100000xf32, #tpu.memory_space<hbm>>
    tpu.enqueue_indirect_dma source(%dma_start3A_34 : memref<100000xf32, #tpu.memory_space<hbm>>) target(%arg18 : memref<1600xf32, #tpu.memory_space<vmem>>) offsets(%arg12 : memref<1600xi32, #tpu.memory_space<vmem>>) semaphore(%arg37 : memref<!tpu.dma_semaphore, #tpu.memory_space<semaphore_mem>>)
    %add3A_35 = arith.constant 32 : i32
    %add3A_36 = arith.addi %add3A, %add3A_35 : i32
    %min3A_37 = arith.constant 499 : i32
    %min3A_38 = arith.minsi %add3A_36, %min3A_37 : i32
    %mul3A_39 = arith.constant 1600 : i32
    %mul3A_40 = arith.muli %min3A_38, %mul3A_39 : i32
    %multiple_of3A_41 = tpu.assume_multiple %mul3A_40, 1600 : i32
    %dma_start3A_42 = tpu.memref_slice %arg5[%multiple_of3A_41] : memref<800000xi32, #tpu.memory_space<hbm>> -> memref<1600xi32, #tpu.memory_space<hbm>>
    %dma_start3A_43 = tpu.memref_slice %arg5[%multiple_of3A_41] : memref<800000xi32, #tpu.memory_space<hbm>> -> memref<1600xi32, #tpu.memory_space<hbm>>
    tpu.enqueue_dma source(%dma_start3A_43 : memref<1600xi32, #tpu.memory_space<hbm>>) target(%arg23 : memref<1600xi32, #tpu.memory_space<vmem>>) target_semaphore(%arg36 : memref<!tpu.dma_semaphore, #tpu.memory_space<semaphore_mem>>)
    %dma_start3A_44 = tpu.memref_slice %arg6[%multiple_of3A_41] : memref<800000xi32, #tpu.memory_space<hbm>> -> memref<1600xi32, #tpu.memory_space<hbm>>
    %dma_start3A_45 = tpu.memref_slice %arg6[%multiple_of3A_41] : memref<800000xi32, #tpu.memory_space<hbm>> -> memref<1600xi32, #tpu.memory_space<hbm>>
    tpu.enqueue_dma source(%dma_start3A_45 : memref<1600xi32, #tpu.memory_space<hbm>>) target(%arg24 : memref<1600xi32, #tpu.memory_space<vmem>>) target_semaphore(%arg36 : memref<!tpu.dma_semaphore, #tpu.memory_space<semaphore_mem>>)
    %dma_start3A_46 = tpu.memref_slice %arg7[%multiple_of3A_41] : memref<800000xf32, #tpu.memory_space<hbm>> -> memref<1600xf32, #tpu.memory_space<hbm>>
    %dma_start3A_47 = tpu.memref_slice %arg7[%multiple_of3A_41] : memref<800000xf32, #tpu.memory_space<hbm>> -> memref<1600xf32, #tpu.memory_space<hbm>>
    tpu.enqueue_dma source(%dma_start3A_47 : memref<1600xf32, #tpu.memory_space<hbm>>) target(%arg31 : memref<1600xf32, #tpu.memory_space<vmem>>) target_semaphore(%arg36 : memref<!tpu.dma_semaphore, #tpu.memory_space<semaphore_mem>>)
    %dma_start3A_48 = tpu.memref_slice %arg8[%multiple_of3A_41] : memref<800000xi32, #tpu.memory_space<hbm>> -> memref<1600xi32, #tpu.memory_space<hbm>>
    %dma_start3A_49 = tpu.memref_slice %arg8[%multiple_of3A_41] : memref<800000xi32, #tpu.memory_space<hbm>> -> memref<1600xi32, #tpu.memory_space<hbm>>
    tpu.enqueue_dma source(%dma_start3A_49 : memref<1600xi32, #tpu.memory_space<hbm>>) target(%arg32 : memref<1600xi32, #tpu.memory_space<vmem>>) target_semaphore(%arg36 : memref<!tpu.dma_semaphore, #tpu.memory_space<semaphore_mem>>)
    %scan3A = arith.constant 0 : i32
    %scan3A_50 = arith.constant 0 : i32
    %scan3A_51 = arith.constant 8 : i32
    %scan3A_52 = arith.addi %scan3A_50, %scan3A_51 : i32
    %scan3A_53 = arith.constant 1 : i32
    %scan3A_54 = scf.for %scan3A_78 = %scan3A_50 to %scan3A_52 step %scan3A_53 iter_args(%scan3A_79 = %scan3A) -> (i32)  : i32 {
      %mul3A_80 = arith.constant 2 : i32
      %mul3A_81 = arith.muli %mul3A_80, %scan3A_78 : i32
      %mul3A_82 = arith.constant 32 : i32
      %mul3A_83 = arith.muli %mul3A_81, %mul3A_82 : i32
      %add3A_84 = arith.addi %add3A, %mul3A_83 : i32
      %add3A_85 = arith.constant 32 : i32
      %add3A_86 = arith.addi %add3A_84, %add3A_85 : i32
      %add3A_87 = arith.constant 64 : i32
      %add3A_88 = arith.addi %add3A_84, %add3A_87 : i32
      %add3A_89 = arith.constant 96 : i32
      %add3A_90 = arith.addi %add3A_84, %add3A_89 : i32
      %lt3A = arith.constant 500 : i32
      %lt3A_91 = arith.cmpi slt, %add3A_86, %lt3A : i32
      %convert_element_type3A = arith.extui %lt3A_91 : i1 to i32
      %cond3A = arith.constant 0 : i32
      %cond3A_92 = arith.cmpi ne, %convert_element_type3A, %cond3A : i32
      scf.if %cond3A_92 {
        %min3A_136 = arith.constant 499 : i32
        %min3A_137 = arith.minsi %add3A_86, %min3A_136 : i32
        %mul3A_138 = arith.constant 1600 : i32
        %mul3A_139 = arith.muli %min3A_137, %mul3A_138 : i32
        %multiple_of3A_140 = tpu.assume_multiple %mul3A_139, 1600 : i32
        %dma_wait3A_141 = tpu.memref_slice %arg5[%multiple_of3A_140] : memref<800000xi32, #tpu.memory_space<hbm>> -> memref<1600xi32, #tpu.memory_space<hbm>>
        %dma_wait3A_142 = tpu.memref_slice %arg5[%multiple_of3A_140] : memref<800000xi32, #tpu.memory_space<hbm>> -> memref<1600xi32, #tpu.memory_space<hbm>>
        tpu.wait_dma2 semaphore(%arg36 : memref<!tpu.dma_semaphore, #tpu.memory_space<semaphore_mem>>) src(%dma_wait3A_142 : memref<1600xi32, #tpu.memory_space<hbm>>) dst(%arg23 : memref<1600xi32, #tpu.memory_space<vmem>>)
        %dma_wait3A_143 = tpu.memref_slice %arg6[%multiple_of3A_140] : memref<800000xi32, #tpu.memory_space<hbm>> -> memref<1600xi32, #tpu.memory_space<hbm>>
        %dma_wait3A_144 = tpu.memref_slice %arg6[%multiple_of3A_140] : memref<800000xi32, #tpu.memory_space<hbm>> -> memref<1600xi32, #tpu.memory_space<hbm>>
        tpu.wait_dma2 semaphore(%arg36 : memref<!tpu.dma_semaphore, #tpu.memory_space<semaphore_mem>>) src(%dma_wait3A_144 : memref<1600xi32, #tpu.memory_space<hbm>>) dst(%arg24 : memref<1600xi32, #tpu.memory_space<vmem>>)
        %dma_wait3A_145 = tpu.memref_slice %arg7[%multiple_of3A_140] : memref<800000xf32, #tpu.memory_space<hbm>> -> memref<1600xf32, #tpu.memory_space<hbm>>
        %dma_wait3A_146 = tpu.memref_slice %arg7[%multiple_of3A_140] : memref<800000xf32, #tpu.memory_space<hbm>> -> memref<1600xf32, #tpu.memory_space<hbm>>
        tpu.wait_dma2 semaphore(%arg36 : memref<!tpu.dma_semaphore, #tpu.memory_space<semaphore_mem>>) src(%dma_wait3A_146 : memref<1600xf32, #tpu.memory_space<hbm>>) dst(%arg31 : memref<1600xf32, #tpu.memory_space<vmem>>)
        %dma_wait3A_147 = tpu.memref_slice %arg8[%multiple_of3A_140] : memref<800000xi32, #tpu.memory_space<hbm>> -> memref<1600xi32, #tpu.memory_space<hbm>>
        %dma_wait3A_148 = tpu.memref_slice %arg8[%multiple_of3A_140] : memref<800000xi32, #tpu.memory_space<hbm>> -> memref<1600xi32, #tpu.memory_space<hbm>>
        tpu.wait_dma2 semaphore(%arg36 : memref<!tpu.dma_semaphore, #tpu.memory_space<semaphore_mem>>) src(%dma_wait3A_148 : memref<1600xi32, #tpu.memory_space<hbm>>) dst(%arg32 : memref<1600xi32, #tpu.memory_space<vmem>>)
        %dma_start3A_149 = arith.constant 0 : i32
        %dma_start3A_150 = tpu.memref_slice %arg2[%dma_start3A_149] : memref<100000xf32, #tpu.memory_space<hbm>> -> memref<100000xf32, #tpu.memory_space<hbm>>
        tpu.enqueue_indirect_dma source(%dma_start3A_150 : memref<100000xf32, #tpu.memory_space<hbm>>) target(%arg25 : memref<1600xf32, #tpu.memory_space<vmem>>) offsets(%arg23 : memref<1600xi32, #tpu.memory_space<vmem>>) semaphore(%arg38 : memref<!tpu.dma_semaphore, #tpu.memory_space<semaphore_mem>>)
        %dma_start3A_151 = arith.constant 0 : i32
        %dma_start3A_152 = tpu.memref_slice %arg3[%dma_start3A_151] : memref<100000xf32, #tpu.memory_space<hbm>> -> memref<100000xf32, #tpu.memory_space<hbm>>
        tpu.enqueue_indirect_dma source(%dma_start3A_152 : memref<100000xf32, #tpu.memory_space<hbm>>) target(%arg26 : memref<1600xf32, #tpu.memory_space<vmem>>) offsets(%arg23 : memref<1600xi32, #tpu.memory_space<vmem>>) semaphore(%arg38 : memref<!tpu.dma_semaphore, #tpu.memory_space<semaphore_mem>>)
        %dma_start3A_153 = arith.constant 0 : i32
        %dma_start3A_154 = tpu.memref_slice %arg4[%dma_start3A_153] : memref<100000xf32, #tpu.memory_space<hbm>> -> memref<100000xf32, #tpu.memory_space<hbm>>
        tpu.enqueue_indirect_dma source(%dma_start3A_154 : memref<100000xf32, #tpu.memory_space<hbm>>) target(%arg27 : memref<1600xf32, #tpu.memory_space<vmem>>) offsets(%arg23 : memref<1600xi32, #tpu.memory_space<vmem>>) semaphore(%arg38 : memref<!tpu.dma_semaphore, #tpu.memory_space<semaphore_mem>>)
        %dma_start3A_155 = arith.constant 0 : i32
        %dma_start3A_156 = tpu.memref_slice %arg2[%dma_start3A_155] : memref<100000xf32, #tpu.memory_space<hbm>> -> memref<100000xf32, #tpu.memory_space<hbm>>
        tpu.enqueue_indirect_dma source(%dma_start3A_156 : memref<100000xf32, #tpu.memory_space<hbm>>) target(%arg28 : memref<1600xf32, #tpu.memory_space<vmem>>) offsets(%arg24 : memref<1600xi32, #tpu.memory_space<vmem>>) semaphore(%arg38 : memref<!tpu.dma_semaphore, #tpu.memory_space<semaphore_mem>>)
        %dma_start3A_157 = arith.constant 0 : i32
        %dma_start3A_158 = tpu.memref_slice %arg3[%dma_start3A_157] : memref<100000xf32, #tpu.memory_space<hbm>> -> memref<100000xf32, #tpu.memory_space<hbm>>
        tpu.enqueue_indirect_dma source(%dma_start3A_158 : memref<100000xf32, #tpu.memory_space<hbm>>) target(%arg29 : memref<1600xf32, #tpu.memory_space<vmem>>) offsets(%arg24 : memref<1600xi32, #tpu.memory_space<vmem>>) semaphore(%arg38 : memref<!tpu.dma_semaphore, #tpu.memory_space<semaphore_mem>>)
        %dma_start3A_159 = arith.constant 0 : i32
        %dma_start3A_160 = tpu.memref_slice %arg4[%dma_start3A_159] : memref<100000xf32, #tpu.memory_space<hbm>> -> memref<100000xf32, #tpu.memory_space<hbm>>
        tpu.enqueue_indirect_dma source(%dma_start3A_160 : memref<100000xf32, #tpu.memory_space<hbm>>) target(%arg30 : memref<1600xf32, #tpu.memory_space<vmem>>) offsets(%arg24 : memref<1600xi32, #tpu.memory_space<vmem>>) semaphore(%arg38 : memref<!tpu.dma_semaphore, #tpu.memory_space<semaphore_mem>>)
      } else {
      }
      %dma_wait3A_93 = arith.constant 0 : i32
      %dma_wait3A_94 = tpu.memref_slice %arg2[%dma_wait3A_93] : memref<100000xf32, #tpu.memory_space<hbm>> -> memref<100000xf32, #tpu.memory_space<hbm>>
      tpu.wait_indirect_dma semaphore(%arg37 : memref<!tpu.dma_semaphore, #tpu.memory_space<semaphore_mem>>) src(%dma_wait3A_94 : memref<100000xf32, #tpu.memory_space<hbm>>) dst(%arg13 : memref<1600xf32, #tpu.memory_space<vmem>>)
      %dma_wait3A_95 = arith.constant 0 : i32
      %dma_wait3A_96 = tpu.memref_slice %arg3[%dma_wait3A_95] : memref<100000xf32, #tpu.memory_space<hbm>> -> memref<100000xf32, #tpu.memory_space<hbm>>
      tpu.wait_indirect_dma semaphore(%arg37 : memref<!tpu.dma_semaphore, #tpu.memory_space<semaphore_mem>>) src(%dma_wait3A_96 : memref<100000xf32, #tpu.memory_space<hbm>>) dst(%arg14 : memref<1600xf32, #tpu.memory_space<vmem>>)
      %dma_wait3A_97 = arith.constant 0 : i32
      %dma_wait3A_98 = tpu.memref_slice %arg4[%dma_wait3A_97] : memref<100000xf32, #tpu.memory_space<hbm>> -> memref<100000xf32, #tpu.memory_space<hbm>>
      tpu.wait_indirect_dma semaphore(%arg37 : memref<!tpu.dma_semaphore, #tpu.memory_space<semaphore_mem>>) src(%dma_wait3A_98 : memref<100000xf32, #tpu.memory_space<hbm>>) dst(%arg15 : memref<1600xf32, #tpu.memory_space<vmem>>)
      %dma_wait3A_99 = arith.constant 0 : i32
      %dma_wait3A_100 = tpu.memref_slice %arg2[%dma_wait3A_99] : memref<100000xf32, #tpu.memory_space<hbm>> -> memref<100000xf32, #tpu.memory_space<hbm>>
      tpu.wait_indirect_dma semaphore(%arg37 : memref<!tpu.dma_semaphore, #tpu.memory_space<semaphore_mem>>) src(%dma_wait3A_100 : memref<100000xf32, #tpu.memory_space<hbm>>) dst(%arg16 : memref<1600xf32, #tpu.memory_space<vmem>>)
      %dma_wait3A_101 = arith.constant 0 : i32
      %dma_wait3A_102 = tpu.memref_slice %arg3[%dma_wait3A_101] : memref<100000xf32, #tpu.memory_space<hbm>> -> memref<100000xf32, #tpu.memory_space<hbm>>
      tpu.wait_indirect_dma semaphore(%arg37 : memref<!tpu.dma_semaphore, #tpu.memory_space<semaphore_mem>>) src(%dma_wait3A_102 : memref<100000xf32, #tpu.memory_space<hbm>>) dst(%arg17 : memref<1600xf32, #tpu.memory_space<vmem>>)
      %dma_wait3A_103 = arith.constant 0 : i32
      %dma_wait3A_104 = tpu.memref_slice %arg4[%dma_wait3A_103] : memref<100000xf32, #tpu.memory_space<hbm>> -> memref<100000xf32, #tpu.memory_space<hbm>>
      tpu.wait_indirect_dma semaphore(%arg37 : memref<!tpu.dma_semaphore, #tpu.memory_space<semaphore_mem>>) src(%dma_wait3A_104 : memref<100000xf32, #tpu.memory_space<hbm>>) dst(%arg18 : memref<1600xf32, #tpu.memory_space<vmem>>)
      %gt3A = arith.constant 0 : i32
      %gt3A_105 = arith.cmpi sgt, %scan3A_78, %gt3A : i32
      %convert_element_type3A_106 = arith.extui %gt3A_105 : i1 to i32
      %cond3A_107 = arith.constant 0 : i32
      %cond3A_108 = arith.cmpi ne, %convert_element_type3A_106, %cond3A_107 : i32
      scf.if %cond3A_108 {
        %sub3A = arith.constant 64 : i32
        %sub3A_136 = arith.subi %add3A_84, %sub3A : i32
        %min3A_137 = arith.constant 499 : i32
        %min3A_138 = arith.minsi %sub3A_136, %min3A_137 : i32
        %mul3A_139 = arith.constant 1600 : i32
        %mul3A_140 = arith.muli %min3A_138, %mul3A_139 : i32
        %multiple_of3A_141 = tpu.assume_multiple %mul3A_140, 1600 : i32
        %dma_wait3A_142 = tpu.memref_slice %arg9[%multiple_of3A_141] : memref<800000xf32, #tpu.memory_space<hbm>> -> memref<1600xf32, #tpu.memory_space<hbm>>
        %dma_wait3A_143 = tpu.memref_slice %arg9[%multiple_of3A_141] : memref<800000xf32, #tpu.memory_space<hbm>> -> memref<1600xf32, #tpu.memory_space<hbm>>
        tpu.wait_dma2 semaphore(%arg39 : memref<!tpu.dma_semaphore, #tpu.memory_space<semaphore_mem>>) src(%arg21 : memref<1600xf32, #tpu.memory_space<vmem>>) dst(%dma_wait3A_143 : memref<1600xf32, #tpu.memory_space<hbm>>)
        %dma_wait3A_144 = tpu.memref_slice %arg10[%multiple_of3A_141] : memref<800000xf32, #tpu.memory_space<hbm>> -> memref<1600xf32, #tpu.memory_space<hbm>>
        %dma_wait3A_145 = tpu.memref_slice %arg10[%multiple_of3A_141] : memref<800000xf32, #tpu.memory_space<hbm>> -> memref<1600xf32, #tpu.memory_space<hbm>>
        tpu.wait_dma2 semaphore(%arg39 : memref<!tpu.dma_semaphore, #tpu.memory_space<semaphore_mem>>) src(%arg22 : memref<1600xf32, #tpu.memory_space<vmem>>) dst(%dma_wait3A_145 : memref<1600xf32, #tpu.memory_space<hbm>>)
      } else {
      }
      %scan3A_109 = arith.constant 0 : i32
      %scan3A_110 = arith.constant 0 : i32
      %scan3A_111 = arith.constant 100 : i32
      %scan3A_112 = arith.addi %scan3A_110, %scan3A_111 : i32
      %scan3A_113 = arith.constant 1 : i32
      %scan3A_114 = scf.for %scan3A_136 = %scan3A_110 to %scan3A_112 step %scan3A_113 iter_args(%scan3A_137 = %scan3A_109) -> (i32)  : i32 {
        %mul3A_138 = arith.constant 16 : i32
        %mul3A_139 = arith.muli %scan3A_136, %mul3A_138 : i32
        %multiple_of3A_140 = tpu.assume_multiple %mul3A_139, 16 : i32
        %get3A = arith.index_cast %multiple_of3A_140 : i32 to index
        %get3A_141 = tpu.vector_load %arg13[%get3A] {strides = array<i32>} : memref<1600xf32, #tpu.memory_space<vmem>>, vector<16xf32>,
        %get3A_142 = vector.shape_cast %get3A_141 : vector<16xf32> to vector<16xf32>
        %get3A_143 = arith.index_cast %multiple_of3A_140 : i32 to index
        %get3A_144 = tpu.vector_load %arg14[%get3A_143] {strides = array<i32>} : memref<1600xf32, #tpu.memory_space<vmem>>, vector<16xf32>,
        %get3A_145 = vector.shape_cast %get3A_144 : vector<16xf32> to vector<16xf32>
        %get3A_146 = arith.index_cast %multiple_of3A_140 : i32 to index
        %get3A_147 = tpu.vector_load %arg15[%get3A_146] {strides = array<i32>} : memref<1600xf32, #tpu.memory_space<vmem>>, vector<16xf32>,
        %get3A_148 = vector.shape_cast %get3A_147 : vector<16xf32> to vector<16xf32>
        %get3A_149 = arith.index_cast %multiple_of3A_140 : i32 to index
        %get3A_150 = tpu.vector_load %arg16[%get3A_149] {strides = array<i32>} : memref<1600xf32, #tpu.memory_space<vmem>>, vector<16xf32>,
        %get3A_151 = vector.shape_cast %get3A_150 : vector<16xf32> to vector<16xf32>
        %get3A_152 = arith.index_cast %multiple_of3A_140 : i32 to index
        %get3A_153 = tpu.vector_load %arg17[%get3A_152] {strides = array<i32>} : memref<1600xf32, #tpu.memory_space<vmem>>, vector<16xf32>,
        %get3A_154 = vector.shape_cast %get3A_153 : vector<16xf32> to vector<16xf32>
        %get3A_155 = arith.index_cast %multiple_of3A_140 : i32 to index
        %get3A_156 = tpu.vector_load %arg18[%get3A_155] {strides = array<i32>} : memref<1600xf32, #tpu.memory_space<vmem>>, vector<16xf32>,
        %get3A_157 = vector.shape_cast %get3A_156 : vector<16xf32> to vector<16xf32>
        %get3A_158 = arith.index_cast %multiple_of3A_140 : i32 to index
        %get3A_159 = tpu.vector_load %arg19[%get3A_158] {strides = array<i32>} : memref<1600xf32, #tpu.memory_space<vmem>>, vector<16xf32>,
        %get3A_160 = vector.shape_cast %get3A_159 : vector<16xf32> to vector<16xf32>
        %get3A_161 = arith.index_cast %multiple_of3A_140 : i32 to index
        %get3A_162 = tpu.vector_load %arg20[%get3A_161] {strides = array<i32>} : memref<1600xi32, #tpu.memory_space<vmem>>, vector<16xi32>,
        %get3A_163 = vector.shape_cast %get3A_162 : vector<16xi32> to vector<16xi32>
        %ne3A = arith.constant 0 : i32
        %ne3A_164 = vector.broadcast %ne3A : i32 to vector<16xi32>
        %ne3A_165 = arith.cmpi ne, %get3A_163, %ne3A_164 : vector<16xi32>
        %sub3A = arith.subf %get3A_148, %get3A_157 : vector<16xf32>
        %sub3A_166 = arith.subf %get3A_142, %get3A_151 : vector<16xf32>
        %mul3A_167 = arith.constant 8995.76953 : f32
        %mul3A_168 = vector.broadcast %mul3A_167 : f32 to vector<16xf32>
        %mul3A_169 = arith.mulf %mul3A_168, %sub3A_166 : vector<16xf32>
        %sub3A_170 = arith.subf %get3A_145, %get3A_154 : vector<16xf32>
        %mul3A_171 = arith.constant 9.810000e+03 : f32
        %mul3A_172 = vector.broadcast %mul3A_171 : f32 to vector<16xf32>
        %mul3A_173 = arith.mulf %mul3A_172, %sub3A_170 : vector<16xf32>
        %add3A_174 = arith.addf %mul3A_169, %mul3A_173 : vector<16xf32>
        %add3A_175 = arith.addf %add3A_174, %sub3A : vector<16xf32>
        %select_n3A = arith.select %ne3A_165, %sub3A, %add3A_175 : vector<16xi1>, vector<16xf32>
        %neg3A = arith.constant 0.000000e+00 : f32
        %neg3A_176 = vector.broadcast %neg3A : f32 to vector<16xf32>
        %neg3A_177 = arith.subf %neg3A_176, %select_n3A : vector<16xf32>
        %div3A = arith.divf %neg3A_177, %get3A_160 : vector<16xf32>
        %add3A_178 = arith.addf %get3A_142, %get3A_151 : vector<16xf32>
        %mul3A_179 = arith.constant 8995.76953 : f32
        %mul3A_180 = vector.broadcast %mul3A_179 : f32 to vector<16xf32>
        %mul3A_181 = arith.mulf %mul3A_180, %add3A_178 : vector<16xf32>
        %add3A_182 = arith.addf %get3A_148, %get3A_157 : vector<16xf32>
        %sub3A_183 = arith.subf %mul3A_181, %add3A_182 : vector<16xf32>
        %mul3A_184 = arith.constant 5.000000e-01 : f32
        %mul3A_185 = vector.broadcast %mul3A_184 : f32 to vector<16xf32>
        %mul3A_186 = arith.mulf %mul3A_185, %sub3A_183 : vector<16xf32>
        %swap3A = arith.index_cast %multiple_of3A_140 : i32 to index
        %swap3A_187 = tpu.vector_load %arg21[%swap3A] {strides = array<i32>} : memref<1600xf32, #tpu.memory_space<vmem>>, vector<16xf32>,
        %swap3A_188 = vector.shape_cast %swap3A_187 : vector<16xf32> to vector<16xf32>
        %swap3A_189 = vector.shape_cast %div3A : vector<16xf32> to vector<16xf32>
        tpu.vector_store %arg21[%swap3A], %swap3A_189 {strides = array<i32>} : memref<1600xf32, #tpu.memory_space<vmem>>, vector<16xf32>,
        %swap3A_190 = arith.index_cast %multiple_of3A_140 : i32 to index
        %swap3A_191 = tpu.vector_load %arg22[%swap3A_190] {strides = array<i32>} : memref<1600xf32, #tpu.memory_space<vmem>>, vector<16xf32>,
        %swap3A_192 = vector.shape_cast %swap3A_191 : vector<16xf32> to vector<16xf32>
        %swap3A_193 = vector.shape_cast %mul3A_186 : vector<16xf32> to vector<16xf32>
        tpu.vector_store %arg22[%swap3A_190], %swap3A_193 {strides = array<i32>} : memref<1600xf32, #tpu.memory_space<vmem>>, vector<16xf32>,
        %scan3A_194 = arith.constant 0 : i32
        scf.yield %scan3A_194 : i32
      }
      %scan3A_115 = arith.constant 100 : i32
      %min3A_116 = arith.constant 499 : i32
      %min3A_117 = arith.minsi %add3A_84, %min3A_116 : i32
      %mul3A_118 = arith.constant 1600 : i32
      %mul3A_119 = arith.muli %min3A_117, %mul3A_118 : i32
      %multiple_of3A_120 = tpu.assume_multiple %mul3A_119, 1600 : i32
      %dma_start3A_121 = tpu.memref_slice %arg9[%multiple_of3A_120] : memref<800000xf32, #tpu.memory_space<hbm>> -> memref<1600xf32, #tpu.memory_space<hbm>>
      %dma_start3A_122 = tpu.memref_slice %arg9[%multiple_of3A_120] : memref<800000xf32, #tpu.memory_space<hbm>> -> memref<1600xf32, #tpu.memory_space<hbm>>
      tpu.enqueue_dma source(%arg21 : memref<1600xf32, #tpu.memory_space<vmem>>) target(%dma_start3A_122 : memref<1600xf32, #tpu.memory_space<hbm>>) target_semaphore(%arg39 : memref<!tpu.dma_semaphore, #tpu.memory_space<semaphore_mem>>)
      %dma_start3A_123 = tpu.memref_slice %arg10[%multiple_of3A_120] : memref<800000xf32, #tpu.memory_space<hbm>> -> memref<1600xf32, #tpu.memory_space<hbm>>
      %dma_start3A_124 = tpu.memref_slice %arg10[%multiple_of3A_120] : memref<800000xf32, #tpu.memory_space<hbm>> -> memref<1600xf32, #tpu.memory_space<hbm>>
      tpu.enqueue_dma source(%arg22 : memref<1600xf32, #tpu.memory_space<vmem>>) target(%dma_start3A_124 : memref<1600xf32, #tpu.memory_space<hbm>>) target_semaphore(%arg39 : memref<!tpu.dma_semaphore, #tpu.memory_space<semaphore_mem>>)
      %lt3A_125 = arith.constant 500 : i32
      %lt3A_126 = arith.cmpi slt, %add3A_88, %lt3A_125 : i32
      %convert_element_type3A_127 = arith.extui %lt3A_126 : i1 to i32
      %cond3A_128 = arith.constant 0 : i32
      %cond3A_129 = arith.cmpi ne, %convert_element_type3A_127, %cond3A_128 : i32
      scf.if %cond3A_129 {
        %min3A_136 = arith.constant 499 : i32
        %min3A_137 = arith.minsi %add3A_88, %min3A_136 : i32
        %mul3A_138 = arith.constant 1600 : i32
        %mul3A_139 = arith.muli %min3A_137, %mul3A_138 : i32
        %multiple_of3A_140 = tpu.assume_multiple %mul3A_139, 1600 : i32
        %dma_start3A_141 = tpu.memref_slice %arg5[%multiple_of3A_140] : memref<800000xi32, #tpu.memory_space<hbm>> -> memref<1600xi32, #tpu.memory_space<hbm>>
        %dma_start3A_142 = tpu.memref_slice %arg5[%multiple_of3A_140] : memref<800000xi32, #tpu.memory_space<hbm>> -> memref<1600xi32, #tpu.memory_space<hbm>>
        tpu.enqueue_dma source(%dma_start3A_142 : memref<1600xi32, #tpu.memory_space<hbm>>) target(%arg11 : memref<1600xi32, #tpu.memory_space<vmem>>) target_semaphore(%arg35 : memref<!tpu.dma_semaphore, #tpu.memory_space<semaphore_mem>>)
        %dma_start3A_143 = tpu.memref_slice %arg6[%multiple_of3A_140] : memref<800000xi32, #tpu.memory_space<hbm>> -> memref<1600xi32, #tpu.memory_space<hbm>>
        %dma_start3A_144 = tpu.memref_slice %arg6[%multiple_of3A_140] : memref<800000xi32, #tpu.memory_space<hbm>> -> memref<1600xi32, #tpu.memory_space<hbm>>
        tpu.enqueue_dma source(%dma_start3A_144 : memref<1600xi32, #tpu.memory_space<hbm>>) target(%arg12 : memref<1600xi32, #tpu.memory_space<vmem>>) target_semaphore(%arg35 : memref<!tpu.dma_semaphore, #tpu.memory_space<semaphore_mem>>)
        %dma_start3A_145 = tpu.memref_slice %arg7[%multiple_of3A_140] : memref<800000xf32, #tpu.memory_space<hbm>> -> memref<1600xf32, #tpu.memory_space<hbm>>
        %dma_start3A_146 = tpu.memref_slice %arg7[%multiple_of3A_140] : memref<800000xf32, #tpu.memory_space<hbm>> -> memref<1600xf32, #tpu.memory_space<hbm>>
        tpu.enqueue_dma source(%dma_start3A_146 : memref<1600xf32, #tpu.memory_space<hbm>>) target(%arg19 : memref<1600xf32, #tpu.memory_space<vmem>>) target_semaphore(%arg35 : memref<!tpu.dma_semaphore, #tpu.memory_space<semaphore_mem>>)
        %dma_start3A_147 = tpu.memref_slice %arg8[%multiple_of3A_140] : memref<800000xi32, #tpu.memory_space<hbm>> -> memref<1600xi32, #tpu.memory_space<hbm>>
        %dma_start3A_148 = tpu.memref_slice %arg8[%multiple_of3A_140] : memref<800000xi32, #tpu.memory_space<hbm>> -> memref<1600xi32, #tpu.memory_space<hbm>>
        tpu.enqueue_dma source(%dma_start3A_148 : memref<1600xi32, #tpu.memory_space<hbm>>) target(%arg20 : memref<1600xi32, #tpu.memory_space<vmem>>) target_semaphore(%arg35 : memref<!tpu.dma_semaphore, #tpu.memory_space<semaphore_mem>>)
      } else {
      }
      %lt3A_130 = arith.constant 500 : i32
      %lt3A_131 = arith.cmpi slt, %add3A_86, %lt3A_130 : i32
      %convert_element_type3A_132 = arith.extui %lt3A_131 : i1 to i32
      %cond3A_133 = arith.constant 0 : i32
      %cond3A_134 = arith.cmpi ne, %convert_element_type3A_132, %cond3A_133 : i32
      scf.if %cond3A_134 {
        %dma_wait3A_136 = arith.constant 0 : i32
        %dma_wait3A_137 = tpu.memref_slice %arg2[%dma_wait3A_136] : memref<100000xf32, #tpu.memory_space<hbm>> -> memref<100000xf32, #tpu.memory_space<hbm>>
        tpu.wait_indirect_dma semaphore(%arg38 : memref<!tpu.dma_semaphore, #tpu.memory_space<semaphore_mem>>) src(%dma_wait3A_137 : memref<100000xf32, #tpu.memory_space<hbm>>) dst(%arg25 : memref<1600xf32, #tpu.memory_space<vmem>>)
        %dma_wait3A_138 = arith.constant 0 : i32
        %dma_wait3A_139 = tpu.memref_slice %arg3[%dma_wait3A_138] : memref<100000xf32, #tpu.memory_space<hbm>> -> memref<100000xf32, #tpu.memory_space<hbm>>
        tpu.wait_indirect_dma semaphore(%arg38 : memref<!tpu.dma_semaphore, #tpu.memory_space<semaphore_mem>>) src(%dma_wait3A_139 : memref<100000xf32, #tpu.memory_space<hbm>>) dst(%arg26 : memref<1600xf32, #tpu.memory_space<vmem>>)
        %dma_wait3A_140 = arith.constant 0 : i32
        %dma_wait3A_141 = tpu.memref_slice %arg4[%dma_wait3A_140] : memref<100000xf32, #tpu.memory_space<hbm>> -> memref<100000xf32, #tpu.memory_space<hbm>>
        tpu.wait_indirect_dma semaphore(%arg38 : memref<!tpu.dma_semaphore, #tpu.memory_space<semaphore_mem>>) src(%dma_wait3A_141 : memref<100000xf32, #tpu.memory_space<hbm>>) dst(%arg27 : memref<1600xf32, #tpu.memory_space<vmem>>)
        %dma_wait3A_142 = arith.constant 0 : i32
        %dma_wait3A_143 = tpu.memref_slice %arg2[%dma_wait3A_142] : memref<100000xf32, #tpu.memory_space<hbm>> -> memref<100000xf32, #tpu.memory_space<hbm>>
        tpu.wait_indirect_dma semaphore(%arg38 : memref<!tpu.dma_semaphore, #tpu.memory_space<semaphore_mem>>) src(%dma_wait3A_143 : memref<100000xf32, #tpu.memory_space<hbm>>) dst(%arg28 : memref<1600xf32, #tpu.memory_space<vmem>>)
        %dma_wait3A_144 = arith.constant 0 : i32
        %dma_wait3A_145 = tpu.memref_slice %arg3[%dma_wait3A_144] : memref<100000xf32, #tpu.memory_space<hbm>> -> memref<100000xf32, #tpu.memory_space<hbm>>
        tpu.wait_indirect_dma semaphore(%arg38 : memref<!tpu.dma_semaphore, #tpu.memory_space<semaphore_mem>>) src(%dma_wait3A_145 : memref<100000xf32, #tpu.memory_space<hbm>>) dst(%arg29 : memref<1600xf32, #tpu.memory_space<vmem>>)
        %dma_wait3A_146 = arith.constant 0 : i32
        %dma_wait3A_147 = tpu.memref_slice %arg4[%dma_wait3A_146] : memref<100000xf32, #tpu.memory_space<hbm>> -> memref<100000xf32, #tpu.memory_space<hbm>>
        tpu.wait_indirect_dma semaphore(%arg38 : memref<!tpu.dma_semaphore, #tpu.memory_space<semaphore_mem>>) src(%dma_wait3A_147 : memref<100000xf32, #tpu.memory_space<hbm>>) dst(%arg30 : memref<1600xf32, #tpu.memory_space<vmem>>)
        %gt3A_148 = arith.constant 0 : i32
        %gt3A_149 = arith.cmpi sgt, %scan3A_78, %gt3A_148 : i32
        %convert_element_type3A_150 = arith.extui %gt3A_149 : i1 to i32
        %cond3A_151 = arith.constant 0 : i32
        %cond3A_152 = arith.cmpi ne, %convert_element_type3A_150, %cond3A_151 : i32
        scf.if %cond3A_152 {
          %sub3A = arith.constant 64 : i32
          %sub3A_179 = arith.subi %add3A_86, %sub3A : i32
          %min3A_180 = arith.constant 499 : i32
          %min3A_181 = arith.minsi %sub3A_179, %min3A_180 : i32
          %mul3A_182 = arith.constant 1600 : i32
          %mul3A_183 = arith.muli %min3A_181, %mul3A_182 : i32
          %multiple_of3A_184 = tpu.assume_multiple %mul3A_183, 1600 : i32
          %dma_wait3A_185 = tpu.memref_slice %arg9[%multiple_of3A_184] : memref<800000xf32, #tpu.memory_space<hbm>> -> memref<1600xf32, #tpu.memory_space<hbm>>
          %dma_wait3A_186 = tpu.memref_slice %arg9[%multiple_of3A_184] : memref<800000xf32, #tpu.memory_space<hbm>> -> memref<1600xf32, #tpu.memory_space<hbm>>
          tpu.wait_dma2 semaphore(%arg40 : memref<!tpu.dma_semaphore, #tpu.memory_space<semaphore_mem>>) src(%arg33 : memref<1600xf32, #tpu.memory_space<vmem>>) dst(%dma_wait3A_186 : memref<1600xf32, #tpu.memory_space<hbm>>)
          %dma_wait3A_187 = tpu.memref_slice %arg10[%multiple_of3A_184] : memref<800000xf32, #tpu.memory_space<hbm>> -> memref<1600xf32, #tpu.memory_space<hbm>>
          %dma_wait3A_188 = tpu.memref_slice %arg10[%multiple_of3A_184] : memref<800000xf32, #tpu.memory_space<hbm>> -> memref<1600xf32, #tpu.memory_space<hbm>>
          tpu.wait_dma2 semaphore(%arg40 : memref<!tpu.dma_semaphore, #tpu.memory_space<semaphore_mem>>) src(%arg34 : memref<1600xf32, #tpu.memory_space<vmem>>) dst(%dma_wait3A_188 : memref<1600xf32, #tpu.memory_space<hbm>>)
        } else {
        }
        %scan3A_153 = arith.constant 0 : i32
        %scan3A_154 = arith.constant 0 : i32
        %scan3A_155 = arith.constant 100 : i32
        %scan3A_156 = arith.addi %scan3A_154, %scan3A_155 : i32
        %scan3A_157 = arith.constant 1 : i32
        %scan3A_158 = scf.for %scan3A_179 = %scan3A_154 to %scan3A_156 step %scan3A_157 iter_args(%scan3A_180 = %scan3A_153) -> (i32)  : i32 {
          %mul3A_181 = arith.constant 16 : i32
          %mul3A_182 = arith.muli %scan3A_179, %mul3A_181 : i32
          %multiple_of3A_183 = tpu.assume_multiple %mul3A_182, 16 : i32
          %get3A = arith.index_cast %multiple_of3A_183 : i32 to index
          %get3A_184 = tpu.vector_load %arg25[%get3A] {strides = array<i32>} : memref<1600xf32, #tpu.memory_space<vmem>>, vector<16xf32>,
          %get3A_185 = vector.shape_cast %get3A_184 : vector<16xf32> to vector<16xf32>
          %get3A_186 = arith.index_cast %multiple_of3A_183 : i32 to index
          %get3A_187 = tpu.vector_load %arg26[%get3A_186] {strides = array<i32>} : memref<1600xf32, #tpu.memory_space<vmem>>, vector<16xf32>,
          %get3A_188 = vector.shape_cast %get3A_187 : vector<16xf32> to vector<16xf32>
          %get3A_189 = arith.index_cast %multiple_of3A_183 : i32 to index
          %get3A_190 = tpu.vector_load %arg27[%get3A_189] {strides = array<i32>} : memref<1600xf32, #tpu.memory_space<vmem>>, vector<16xf32>,
          %get3A_191 = vector.shape_cast %get3A_190 : vector<16xf32> to vector<16xf32>
          %get3A_192 = arith.index_cast %multiple_of3A_183 : i32 to index
          %get3A_193 = tpu.vector_load %arg28[%get3A_192] {strides = array<i32>} : memref<1600xf32, #tpu.memory_space<vmem>>, vector<16xf32>,
          %get3A_194 = vector.shape_cast %get3A_193 : vector<16xf32> to vector<16xf32>
          %get3A_195 = arith.index_cast %multiple_of3A_183 : i32 to index
          %get3A_196 = tpu.vector_load %arg29[%get3A_195] {strides = array<i32>} : memref<1600xf32, #tpu.memory_space<vmem>>, vector<16xf32>,
          %get3A_197 = vector.shape_cast %get3A_196 : vector<16xf32> to vector<16xf32>
          %get3A_198 = arith.index_cast %multiple_of3A_183 : i32 to index
          %get3A_199 = tpu.vector_load %arg30[%get3A_198] {strides = array<i32>} : memref<1600xf32, #tpu.memory_space<vmem>>, vector<16xf32>,
          %get3A_200 = vector.shape_cast %get3A_199 : vector<16xf32> to vector<16xf32>
          %get3A_201 = arith.index_cast %multiple_of3A_183 : i32 to index
          %get3A_202 = tpu.vector_load %arg31[%get3A_201] {strides = array<i32>} : memref<1600xf32, #tpu.memory_space<vmem>>, vector<16xf32>,
          %get3A_203 = vector.shape_cast %get3A_202 : vector<16xf32> to vector<16xf32>
          %get3A_204 = arith.index_cast %multiple_of3A_183 : i32 to index
          %get3A_205 = tpu.vector_load %arg32[%get3A_204] {strides = array<i32>} : memref<1600xi32, #tpu.memory_space<vmem>>, vector<16xi32>,
          %get3A_206 = vector.shape_cast %get3A_205 : vector<16xi32> to vector<16xi32>
          %ne3A = arith.constant 0 : i32
          %ne3A_207 = vector.broadcast %ne3A : i32 to vector<16xi32>
          %ne3A_208 = arith.cmpi ne, %get3A_206, %ne3A_207 : vector<16xi32>
          %sub3A = arith.subf %get3A_191, %get3A_200 : vector<16xf32>
          %sub3A_209 = arith.subf %get3A_185, %get3A_194 : vector<16xf32>
          %mul3A_210 = arith.constant 8995.76953 : f32
          %mul3A_211 = vector.broadcast %mul3A_210 : f32 to vector<16xf32>
          %mul3A_212 = arith.mulf %mul3A_211, %sub3A_209 : vector<16xf32>
          %sub3A_213 = arith.subf %get3A_188, %get3A_197 : vector<16xf32>
          %mul3A_214 = arith.constant 9.810000e+03 : f32
          %mul3A_215 = vector.broadcast %mul3A_214 : f32 to vector<16xf32>
          %mul3A_216 = arith.mulf %mul3A_215, %sub3A_213 : vector<16xf32>
          %add3A_217 = arith.addf %mul3A_212, %mul3A_216 : vector<16xf32>
          %add3A_218 = arith.addf %add3A_217, %sub3A : vector<16xf32>
          %select_n3A = arith.select %ne3A_208, %sub3A, %add3A_218 : vector<16xi1>, vector<16xf32>
          %neg3A = arith.constant 0.000000e+00 : f32
          %neg3A_219 = vector.broadcast %neg3A : f32 to vector<16xf32>
          %neg3A_220 = arith.subf %neg3A_219, %select_n3A : vector<16xf32>
          %div3A = arith.divf %neg3A_220, %get3A_203 : vector<16xf32>
          %add3A_221 = arith.addf %get3A_185, %get3A_194 : vector<16xf32>
          %mul3A_222 = arith.constant 8995.76953 : f32
          %mul3A_223 = vector.broadcast %mul3A_222 : f32 to vector<16xf32>
          %mul3A_224 = arith.mulf %mul3A_223, %add3A_221 : vector<16xf32>
          %add3A_225 = arith.addf %get3A_191, %get3A_200 : vector<16xf32>
          %sub3A_226 = arith.subf %mul3A_224, %add3A_225 : vector<16xf32>
          %mul3A_227 = arith.constant 5.000000e-01 : f32
          %mul3A_228 = vector.broadcast %mul3A_227 : f32 to vector<16xf32>
          %mul3A_229 = arith.mulf %mul3A_228, %sub3A_226 : vector<16xf32>
          %swap3A = arith.index_cast %multiple_of3A_183 : i32 to index
          %swap3A_230 = tpu.vector_load %arg33[%swap3A] {strides = array<i32>} : memref<1600xf32, #tpu.memory_space<vmem>>, vector<16xf32>,
          %swap3A_231 = vector.shape_cast %swap3A_230 : vector<16xf32> to vector<16xf32>
          %swap3A_232 = vector.shape_cast %div3A : vector<16xf32> to vector<16xf32>
          tpu.vector_store %arg33[%swap3A], %swap3A_232 {strides = array<i32>} : memref<1600xf32, #tpu.memory_space<vmem>>, vector<16xf32>,
          %swap3A_233 = arith.index_cast %multiple_of3A_183 : i32 to index
          %swap3A_234 = tpu.vector_load %arg34[%swap3A_233] {strides = array<i32>} : memref<1600xf32, #tpu.memory_space<vmem>>, vector<16xf32>,
          %swap3A_235 = vector.shape_cast %swap3A_234 : vector<16xf32> to vector<16xf32>
          %swap3A_236 = vector.shape_cast %mul3A_229 : vector<16xf32> to vector<16xf32>
          tpu.vector_store %arg34[%swap3A_233], %swap3A_236 {strides = array<i32>} : memref<1600xf32, #tpu.memory_space<vmem>>, vector<16xf32>,
          %scan3A_237 = arith.constant 0 : i32
          scf.yield %scan3A_237 : i32
        }
        %scan3A_159 = arith.constant 100 : i32
        %min3A_160 = arith.constant 499 : i32
        %min3A_161 = arith.minsi %add3A_86, %min3A_160 : i32
        %mul3A_162 = arith.constant 1600 : i32
        %mul3A_163 = arith.muli %min3A_161, %mul3A_162 : i32
        %multiple_of3A_164 = tpu.assume_multiple %mul3A_163, 1600 : i32
        %dma_start3A_165 = tpu.memref_slice %arg9[%multiple_of3A_164] : memref<800000xf32, #tpu.memory_space<hbm>> -> memref<1600xf32, #tpu.memory_space<hbm>>
        %dma_start3A_166 = tpu.memref_slice %arg9[%multiple_of3A_164] : memref<800000xf32, #tpu.memory_space<hbm>> -> memref<1600xf32, #tpu.memory_space<hbm>>
        tpu.enqueue_dma source(%arg33 : memref<1600xf32, #tpu.memory_space<vmem>>) target(%dma_start3A_166 : memref<1600xf32, #tpu.memory_space<hbm>>) target_semaphore(%arg40 : memref<!tpu.dma_semaphore, #tpu.memory_space<semaphore_mem>>)
        %dma_start3A_167 = tpu.memref_slice %arg10[%multiple_of3A_164] : memref<800000xf32, #tpu.memory_space<hbm>> -> memref<1600xf32, #tpu.memory_space<hbm>>
        %dma_start3A_168 = tpu.memref_slice %arg10[%multiple_of3A_164] : memref<800000xf32, #tpu.memory_space<hbm>> -> memref<1600xf32, #tpu.memory_space<hbm>>
        tpu.enqueue_dma source(%arg34 : memref<1600xf32, #tpu.memory_space<vmem>>) target(%dma_start3A_168 : memref<1600xf32, #tpu.memory_space<hbm>>) target_semaphore(%arg40 : memref<!tpu.dma_semaphore, #tpu.memory_space<semaphore_mem>>)
        %lt3A_169 = arith.constant 500 : i32
        %lt3A_170 = arith.cmpi slt, %add3A_88, %lt3A_169 : i32
        %convert_element_type3A_171 = arith.extui %lt3A_170 : i1 to i32
        %cond3A_172 = arith.constant 0 : i32
        %cond3A_173 = arith.cmpi ne, %convert_element_type3A_171, %cond3A_172 : i32
        scf.if %cond3A_173 {
          %min3A_179 = arith.constant 499 : i32
          %min3A_180 = arith.minsi %add3A_88, %min3A_179 : i32
          %mul3A_181 = arith.constant 1600 : i32
          %mul3A_182 = arith.muli %min3A_180, %mul3A_181 : i32
          %multiple_of3A_183 = tpu.assume_multiple %mul3A_182, 1600 : i32
          %dma_wait3A_184 = tpu.memref_slice %arg5[%multiple_of3A_183] : memref<800000xi32, #tpu.memory_space<hbm>> -> memref<1600xi32, #tpu.memory_space<hbm>>
          %dma_wait3A_185 = tpu.memref_slice %arg5[%multiple_of3A_183] : memref<800000xi32, #tpu.memory_space<hbm>> -> memref<1600xi32, #tpu.memory_space<hbm>>
          tpu.wait_dma2 semaphore(%arg35 : memref<!tpu.dma_semaphore, #tpu.memory_space<semaphore_mem>>) src(%dma_wait3A_185 : memref<1600xi32, #tpu.memory_space<hbm>>) dst(%arg11 : memref<1600xi32, #tpu.memory_space<vmem>>)
          %dma_wait3A_186 = tpu.memref_slice %arg6[%multiple_of3A_183] : memref<800000xi32, #tpu.memory_space<hbm>> -> memref<1600xi32, #tpu.memory_space<hbm>>
          %dma_wait3A_187 = tpu.memref_slice %arg6[%multiple_of3A_183] : memref<800000xi32, #tpu.memory_space<hbm>> -> memref<1600xi32, #tpu.memory_space<hbm>>
          tpu.wait_dma2 semaphore(%arg35 : memref<!tpu.dma_semaphore, #tpu.memory_space<semaphore_mem>>) src(%dma_wait3A_187 : memref<1600xi32, #tpu.memory_space<hbm>>) dst(%arg12 : memref<1600xi32, #tpu.memory_space<vmem>>)
          %dma_wait3A_188 = tpu.memref_slice %arg7[%multiple_of3A_183] : memref<800000xf32, #tpu.memory_space<hbm>> -> memref<1600xf32, #tpu.memory_space<hbm>>
          %dma_wait3A_189 = tpu.memref_slice %arg7[%multiple_of3A_183] : memref<800000xf32, #tpu.memory_space<hbm>> -> memref<1600xf32, #tpu.memory_space<hbm>>
          tpu.wait_dma2 semaphore(%arg35 : memref<!tpu.dma_semaphore, #tpu.memory_space<semaphore_mem>>) src(%dma_wait3A_189 : memref<1600xf32, #tpu.memory_space<hbm>>) dst(%arg19 : memref<1600xf32, #tpu.memory_space<vmem>>)
          %dma_wait3A_190 = tpu.memref_slice %arg8[%multiple_of3A_183] : memref<800000xi32, #tpu.memory_space<hbm>> -> memref<1600xi32, #tpu.memory_space<hbm>>
          %dma_wait3A_191 = tpu.memref_slice %arg8[%multiple_of3A_183] : memref<800000xi32, #tpu.memory_space<hbm>> -> memref<1600xi32, #tpu.memory_space<hbm>>
          tpu.wait_dma2 semaphore(%arg35 : memref<!tpu.dma_semaphore, #tpu.memory_space<semaphore_mem>>) src(%dma_wait3A_191 : memref<1600xi32, #tpu.memory_space<hbm>>) dst(%arg20 : memref<1600xi32, #tpu.memory_space<vmem>>)
          %dma_start3A_192 = arith.constant 0 : i32
          %dma_start3A_193 = tpu.memref_slice %arg2[%dma_start3A_192] : memref<100000xf32, #tpu.memory_space<hbm>> -> memref<100000xf32, #tpu.memory_space<hbm>>
          tpu.enqueue_indirect_dma source(%dma_start3A_193 : memref<100000xf32, #tpu.memory_space<hbm>>) target(%arg13 : memref<1600xf32, #tpu.memory_space<vmem>>) offsets(%arg11 : memref<1600xi32, #tpu.memory_space<vmem>>) semaphore(%arg37 : memref<!tpu.dma_semaphore, #tpu.memory_space<semaphore_mem>>)
          %dma_start3A_194 = arith.constant 0 : i32
          %dma_start3A_195 = tpu.memref_slice %arg3[%dma_start3A_194] : memref<100000xf32, #tpu.memory_space<hbm>> -> memref<100000xf32, #tpu.memory_space<hbm>>
          tpu.enqueue_indirect_dma source(%dma_start3A_195 : memref<100000xf32, #tpu.memory_space<hbm>>) target(%arg14 : memref<1600xf32, #tpu.memory_space<vmem>>) offsets(%arg11 : memref<1600xi32, #tpu.memory_space<vmem>>) semaphore(%arg37 : memref<!tpu.dma_semaphore, #tpu.memory_space<semaphore_mem>>)
          %dma_start3A_196 = arith.constant 0 : i32
          %dma_start3A_197 = tpu.memref_slice %arg4[%dma_start3A_196] : memref<100000xf32, #tpu.memory_space<hbm>> -> memref<100000xf32, #tpu.memory_space<hbm>>
          tpu.enqueue_indirect_dma source(%dma_start3A_197 : memref<100000xf32, #tpu.memory_space<hbm>>) target(%arg15 : memref<1600xf32, #tpu.memory_space<vmem>>) offsets(%arg11 : memref<1600xi32, #tpu.memory_space<vmem>>) semaphore(%arg37 : memref<!tpu.dma_semaphore, #tpu.memory_space<semaphore_mem>>)
          %dma_start3A_198 = arith.constant 0 : i32
          %dma_start3A_199 = tpu.memref_slice %arg2[%dma_start3A_198] : memref<100000xf32, #tpu.memory_space<hbm>> -> memref<100000xf32, #tpu.memory_space<hbm>>
          tpu.enqueue_indirect_dma source(%dma_start3A_199 : memref<100000xf32, #tpu.memory_space<hbm>>) target(%arg16 : memref<1600xf32, #tpu.memory_space<vmem>>) offsets(%arg12 : memref<1600xi32, #tpu.memory_space<vmem>>) semaphore(%arg37 : memref<!tpu.dma_semaphore, #tpu.memory_space<semaphore_mem>>)
          %dma_start3A_200 = arith.constant 0 : i32
          %dma_start3A_201 = tpu.memref_slice %arg3[%dma_start3A_200] : memref<100000xf32, #tpu.memory_space<hbm>> -> memref<100000xf32, #tpu.memory_space<hbm>>
          tpu.enqueue_indirect_dma source(%dma_start3A_201 : memref<100000xf32, #tpu.memory_space<hbm>>) target(%arg17 : memref<1600xf32, #tpu.memory_space<vmem>>) offsets(%arg12 : memref<1600xi32, #tpu.memory_space<vmem>>) semaphore(%arg37 : memref<!tpu.dma_semaphore, #tpu.memory_space<semaphore_mem>>)
          %dma_start3A_202 = arith.constant 0 : i32
          %dma_start3A_203 = tpu.memref_slice %arg4[%dma_start3A_202] : memref<100000xf32, #tpu.memory_space<hbm>> -> memref<100000xf32, #tpu.memory_space<hbm>>
          tpu.enqueue_indirect_dma source(%dma_start3A_203 : memref<100000xf32, #tpu.memory_space<hbm>>) target(%arg18 : memref<1600xf32, #tpu.memory_space<vmem>>) offsets(%arg12 : memref<1600xi32, #tpu.memory_space<vmem>>) semaphore(%arg37 : memref<!tpu.dma_semaphore, #tpu.memory_space<semaphore_mem>>)
        } else {
        }
        %lt3A_174 = arith.constant 500 : i32
        %lt3A_175 = arith.cmpi slt, %add3A_90, %lt3A_174 : i32
        %convert_element_type3A_176 = arith.extui %lt3A_175 : i1 to i32
        %cond3A_177 = arith.constant 0 : i32
        %cond3A_178 = arith.cmpi ne, %convert_element_type3A_176, %cond3A_177 : i32
        scf.if %cond3A_178 {
          %min3A_179 = arith.constant 499 : i32
          %min3A_180 = arith.minsi %add3A_90, %min3A_179 : i32
          %mul3A_181 = arith.constant 1600 : i32
          %mul3A_182 = arith.muli %min3A_180, %mul3A_181 : i32
          %multiple_of3A_183 = tpu.assume_multiple %mul3A_182, 1600 : i32
          %dma_start3A_184 = tpu.memref_slice %arg5[%multiple_of3A_183] : memref<800000xi32, #tpu.memory_space<hbm>> -> memref<1600xi32, #tpu.memory_space<hbm>>
          %dma_start3A_185 = tpu.memref_slice %arg5[%multiple_of3A_183] : memref<800000xi32, #tpu.memory_space<hbm>> -> memref<1600xi32, #tpu.memory_space<hbm>>
          tpu.enqueue_dma source(%dma_start3A_185 : memref<1600xi32, #tpu.memory_space<hbm>>) target(%arg23 : memref<1600xi32, #tpu.memory_space<vmem>>) target_semaphore(%arg36 : memref<!tpu.dma_semaphore, #tpu.memory_space<semaphore_mem>>)
          %dma_start3A_186 = tpu.memref_slice %arg6[%multiple_of3A_183] : memref<800000xi32, #tpu.memory_space<hbm>> -> memref<1600xi32, #tpu.memory_space<hbm>>
          %dma_start3A_187 = tpu.memref_slice %arg6[%multiple_of3A_183] : memref<800000xi32, #tpu.memory_space<hbm>> -> memref<1600xi32, #tpu.memory_space<hbm>>
          tpu.enqueue_dma source(%dma_start3A_187 : memref<1600xi32, #tpu.memory_space<hbm>>) target(%arg24 : memref<1600xi32, #tpu.memory_space<vmem>>) target_semaphore(%arg36 : memref<!tpu.dma_semaphore, #tpu.memory_space<semaphore_mem>>)
          %dma_start3A_188 = tpu.memref_slice %arg7[%multiple_of3A_183] : memref<800000xf32, #tpu.memory_space<hbm>> -> memref<1600xf32, #tpu.memory_space<hbm>>
          %dma_start3A_189 = tpu.memref_slice %arg7[%multiple_of3A_183] : memref<800000xf32, #tpu.memory_space<hbm>> -> memref<1600xf32, #tpu.memory_space<hbm>>
          tpu.enqueue_dma source(%dma_start3A_189 : memref<1600xf32, #tpu.memory_space<hbm>>) target(%arg31 : memref<1600xf32, #tpu.memory_space<vmem>>) target_semaphore(%arg36 : memref<!tpu.dma_semaphore, #tpu.memory_space<semaphore_mem>>)
          %dma_start3A_190 = tpu.memref_slice %arg8[%multiple_of3A_183] : memref<800000xi32, #tpu.memory_space<hbm>> -> memref<1600xi32, #tpu.memory_space<hbm>>
          %dma_start3A_191 = tpu.memref_slice %arg8[%multiple_of3A_183] : memref<800000xi32, #tpu.memory_space<hbm>> -> memref<1600xi32, #tpu.memory_space<hbm>>
          tpu.enqueue_dma source(%dma_start3A_191 : memref<1600xi32, #tpu.memory_space<hbm>>) target(%arg32 : memref<1600xi32, #tpu.memory_space<vmem>>) target_semaphore(%arg36 : memref<!tpu.dma_semaphore, #tpu.memory_space<semaphore_mem>>)
        } else {
        }
      } else {
      }
      %scan3A_135 = arith.constant 0 : i32
      scf.yield %scan3A_135 : i32
    }
    %scan3A_55 = arith.constant 8 : i32
    %add3A_56 = arith.constant 448 : i32
    %add3A_57 = arith.addi %add3A, %add3A_56 : i32
    %min3A_58 = arith.constant 499 : i32
    %min3A_59 = arith.minsi %add3A_57, %min3A_58 : i32
    %mul3A_60 = arith.constant 1600 : i32
    %mul3A_61 = arith.muli %min3A_59, %mul3A_60 : i32
    %multiple_of3A_62 = tpu.assume_multiple %mul3A_61, 1600 : i32
    %dma_wait3A_63 = tpu.memref_slice %arg9[%multiple_of3A_62] : memref<800000xf32, #tpu.memory_space<hbm>> -> memref<1600xf32, #tpu.memory_space<hbm>>
    %dma_wait3A_64 = tpu.memref_slice %arg9[%multiple_of3A_62] : memref<800000xf32, #tpu.memory_space<hbm>> -> memref<1600xf32, #tpu.memory_space<hbm>>
    tpu.wait_dma2 semaphore(%arg39 : memref<!tpu.dma_semaphore, #tpu.memory_space<semaphore_mem>>) src(%arg21 : memref<1600xf32, #tpu.memory_space<vmem>>) dst(%dma_wait3A_64 : memref<1600xf32, #tpu.memory_space<hbm>>)
    %dma_wait3A_65 = tpu.memref_slice %arg10[%multiple_of3A_62] : memref<800000xf32, #tpu.memory_space<hbm>> -> memref<1600xf32, #tpu.memory_space<hbm>>
    %dma_wait3A_66 = tpu.memref_slice %arg10[%multiple_of3A_62] : memref<800000xf32, #tpu.memory_space<hbm>> -> memref<1600xf32, #tpu.memory_space<hbm>>
    tpu.wait_dma2 semaphore(%arg39 : memref<!tpu.dma_semaphore, #tpu.memory_space<semaphore_mem>>) src(%arg22 : memref<1600xf32, #tpu.memory_space<vmem>>) dst(%dma_wait3A_66 : memref<1600xf32, #tpu.memory_space<hbm>>)
    %add3A_67 = arith.constant 480 : i32
    %add3A_68 = arith.addi %add3A, %add3A_67 : i32
    %min3A_69 = arith.constant 499 : i32
    %min3A_70 = arith.minsi %add3A_68, %min3A_69 : i32
    %mul3A_71 = arith.constant 1600 : i32
    %mul3A_72 = arith.muli %min3A_70, %mul3A_71 : i32
    %multiple_of3A_73 = tpu.assume_multiple %mul3A_72, 1600 : i32
    %dma_wait3A_74 = tpu.memref_slice %arg9[%multiple_of3A_73] : memref<800000xf32, #tpu.memory_space<hbm>> -> memref<1600xf32, #tpu.memory_space<hbm>>
    %dma_wait3A_75 = tpu.memref_slice %arg9[%multiple_of3A_73] : memref<800000xf32, #tpu.memory_space<hbm>> -> memref<1600xf32, #tpu.memory_space<hbm>>
    tpu.wait_dma2 semaphore(%arg40 : memref<!tpu.dma_semaphore, #tpu.memory_space<semaphore_mem>>) src(%arg33 : memref<1600xf32, #tpu.memory_space<vmem>>) dst(%dma_wait3A_75 : memref<1600xf32, #tpu.memory_space<hbm>>)
    %dma_wait3A_76 = tpu.memref_slice %arg10[%multiple_of3A_73] : memref<800000xf32, #tpu.memory_space<hbm>> -> memref<1600xf32, #tpu.memory_space<hbm>>
    %dma_wait3A_77 = tpu.memref_slice %arg10[%multiple_of3A_73] : memref<800000xf32, #tpu.memory_space<hbm>> -> memref<1600xf32, #tpu.memory_space<hbm>>
    tpu.wait_dma2 semaphore(%arg40 : memref<!tpu.dma_semaphore, #tpu.memory_space<semaphore_mem>>) src(%arg34 : memref<1600xf32, #tpu.memory_space<vmem>>) dst(%dma_wait3A_77 : memref<1600xf32, #tpu.memory_space<hbm>>)
    return
  }
}

module attributes {stable_mosaic.version = 14 : i64} {
  func.func @_rk4_body(%arg0: memref<1x1xf32, #tpu.memory_space<smem>>, %arg1: memref<6250x128xf32, #tpu.memory_space<vmem>>, %arg2: memref<6250x128xf32, #tpu.memory_space<vmem>>, %arg3: memref<6250x128xf32, #tpu.memory_space<vmem>>, %arg4: memref<6250x128xf32, #tpu.memory_space<vmem>>, %arg5: memref<6250x128xi32, #tpu.memory_space<vmem>>, %arg6: memref<6250x128xf32, #tpu.memory_space<vmem>>, %arg7: memref<6250x128xf32, #tpu.memory_space<vmem>>) attributes {dimension_semantics = [], scalar_prefetch = 0 : i64, scratch_operands = 0 : i64, tpu.core_type = #tpu.core_type<tc>} {
    %get3A = arith.constant 0 : index
    %get3A_0 = arith.constant 0 : index
    %get3A_1 = memref.load %arg0[%get3A, %get3A_0] : memref<1x1xf32, #tpu.memory_space<smem>>
    %get3A_2 = arith.constant 0 : index
    %get3A_3 = arith.constant 0 : index
    %get3A_4 = vector.load %arg1[%get3A_2, %get3A_3] : memref<6250x128xf32, #tpu.memory_space<vmem>>, vector<6250x128xf32>
    %get3A_5 = arith.constant 0 : index
    %get3A_6 = arith.constant 0 : index
    %get3A_7 = vector.load %arg2[%get3A_5, %get3A_6] : memref<6250x128xf32, #tpu.memory_space<vmem>>, vector<6250x128xf32>
    %get3A_8 = arith.constant 0 : index
    %get3A_9 = arith.constant 0 : index
    %get3A_10 = vector.load %arg3[%get3A_8, %get3A_9] : memref<6250x128xf32, #tpu.memory_space<vmem>>, vector<6250x128xf32>
    %get3A_11 = arith.constant 0 : index
    %get3A_12 = arith.constant 0 : index
    %get3A_13 = vector.load %arg5[%get3A_11, %get3A_12] : memref<6250x128xi32, #tpu.memory_space<vmem>>, vector<6250x128xi32>
    %ne3A = arith.constant 0 : i32
    %ne3A_14 = vector.broadcast %ne3A : i32 to vector<6250x128xi32>
    %ne3A_15 = arith.cmpi ne, %get3A_13, %ne3A_14 : vector<6250x128xi32>
    %ge3A = arith.constant 0.000000e+00 : f32
    %ge3A_16 = vector.broadcast %ge3A : f32 to vector<6250x128xf32>
    %ge3A_17 = arith.cmpf oge, %get3A_4, %ge3A_16 : vector<6250x128xf32>
    %jit3A = arith.constant 1.000000e+00 : f32
    %jit3A_18 = arith.constant -1.000000e+00 : f32
    %broadcast_in_dim3A = vector.broadcast %jit3A : f32 to vector<6250x128xf32>
    %broadcast_in_dim3A_19 = vector.broadcast %jit3A_18 : f32 to vector<6250x128xf32>
    %select_n3A = arith.select %ge3A_17, %broadcast_in_dim3A, %broadcast_in_dim3A_19 : vector<6250x128xi1>, vector<6250x128xf32>
    %abs3A = math.absf %get3A_4 : vector<6250x128xf32>
    %lt3A = arith.constant 9.99999996E-13 : f32
    %lt3A_20 = vector.broadcast %lt3A : f32 to vector<6250x128xf32>
    %lt3A_21 = arith.cmpf olt, %abs3A, %lt3A_20 : vector<6250x128xf32>
    %mul3A = arith.constant 9.99999996E-13 : f32
    %mul3A_22 = vector.broadcast %mul3A : f32 to vector<6250x128xf32>
    %mul3A_23 = arith.mulf %select_n3A, %mul3A_22 : vector<6250x128xf32>
    %select_n3A_24 = arith.select %lt3A_21, %mul3A_23, %get3A_4 : vector<6250x128xi1>, vector<6250x128xf32>
    %abs3A_25 = math.absf %select_n3A_24 : vector<6250x128xf32>
    %rsqrt3A = math.rsqrt %abs3A_25 : vector<6250x128xf32>
    %mul3A_26 = arith.mulf %rsqrt3A, %select_n3A_24 : vector<6250x128xf32>
    %max3A = arith.constant 0.000000e+00 : f32
    %max3A_27 = vector.broadcast %max3A : f32 to vector<6250x128xf32>
    %max3A_28 = arith.maximumf %get3A_10, %max3A_27 : vector<6250x128xf32>
    %sqrt3A = math.sqrt %max3A_28 : vector<6250x128xf32>
    %sqrt3A_29 = math.sqrt %sqrt3A : vector<6250x128xf32>
    %mul3A_30 = arith.mulf %max3A_28, %sqrt3A_29 : vector<6250x128xf32>
    %mul3A_31 = arith.constant 0.330752581 : f32
    %mul3A_32 = vector.broadcast %mul3A_31 : f32 to vector<6250x128xf32>
    %mul3A_33 = arith.mulf %mul3A_32, %mul3A_30 : vector<6250x128xf32>
    %mul3A_34 = arith.mulf %mul3A_33, %mul3A_26 : vector<6250x128xf32>
    %mul3A_35 = arith.constant 1.07668607E-9 : f32
    %mul3A_36 = vector.broadcast %mul3A_35 : f32 to vector<6250x128xf32>
    %mul3A_37 = arith.mulf %mul3A_36, %mul3A_26 : vector<6250x128xf32>
    %mul3A_38 = arith.mulf %mul3A_37, %get3A_4 : vector<6250x128xf32>
    %get3A_39 = arith.constant 0 : index
    %get3A_40 = arith.constant 0 : index
    %get3A_41 = vector.load %arg4[%get3A_39, %get3A_40] : memref<6250x128xf32, #tpu.memory_space<vmem>>, vector<6250x128xf32>
    %mul3A_42 = arith.constant 1.000000e-01 : f32
    %mul3A_43 = vector.broadcast %mul3A_42 : f32 to vector<6250x128xf32>
    %mul3A_44 = arith.mulf %get3A_41, %mul3A_43 : vector<6250x128xf32>
    %mul3A_45 = arith.mulf %get3A_7, %get3A_7 : vector<6250x128xf32>
    %mul3A_46 = arith.mulf %mul3A_45, %get3A_7 : vector<6250x128xf32>
    %mul3A_47 = arith.constant 4.44444431E-25 : f32
    %mul3A_48 = vector.broadcast %mul3A_47 : f32 to vector<6250x128xf32>
    %mul3A_49 = arith.mulf %mul3A_48, %mul3A_46 : vector<6250x128xf32>
    %max3A_50 = arith.constant 0.000000e+00 : f32
    %max3A_51 = vector.broadcast %max3A_50 : f32 to vector<6250x128xf32>
    %max3A_52 = arith.maximumf %get3A_10, %max3A_51 : vector<6250x128xf32>
    %sqrt3A_53 = math.sqrt %max3A_52 : vector<6250x128xf32>
    %sqrt3A_54 = math.sqrt %sqrt3A_53 : vector<6250x128xf32>
    %mul3A_55 = arith.mulf %max3A_52, %sqrt3A_54 : vector<6250x128xf32>
    %mul3A_56 = arith.mulf %mul3A_38, %mul3A_55 : vector<6250x128xf32>
    %add3A = arith.addf %mul3A_56, %mul3A_44 : vector<6250x128xf32>
    %mul3A_57 = arith.mulf %mul3A_49, %get3A_10 : vector<6250x128xf32>
    %sub3A = arith.subf %add3A, %mul3A_57 : vector<6250x128xf32>
    %jit3A_58 = arith.constant 0.000000e+00 : f32
    %broadcast_in_dim3A_59 = vector.broadcast %jit3A_58 : f32 to vector<6250x128xf32>
    %select_n3A_60 = arith.select %ne3A_15, %broadcast_in_dim3A_59, %sub3A : vector<6250x128xi1>, vector<6250x128xf32>
    %mul3A_61 = arith.constant 5.000000e-01 : f32
    %mul3A_62 = arith.mulf %get3A_1, %mul3A_61 : f32
    %mul3A_63 = vector.broadcast %mul3A_62 : f32 to vector<6250x128xf32>
    %mul3A_64 = arith.mulf %select_n3A_60, %mul3A_63 : vector<6250x128xf32>
    %add3A_65 = arith.addf %get3A_10, %mul3A_64 : vector<6250x128xf32>
    %max3A_66 = arith.constant 0.000000e+00 : f32
    %max3A_67 = vector.broadcast %max3A_66 : f32 to vector<6250x128xf32>
    %max3A_68 = arith.maximumf %add3A_65, %max3A_67 : vector<6250x128xf32>
    %sqrt3A_69 = math.sqrt %max3A_68 : vector<6250x128xf32>
    %sqrt3A_70 = math.sqrt %sqrt3A_69 : vector<6250x128xf32>
    %mul3A_71 = arith.mulf %max3A_68, %sqrt3A_70 : vector<6250x128xf32>
    %mul3A_72 = arith.mulf %mul3A_38, %mul3A_71 : vector<6250x128xf32>
    %add3A_73 = arith.addf %mul3A_72, %mul3A_44 : vector<6250x128xf32>
    %mul3A_74 = arith.mulf %mul3A_49, %add3A_65 : vector<6250x128xf32>
    %sub3A_75 = arith.subf %add3A_73, %mul3A_74 : vector<6250x128xf32>
    %jit3A_76 = arith.constant 0.000000e+00 : f32
    %broadcast_in_dim3A_77 = vector.broadcast %jit3A_76 : f32 to vector<6250x128xf32>
    %select_n3A_78 = arith.select %ne3A_15, %broadcast_in_dim3A_77, %sub3A_75 : vector<6250x128xi1>, vector<6250x128xf32>
    %mul3A_79 = arith.constant 5.000000e-01 : f32
    %mul3A_80 = arith.mulf %get3A_1, %mul3A_79 : f32
    %mul3A_81 = vector.broadcast %mul3A_80 : f32 to vector<6250x128xf32>
    %mul3A_82 = arith.mulf %select_n3A_78, %mul3A_81 : vector<6250x128xf32>
    %add3A_83 = arith.addf %get3A_10, %mul3A_82 : vector<6250x128xf32>
    %max3A_84 = arith.constant 0.000000e+00 : f32
    %max3A_85 = vector.broadcast %max3A_84 : f32 to vector<6250x128xf32>
    %max3A_86 = arith.maximumf %add3A_83, %max3A_85 : vector<6250x128xf32>
    %sqrt3A_87 = math.sqrt %max3A_86 : vector<6250x128xf32>
    %sqrt3A_88 = math.sqrt %sqrt3A_87 : vector<6250x128xf32>
    %mul3A_89 = arith.mulf %max3A_86, %sqrt3A_88 : vector<6250x128xf32>
    %mul3A_90 = arith.mulf %mul3A_38, %mul3A_89 : vector<6250x128xf32>
    %add3A_91 = arith.addf %mul3A_90, %mul3A_44 : vector<6250x128xf32>
    %mul3A_92 = arith.mulf %mul3A_49, %add3A_83 : vector<6250x128xf32>
    %sub3A_93 = arith.subf %add3A_91, %mul3A_92 : vector<6250x128xf32>
    %jit3A_94 = arith.constant 0.000000e+00 : f32
    %broadcast_in_dim3A_95 = vector.broadcast %jit3A_94 : f32 to vector<6250x128xf32>
    %select_n3A_96 = arith.select %ne3A_15, %broadcast_in_dim3A_95, %sub3A_93 : vector<6250x128xi1>, vector<6250x128xf32>
    %mul3A_97 = vector.broadcast %get3A_1 : f32 to vector<6250x128xf32>
    %mul3A_98 = arith.mulf %select_n3A_96, %mul3A_97 : vector<6250x128xf32>
    %add3A_99 = arith.addf %get3A_10, %mul3A_98 : vector<6250x128xf32>
    %max3A_100 = arith.constant 0.000000e+00 : f32
    %max3A_101 = vector.broadcast %max3A_100 : f32 to vector<6250x128xf32>
    %max3A_102 = arith.maximumf %add3A_99, %max3A_101 : vector<6250x128xf32>
    %sqrt3A_103 = math.sqrt %max3A_102 : vector<6250x128xf32>
    %sqrt3A_104 = math.sqrt %sqrt3A_103 : vector<6250x128xf32>
    %mul3A_105 = arith.mulf %max3A_102, %sqrt3A_104 : vector<6250x128xf32>
    %mul3A_106 = arith.mulf %mul3A_38, %mul3A_105 : vector<6250x128xf32>
    %add3A_107 = arith.addf %mul3A_106, %mul3A_44 : vector<6250x128xf32>
    %mul3A_108 = arith.mulf %mul3A_49, %add3A_99 : vector<6250x128xf32>
    %sub3A_109 = arith.subf %add3A_107, %mul3A_108 : vector<6250x128xf32>
    %jit3A_110 = arith.constant 0.000000e+00 : f32
    %broadcast_in_dim3A_111 = vector.broadcast %jit3A_110 : f32 to vector<6250x128xf32>
    %select_n3A_112 = arith.select %ne3A_15, %broadcast_in_dim3A_111, %sub3A_109 : vector<6250x128xi1>, vector<6250x128xf32>
    %mul3A_113 = arith.constant 2.000000e+00 : f32
    %mul3A_114 = vector.broadcast %mul3A_113 : f32 to vector<6250x128xf32>
    %mul3A_115 = arith.mulf %mul3A_114, %select_n3A_78 : vector<6250x128xf32>
    %add3A_116 = arith.addf %select_n3A_60, %mul3A_115 : vector<6250x128xf32>
    %mul3A_117 = arith.constant 2.000000e+00 : f32
    %mul3A_118 = vector.broadcast %mul3A_117 : f32 to vector<6250x128xf32>
    %mul3A_119 = arith.mulf %mul3A_118, %select_n3A_96 : vector<6250x128xf32>
    %add3A_120 = arith.addf %add3A_116, %mul3A_119 : vector<6250x128xf32>
    %add3A_121 = arith.addf %add3A_120, %select_n3A_112 : vector<6250x128xf32>
    %mul3A_122 = vector.broadcast %get3A_1 : f32 to vector<6250x128xf32>
    %mul3A_123 = arith.mulf %mul3A_122, %add3A_121 : vector<6250x128xf32>
    %mul3A_124 = arith.constant 0.166666672 : f32
    %mul3A_125 = vector.broadcast %mul3A_124 : f32 to vector<6250x128xf32>
    %mul3A_126 = arith.mulf %mul3A_123, %mul3A_125 : vector<6250x128xf32>
    %add3A_127 = arith.addf %get3A_10, %mul3A_126 : vector<6250x128xf32>
    %lt3A_128 = arith.constant 0.000000e+00 : f32
    %lt3A_129 = vector.broadcast %lt3A_128 : f32 to vector<6250x128xf32>
    %lt3A_130 = arith.cmpf olt, %add3A_127, %lt3A_129 : vector<6250x128xf32>
    %jit3A_131 = arith.constant 0.000000e+00 : f32
    %broadcast_in_dim3A_132 = vector.broadcast %jit3A_131 : f32 to vector<6250x128xf32>
    %select_n3A_133 = arith.select %lt3A_130, %broadcast_in_dim3A_132, %add3A_127 : vector<6250x128xi1>, vector<6250x128xf32>
    %jit3A_134 = arith.constant 0.000000e+00 : f32
    %broadcast_in_dim3A_135 = vector.broadcast %jit3A_134 : f32 to vector<6250x128xf32>
    %select_n3A_136 = arith.select %ne3A_15, %broadcast_in_dim3A_135, %select_n3A_133 : vector<6250x128xi1>, vector<6250x128xf32>
    %swap3A = arith.constant 0 : index
    %swap3A_137 = arith.constant 0 : index
    %swap3A_138 = vector.load %arg6[%swap3A, %swap3A_137] : memref<6250x128xf32, #tpu.memory_space<vmem>>, vector<6250x128xf32>
    tpu.vector_store %arg6[%swap3A, %swap3A_137], %select_n3A_136 {strides = array<i32>} : memref<6250x128xf32, #tpu.memory_space<vmem>>, vector<6250x128xf32>,
    %swap3A_139 = arith.constant 0 : index
    %swap3A_140 = arith.constant 0 : index
    %swap3A_141 = vector.load %arg7[%swap3A_139, %swap3A_140] : memref<6250x128xf32, #tpu.memory_space<vmem>>, vector<6250x128xf32>
    tpu.vector_store %arg7[%swap3A_139, %swap3A_140], %mul3A_34 {strides = array<i32>} : memref<6250x128xf32, #tpu.memory_space<vmem>>, vector<6250x128xf32>,
    return
  }
}

</mosaic_0001>

<sc_bundles>
// kernel: kernel.5.cloned.1.call-start
scs
__scs_entry_jumppad:
0x0: {  	(pc) =	sbr.rel $0x88, $3  }
0x1: {  	(tag) =	ssettag $0x0;
	lr =	simm.s32 $0x1  }
0x2: {  	[smem:$0x3F94] =	sst lr;
	_ =	strace $0xD0000000  }
0x3: {  	_ = 	snop  }
0x4: {  	_ = 	snop  }
0x5: {  	_ = 	snop  }
0x6: {  	_ = 	snop  }
0x7: {  	_ = 	snop  }
__scs_overlays_trampoline_lowered:
0x8: {  	[smem:$0x3FA3] =	sst s0  }
0x9: {  	[smem:$0x3FA4] =	sst s1  }
0xa: {  	[smem:$0x3FA5] =	sst s2  }
0xb: {  	[smem:$0x3FA6] =	sst s3  }
0xc: {  	[smem:$0x3FA7] =	sst s4  }
0xd: {  	[smem:$0x3FA8] =	sst s5  }
0xe: {  	[smem:$0x3FA9] =	sst s6  }
0xf: {  	[smem:$0x3FAA] =	sst s7  }
0x10: {  	[smem:$0x3FAB] =	sst s8  }
0x11: {  	[smem:$0x3FAC] =	sst s9;
	s0 =	simm.s32 @!p0 $0x0  }
0x12: {  	s1 =	sld [smem:$0x3F92];
	s0 =	simm.s32 @p0 $0x1  }
0x13: {  	[smem:$0x3FAD] =	sst s0;
	s0 =	simm.s32 @!p1 $0x0  }
0x14: {  	s2 =	sld [smem:$0x3F91];
	s0 =	simm.s32 @p1 $0x1  }
0x15: {  	[smem:$0x3FAE] =	sst s0;
	s0 =	simm.s32 @!p2 $0x0  }
0x16: {  	s3 =	sld [smem:$0x3FDB];
	s0 =	simm.s32 @p2 $0x1  }
0x17: {  	s4 =	simm.s32 $0x1BF5;
	[smem:$0x3FB0] =	sst s0  }
0x18: {  	s0 =	sld [smem:$0x3F93];
	_ =	swait.ge [sflag:s4], $0x0  }
0x19: {  	s7 =	sld [smem:$0x3F94]  }
0x1a: {  	s8 =	sadd.s32 $0xFFFFE003, lr  }
0x1b: {  	s9 =	sadd.s32 $0xFFFFFEF7, lr;
	s5 =	simm.s32 $0xFFFFFFFF;
	p2 =	slt.u32 s8, $0xFFFFF086  }
0x1c: {  	p1 =	slt.u32 s9, $0xF7A;
	s5 =	simm.s32 @!p2 $0x0  }
0x1d: {  	s5 =	simm.s32 @p1 $0x1;
	p0 =	seq.s32 s7, s2  }
0x1e: {  	s7 =	smul.u32 @!p0 $0xF7A, s2;
	p2 =	seq.s32 @!p0 s5, $0x0  }
0x1f: {  	s9 =	smul.u32 $0xF7A, s1;
	s8 =	simm.s32 @!p0 $0x1BF5;
	p2 =	por !p2, p0  }
0x20: {  	[sflag:s8] =	ssyncset.s32 @!p0 $0xFFFFF086;
	s6 =	sadd.s32 @!p0 s3, s7;
	s7 =	simm.s32 @!p0 $0x108  }
0x21: {  	s3 =	sadd.s32 s3, s9;
	s6 =	sadd.s32 @!p0 $0x88, s6;
	s7 =	simm.s32 @p2 $0x1082  }
0x22: {  	[simem:s7], [sflag:s8] =	dma.local @!p0 [hbm:s6], $0xF7A  }
0x23: {  	s9 =	sor.u32 $0xD0000000, s2;
	s6 =	simm.s32 $0x108;
	_ =	swait.ge @!p0 [sflag:s8], $0x0  }
0x24: {  	s3 =	sadd.s32 $0x88, s3;
	s6 =	simm.s32 @!p1 $0x1082;
	[sflag:s4] =	ssyncset.s32 $0xFFFFF086  }
0x25: {  	[simem:s6], [sflag:s4] =	dma.local [hbm:s3], $0xF7A  }
0x26: {  	[smem:$0x3F94] =	sst s1;
	(tag) =	ssettag s2;
	_ =	strace s9  }
0x27: {  	s1 =	sld [smem:$0x3FA4]  }
0x28: {  	s2 =	sld [smem:$0x3FA5]  }
0x29: {  	s4 =	sld [smem:$0x3FA7]  }
0x2a: {  	p0 =	seq.s32 s5, $0x0;
	s5 =	sld [smem:$0x3FA8]  }
0x2b: {  	s6 =	sld [smem:$0x3FA9]  }
0x2c: {  	s7 =	sld [smem:$0x3FAA]  }
0x2d: {  	s3 =	simm.s32 $0x108;
	s8 =	sld [smem:$0x3FAB]  }
0x2e: {  	s3 =	simm.s32 @!p0 $0x1082;
	s9 =	sld [smem:$0x3FAC]  }
0x2f: {  	lr =	sadd.s32 s0, s3;
	s0 =	sld [smem:$0x3FA3]  }
0x30: {  	s3 =	sld [smem:$0x3FA6]  }
0x31: {  	[smem:$0x3FAF] =	sst s10  }
0x32: {  	s10 =	sld [smem:$0x3FAD];
	_ =	sdelay $0x3  }
0x33: {  	p0 =	seq.s32 s10, $0x1;
	s10 =	sld [smem:$0x3FAF];
	_ =	sdelay $0x3  }
0x34: {  	[smem:$0x3FAF] =	sst s10  }
0x35: {  	s10 =	sld [smem:$0x3FAE];
	_ =	sdelay $0x3  }
0x36: {  	p1 =	seq.s32 s10, $0x1;
	s10 =	sld [smem:$0x3FAF];
	_ =	sdelay $0x3  }
0x37: {  	[smem:$0x3FAF] =	sst s10  }
0x38: {  	s10 =	sld [smem:$0x3FB0]  }
0x39: {  	_ = 	snop;
	(pc) =	sbr.ind lr, $3  }
0x3a: {  	_ = 	snop  }
0x3b: {  	_ = 	snop  }
0x3c: {  	p2 =	seq.s32 s10, $0x1;
	s10 =	sld [smem:$0x3FAF]  }
0x3d: {  	_ =	shalt  }
0x3e: {  	_ =	shalt  }
0x3f: {  	_ =	shalt  }
0x40: {  	_ =	shalt  }
0x41: {  	_ =	shalt  }
0x42: {  	_ =	shalt  }
0x43: {  	_ =	shalt  }
0x44: {  	_ =	shalt  }
0x45: {  	_ =	shalt  }
0x46: {  	_ =	shalt  }
0x47: {  	_ =	shalt  }
0x48: {  	_ =	shalt  }
0x49: {  	_ =	shalt  }
0x4a: {  	_ =	shalt  }
0x4b: {  	_ =	shalt  }
0x4c: {  	_ =	shalt  }
0x4d: {  	_ =	shalt  }
0x4e: {  	_ =	shalt  }
0x4f: {  	_ =	shalt  }
0x50: {  	_ =	shalt  }
0x51: {  	_ =	shalt  }
0x52: {  	_ =	shalt  }
0x53: {  	_ =	shalt  }
0x54: {  	_ =	shalt  }
0x55: {  	_ =	shalt  }
0x56: {  	_ =	shalt  }
0x57: {  	_ =	shalt  }
0x58: {  	_ =	shalt  }
0x59: {  	_ =	shalt  }
0x5a: {  	_ =	shalt  }
0x5b: {  	_ =	shalt  }
0x5c: {  	_ =	shalt  }
0x5d: {  	_ =	shalt  }
0x5e: {  	_ =	shalt  }
0x5f: {  	_ =	shalt  }
0x60: {  	_ =	shalt  }
0x61: {  	_ =	shalt  }
0x62: {  	_ =	shalt  }
0x63: {  	_ =	shalt  }
0x64: {  	_ =	shalt  }
0x65: {  	_ =	shalt  }
0x66: {  	_ =	shalt  }
0x67: {  	_ =	shalt  }
0x68: {  	_ =	shalt  }
0x69: {  	_ =	shalt  }
0x6a: {  	_ =	shalt  }
0x6b: {  	_ =	shalt  }
0x6c: {  	_ =	shalt  }
0x6d: {  	_ =	shalt  }
0x6e: {  	_ =	shalt  }
0x6f: {  	_ =	shalt  }
0x70: {  	_ =	shalt  }
0x71: {  	_ =	shalt  }
0x72: {  	_ =	shalt  }
0x73: {  	_ =	shalt  }
0x74: {  	_ =	shalt  }
0x75: {  	_ =	shalt  }
0x76: {  	_ =	shalt  }
0x77: {  	_ =	shalt  }
0x78: {  	_ =	shalt  }
0x79: {  	_ =	shalt  }
0x7a: {  	_ =	shalt  }
0x7b: {  	_ =	shalt  }
0x7c: {  	_ =	shalt  }
0x7d: {  	_ =	shalt  }
0x7e: {  	_ =	shalt  }
0x7f: {  	_ =	shalt  }
0x80: {  	_ =	shalt  }
0x81: {  	_ =	shalt  }
0x82: {  	_ =	shalt  }
0x83: {  	_ =	shalt  }
0x84: {  	_ =	shalt  }
0x85: {  	_ =	shalt  }
0x86: {  	_ =	shalt  }
0x87: {  	_ =	shalt  }
.Lfunc_end0:
.L_simem_size_0:
called_computation_lowered:
.L_overlay_start_0:
0x88: {  	s2 =	sld [smem:$0x3FD9]  }
0x89: {  	s3 =	sld [smem:$0x3FFE];
	_ =	sdelay $0x1  }
0x8a: {  	s1 =	srdreg.scid  }
0x8b: {  	s0 =	sand.u32 $0x1, s1  }
0x8c: {  	s14 =	sshll.u32 s0, $0xA;
	s2 =	sadd.s32 s3, s2  }
0x8d: {  	s2 =	sadd.s32 s2, s14  }
0x8e: {  	[smem:$0x3FBB] =	sst s2  }
0x8f: {  	_ = 	snop  }
0x90: {  	s2 =	sld [smem:$0x3FC9]  }
0x91: {  	s15 =	sld [smem:$0x3FC8]  }
0x92: {  	s4 =	sld [smem:$0x3FC7]  }
0x93: {  	s5 =	sld [smem:$0x3FC4]  }
0x94: {  	s6 =	sld [smem:$0x3FD0]  }
0x95: {  	s7 =	sld [smem:$0x3FC3]  }
0x96: {  	s8 =	sld [smem:$0x3FC2]  }
0x97: {  	s10 =	simm.s32 $0xA;
	s11 =	simm.s32 $0x10;
	s9 =	sld [smem:$0x3FBF]  }
0x98: {  	[smem:s11], [sflag:s10] =	dma.local [hbm:s6], $0x1  }
0x99: {  	_ =	swait.eq [sflag:s10], $0x1  }
0x9a: {  	[sflag:s10] =	ssyncset.done $0x0  }
0x9b: {  	[sflag:s10] =	ssyncadd.s32 $0xFFFFFFFF  }
0x9c: {  	s16 =	sld [smem:$0x10];
	(tm) =	ssettm $0x1  }
0x9d: {  	s17 =	sld [smem:$0x3FFB];
	_ =	sdelay $0x3  }
0x9e: {  	_ =	strace s17  }
0x9f: {  	s10 =	sld [smem:$0x3FFC];
	_ =	sdelay $0x3  }
0xa0: {  	_ =	strace s10  }
0xa1: {  	s10 =	sld [smem:$0x3FFD];
	_ =	sdelay $0x3  }
0xa2: {  	_ =	strace s10  }
0xa3: {  	_ =	strace $0x8FFFFFFF  }
0xa4: {  	s18 =	sld [smem:$0x3FDB];
	_ =	sdelay $0x1  }
0xa5: {  	s19 =	simm.s32 $_scs_section_size  }
0xa6: {  	s12 =	simm.s32 $_size__tile_overlayer_lowered;
	s13 =	simm.s32 $_tile_overlayer_lowered  }
0xa7: {  	s22 =	simm.s32 $0x1BFF;
	s21 =	sshll.u32 s13, $0x1;
	s10 =	sadd.s32 s19, s18  }
0xa8: {  	s20 =	sshll.u32 s12, $0x1;
	s14 =	simm.s32 $0x0;
	s12 =	sadd.s32 s21, s10  }
0xa9: {  	[timem:s14], [sflag:s22] =	dma.local [hbm:s12], s20  }
0xaa: {  	_ =	swait.ge [sflag:s22], s20  }
0xab: {  	s11 =	ssub.s32 $0x0, s20;
	[sflag:s22] =	ssyncset.done $0x0  }
0xac: {  	[sflag:s22] =	ssyncadd.s32 s11;
	_ =	sdelay $0x1  }
0xad: {  	s23 =	simm.s32 $0x1B8B  }
0xae: {  	_ =	swait.ge [sflag:s23], $0x1  }
0xaf: {  	[sflag:s23] =	ssyncset.done $0x0  }
0xb0: {  	s25 =	simm.s32 $0x1B8E;
	s24 =	sld [smem:$0x3FFE];
	[sflag:s23] =	ssyncadd.s32 $0xFFFFFFFF  }
0xb1: {  	s26 =	simm.s32 $execute0_lowered;
	[smem:$0x3FD2] =	sst s25  }
0xb2: {  	s12 =	sshll.u32 s26, $0x1;
	_ =	strace $0x80000046;
	[dreg:$0x1] =	wrdreg $0xFFFFFFFF  }
0xb3: {  	s28 =	simm.s32 $_size_execute0_lowered;
	s10 =	sadd.s32 s10, s12;
	[dreg:$0x0] =	wrdreg $0x0  }
0xb4: {  	s12 =	sshll.u32 s28, $0x1;
	[dreg:$0x2] =	wrdreg s10  }
0xb5: {  	[dreg:$0x3] =	wrdreg s12  }
0xb6: {  	[dreg:$0x4] =	wrdreg $0xC0  }
0xb7: {  	_ =	task [dreg:s14], $0x5FFFF  }
0xb8: {  	[dreg:$0x1] =	wrdreg $0xFFFFFFFF  }
0xb9: {  	[dreg:$0x0] =	wrdreg $0x60  }
0xba: {  	[dreg:$0x2] =	wrdreg s7  }
0xbb: {  	[dreg:$0x3] =	wrdreg s8  }
0xbc: {  	[dreg:$0x4] =	wrdreg s9  }
0xbd: {  	[dreg:$0x5] =	wrdreg s2  }
0xbe: {  	[dreg:$0x6] =	wrdreg s15  }
0xbf: {  	[dreg:$0x7] =	wrdreg s4  }
0xc0: {  	[dreg:$0x8] =	wrdreg s5  }
0xc1: {  	[dreg:$0x9] =	wrdreg s16  }
0xc2: {  	[dreg:$0xa] =	wrdreg s24  }
0xc3: {  	[dreg:$0xb] =	wrdreg $0x9  }
0xc4: {  	_ =	task.clear_ibuf [dreg:s14], $0xCFFFF;
	_ =	strace $0x90000046  }
0xc5: {  	s29 =	simm.s32 $0x9;
	_ =	strace $0x80000048  }
0xc6: {  	_ =	swait.ge [sflag:s29], $0x1  }
0xc7: {  	[sflag:s29] =	ssyncadd.s32 $0xFFFFFFFF  }
0xc8: {  	_ =	strace $0x90000048  }
0xc9: {  	_ =	sfence  }
0xca: {  	s30 =	sld [smem:$0x0];
	_ =	sdelay $0x2  }
0xcb: {  	s31 =	sshll.u32 s1, $0xD;
	s1 =	sshrl.u32 s1, $0x2  }
0xcc: {  	s3 =	sand.u32 $0x4000, s31;
	s1 =	sadd.s32 s1, s30  }
0xcd: {  	s0 =	sor.u32 s3, s0;
	s1 =	sshll.u32 s1, $0x11  }
0xce: {  	s0 =	sor.u32 s1, s0  }
0xcf: {  	s0 =	sadd.s32 $0x8F2B, s0  }
0xd0: {  	[sflag:s0] =	ssyncadd.remote.s32 $0x1  }
0xd1: {  	_ =	sfence.sel $0xFFFF  }
0xd2: {  	[dreg:$0x0] =	wrdreg $0xFFFFFFFF;
	(pc) =	sbr.abs _section_cstart, $3  }
0xd3: {  	[dreg:$0x1] =	wrdreg $0xFFFFFFFF  }
0xd4: {  	_ =	task.clear_ibuf [dreg:s14], $0x2FFFF;
	_ =	strace $0x9FFFFFFF  }
0xd5: {  	(tm) =	ssettm $0x7FFFFFFF  }
tec
execute0_lowered:
.L_overlay_start_1:
0x0: {  	(tag) =	ssettag $0x1  }
0x1: {  	s0 =	rddreg [dreg:$0x0]  }
0x2: {  	s1 =	rddreg [dreg:$0x1]  }
0x3: {  	s2 =	rddreg [dreg:$0x2]  }
0x4: {  	s3 =	rddreg [dreg:$0x3]  }
0x5: {  	s5 =	rddreg [dreg:$0x4]  }
0x6: {  	s6 =	rddreg [dreg:$0x5]  }
0x7: {  	s7 =	rddreg [dreg:$0x6]  }
0x8: {  	s4 =	srdreg.scid;
	s9 =	rddreg [dreg:$0x7]  }
0x9: {  	s8 =	stileid.u32;
	s12 =	rddreg [dreg:$0x8];
	s11 =	simm.s32 $0x0  }
0xa: {  	s28 =	simm.s32 $0x4780;
	s4 =	sand.u32 $0x1, s4;
	s8 =	sshll.u32 s8, $0x1  }
0xb: {  	s29 =	simm.s32 $0x4;
	s30 =	simm.s32 $0x8F00;
	s10 =	sor.u32 s4, s8  }
0xc: {  	s31 =	simm.s32 $0x9580;
	s15 =	simm.s32 $0x0;
	s8 =	smul.u32 $0xC8, s10  }
0xd: {  	[smem:$0x7FF] =	sst s11;
	s12 =	sadd.s32 $0x2A00, s12;
	s4 =	ssub.s32 $0x2, s4  }
0xe: {  	_ =	strace $0x80000047;
	s13 =	smul.u32 $0x640, s10;
	s20 =	sadd.s32 s3, s8  }
0xf: {  	s14 =	sshrl.u32 s4, $0x1;
	s21 =	sadd.s32 s5, s8;
	[dreg:$0xa] =	wrdreg s20  }
0x10: {  	s4 =	ssub.s32 s4, s14;
	s22 =	sadd.s32 s6, s8;
	[dreg:$0xb] =	wrdreg s21  }
0x11: {  	s13 =	sshrl.u32 s13, $0x3;
	s8 =	sadd.s32 s7, s8;
	[dreg:$0xc] =	wrdreg s22  }
0x12: {  	s4 =	smax.u32 s4, $0x1;
	s13 =	sadd.s32 $0x1900, s13;
	[dreg:$0xd] =	wrdreg s8  }
0x13: {  	s14 =	simm.s32 $0x6;
	[dreg:$0x12] =	wrdreg s4;
	s23 =	sadd.s32 s3, s13  }
.Ltmp0:
0x14: {  	s24 =	sadd.s32 s5, s13;
	[dreg:$0xe] =	wrdreg s23;
	(pc) =	sbr.rel .LBB2_1-.Ltmp0, $4  }
0x15: {  	s22 =	simm.s32 $0x680;
	s25 =	sadd.s32 s6, s13;
	[dreg:$0xf] =	wrdreg s24  }
0x16: {  	s8 =	simm.s32 $0x3;
	s26 =	sadd.s32 s7, s13;
	[dreg:$0x10] =	wrdreg s25  }
0x17: {  	s4 =	simm.s32 $0x4100;
	s13 =	simm.s32 $0x5;
	[dreg:$0x11] =	wrdreg s26  }
0x18: {  	s23 =	simm.s32 $0x3400;
	s24 =	simm.s32 $0x3A80;
	s25 =	simm.s32 $0x1  }
.LBB2_11:
0x19: {  	_ =	swait.ge [sflag:s13], $0x640  }
0x1a: {  	[sflag:s13] =	ssyncset.done $0x0  }
0x1b: {  	[sflag:s13] =	ssyncadd.s32 $0xFFFFF9C0  }
0x1c: {  	_ =	swait.ge [sflag:s13], $0x640  }
0x1d: {  	[sflag:s13] =	ssyncset.done $0x0  }
0x1e: {  	[sflag:s13] =	ssyncadd.s32 $0xFFFFF9C0  }
0x1f: {  	_ =	swait.ge [sflag:s14], $0x640  }
0x20: {  	[sflag:s14] =	ssyncset.done $0x0  }
0x21: {  	[sflag:s14] =	ssyncadd.s32 $0xFFFFF9C0  }
0x22: {  	_ =	swait.ge [sflag:s14], $0x640  }
0x23: {  	s15 =	sadd.s32 $0x1, s15;
	s16 =	rddreg [dreg:$0x12]  }
0x24: {  	p0 =	sne.s32 s15, s16  }
.Ltmp1:
0x25: {  	_ = 	snop;
	(pc) =	sbr.rel @!p0 .LBB2_12-.Ltmp1, $3  }
0x26: {  	_ =	sdelay $0x1  }
0x27: {  	[sflag:s14] =	ssyncset.done $0x0  }
0x28: {  	[sflag:s14] =	ssyncadd.s32 $0xFFFFF9C0  }
.LBB2_1:
0x29: {  	s16 =	rddreg [dreg:$0xa]  }
0x2a: {  	[tilespmem:s11], [sflag:$0x1] =	stream.linear.gather [hbm4b:s16+s11], $0x640, $0x38;
	[tilespmem:$0x9C00] =	vst v63  }
0x2b: {  	s18 =	rddreg [dreg:$0xb]  }
0x2c: {  	[tilespmem:s22], [sflag:$0x1] =	stream.linear.gather [hbm4b:s18+s11], $0x640, $0x38;
	[tilespmem:$0x9C00] =	vst v63  }
0x2d: {  	s19 =	rddreg [dreg:$0xc]  }
0x2e: {  	[tilespmem:s23], [sflag:$0x1] =	stream.linear.gather [hbm4b:s19+s11], $0x640, $0x38;
	[tilespmem:$0x9C00] =	vst v63  }
0x2f: {  	s20 =	rddreg [dreg:$0xd]  }
0x30: {  	[tilespmem:s24], [sflag:$0x1] =	stream.linear.gather [hbm4b:s20+s11], $0x640, $0x38;
	[tilespmem:$0x9C00] =	vst v63  }
0x31: {  	_ =	swait.ge [sflag:s25], $0x640  }
0x32: {  	[sflag:s25] =	ssyncset.done $0x0  }
0x33: {  	[sflag:s25] =	ssyncadd.s32 $0xFFFFF9C0  }
0x34: {  	_ =	swait.ge [sflag:s25], $0x640  }
0x35: {  	[sflag:s25] =	ssyncset.done $0x0  }
0x36: {  	[sflag:s25] =	ssyncadd.s32 $0xFFFFF9C0  }
0x37: {  	_ =	swait.ge [sflag:s25], $0x640  }
0x38: {  	[sflag:s25] =	ssyncset.done $0x0  }
0x39: {  	[sflag:s25] =	ssyncadd.s32 $0xFFFFF9C0  }
0x3a: {  	_ =	swait.ge [sflag:s25], $0x640  }
0x3b: {  	[sflag:s25] =	ssyncset.done $0x0  }
0x3c: {  	s17 =	simm.s32 $0xD00;
	s16 =	simm.s32 $0x640;
	[sflag:s25] =	ssyncadd.s32 $0xFFFFF9C0  }
0x3d: {  	[tilespmem:s17], [sflag:$0x3] =	stream.indirect.gather [hbm4b:s0+s16], $0x1, s11, s16, $0xb8;
	[tilespmem:$0x9C00] =	vst v63  }
0x3e: {  	s21 =	simm.s32 $0x1380  }
0x3f: {  	[tilespmem:s21], [sflag:$0x3] =	stream.indirect.gather [hbm4b:s1+s16], $0x1, s11, s16, $0xb8;
	[tilespmem:$0x9C00] =	vst v63  }
0x40: {  	s26 =	simm.s32 $0x1A00  }
0x41: {  	[tilespmem:s26], [sflag:$0x3] =	stream.indirect.gather [hbm4b:s2+s16], $0x1, s11, s16, $0xb8;
	[tilespmem:$0x9C00] =	vst v63  }
0x42: {  	s18 =	simm.s32 $0x2080  }
0x43: {  	[tilespmem:s18], [sflag:$0x3] =	stream.indirect.gather [hbm4b:s0+s16], $0x1, s22, s16, $0xb8;
	[tilespmem:$0x9C00] =	vst v63  }
0x44: {  	s19 =	simm.s32 $0x2700  }
0x45: {  	[tilespmem:s19], [sflag:$0x3] =	stream.indirect.gather [hbm4b:s1+s16], $0x1, s22, s16, $0xb8;
	[tilespmem:$0x9C00] =	vst v63  }
0x46: {  	s20 =	simm.s32 $0x2D80  }
0x47: {  	[tilespmem:s20], [sflag:$0x3] =	stream.indirect.gather [hbm4b:s2+s16], $0x1, s22, s16, $0xb8;
	[tilespmem:$0x9C00] =	vst v63  }
0x48: {  	s21 =	rddreg [dreg:$0xe];
	s26 =	simm.s32 $0x4E00  }
0x49: {  	[tilespmem:s26], [sflag:$0x2] =	stream.linear.gather [hbm4b:s21+s11], $0x640, $0x38;
	[tilespmem:$0x9C00] =	vst v63  }
0x4a: {  	s17 =	rddreg [dreg:$0xf];
	s18 =	simm.s32 $0x5480  }
0x4b: {  	[tilespmem:s18], [sflag:$0x2] =	stream.linear.gather [hbm4b:s17+s11], $0x640, $0x38;
	[tilespmem:$0x9C00] =	vst v63  }
.Ltmp2:
0x4c: {  	_ = 	snop;
	(pc) =	sbr.rel .LBB2_2-.Ltmp2, $4  }
0x4d: {  	s19 =	rddreg [dreg:$0x10];
	s20 =	simm.s32 $0x8200  }
0x4e: {  	[tilespmem:s20], [sflag:$0x2] =	stream.linear.gather [hbm4b:s19+s11], $0x640, $0x38;
	[tilespmem:$0x9C00] =	vst v63  }
0x4f: {  	s16 =	simm.s32 $0x0;
	s21 =	rddreg [dreg:$0x11];
	s26 =	simm.s32 $0x8880  }
0x50: {  	[tilespmem:s26], [sflag:$0x2] =	stream.linear.gather [hbm4b:s21+s11], $0x640, $0x38;
	[tilespmem:$0x9C00] =	vst v63  }
.LBB2_10:
0x51: {  	s16 =	sadd.s32 $0x1, s16  }
0x52: {  	p0 =	sne.s32 s16, $0x8  }
.Ltmp3:
0x53: {  	_ = 	snop;
	(pc) =	sbr.rel @!p0 .LBB2_11-.Ltmp3, $1  }
0x54: {  	_ =	sdelay $0x3  }
.LBB2_2:
0x55: {  	s17 =	sshll.u32 s16, $0x6  }
0x56: {  	s17 =	sor.u32 s10, s17  }
0x57: {  	s18 =	sor.u32 $0x20, s17  }
0x58: {  	p1 =	sgt.u32 s18, $0x1F3  }
0x59: {  	s19 =	simm.s32 @!p1 $0x2  }
0x5a: {  	_ =	swait.ge @!p1 [sflag:s19], $0x640  }
0x5b: {  	[sflag:s19] =	ssyncset.done @!p1 $0x0  }
0x5c: {  	[sflag:s19] =	ssyncadd.s32 @!p1 $0xFFFFF9C0  }
0x5d: {  	_ =	swait.ge @!p1 [sflag:s19], $0x640  }
0x5e: {  	[sflag:s19] =	ssyncset.done @!p1 $0x0  }
0x5f: {  	[sflag:s19] =	ssyncadd.s32 @!p1 $0xFFFFF9C0  }
0x60: {  	_ =	swait.ge @!p1 [sflag:s19], $0x640  }
0x61: {  	[sflag:s19] =	ssyncset.done @!p1 $0x0  }
0x62: {  	[sflag:s19] =	ssyncadd.s32 @!p1 $0xFFFFF9C0  }
0x63: {  	_ =	swait.ge @!p1 [sflag:s19], $0x640  }
0x64: {  	s20 =	simm.s32 @!p1 $0x4E00;
	[sflag:s19] =	ssyncset.done @!p1 $0x0  }
0x65: {  	s21 =	simm.s32 @!p1 $0x5B00;
	[sflag:s19] =	ssyncadd.s32 @!p1 $0xFFFFF9C0;
	s19 =	simm.s32 @!p1 $0x640  }
0x66: {  	[tilespmem:s21], [sflag:$0x4] =	stream.indirect.gather @!p1 [hbm4b:s0+s19], $0x1, s20, s19, $0xb8;
	[tilespmem:$0x9C00] =	vst v63  }
0x67: {  	s21 =	simm.s32 @!p1 $0x6180  }
0x68: {  	[tilespmem:s21], [sflag:$0x4] =	stream.indirect.gather @!p1 [hbm4b:s1+s19], $0x1, s20, s19, $0xb8;
	[tilespmem:$0x9C00] =	vst v63  }
0x69: {  	s21 =	simm.s32 @!p1 $0x6800  }
0x6a: {  	[tilespmem:s21], [sflag:$0x4] =	stream.indirect.gather @!p1 [hbm4b:s2+s19], $0x1, s20, s19, $0xb8;
	[tilespmem:$0x9C00] =	vst v63  }
0x6b: {  	s20 =	simm.s32 @!p1 $0x5480;
	s21 =	simm.s32 @!p1 $0x6E80  }
0x6c: {  	[tilespmem:s21], [sflag:$0x4] =	stream.indirect.gather @!p1 [hbm4b:s0+s19], $0x1, s20, s19, $0xb8;
	[tilespmem:$0x9C00] =	vst v63  }
0x6d: {  	s21 =	simm.s32 @!p1 $0x7500  }
0x6e: {  	[tilespmem:s21], [sflag:$0x4] =	stream.indirect.gather @!p1 [hbm4b:s1+s19], $0x1, s20, s19, $0xb8;
	[tilespmem:$0x9C00] =	vst v63  }
0x6f: {  	s21 =	simm.s32 @!p1 $0x7B80  }
0x70: {  	[tilespmem:s21], [sflag:$0x4] =	stream.indirect.gather @!p1 [hbm4b:s2+s19], $0x1, s20, s19, $0xb8;
	[tilespmem:$0x9C00] =	vst v63  }
0x71: {  	_ =	swait.ge [sflag:s8], $0x640  }
0x72: {  	[sflag:s8] =	ssyncset.done $0x0  }
0x73: {  	[sflag:s8] =	ssyncadd.s32 $0xFFFFF9C0  }
0x74: {  	_ =	swait.ge [sflag:s8], $0x640  }
0x75: {  	[sflag:s8] =	ssyncset.done $0x0  }
0x76: {  	[sflag:s8] =	ssyncadd.s32 $0xFFFFF9C0  }
0x77: {  	_ =	swait.ge [sflag:s8], $0x640  }
0x78: {  	[sflag:s8] =	ssyncset.done $0x0  }
0x79: {  	[sflag:s8] =	ssyncadd.s32 $0xFFFFF9C0  }
0x7a: {  	_ =	swait.ge [sflag:s8], $0x640  }
0x7b: {  	[sflag:s8] =	ssyncset.done $0x0  }
0x7c: {  	[sflag:s8] =	ssyncadd.s32 $0xFFFFF9C0  }
0x7d: {  	_ =	swait.ge [sflag:s8], $0x640  }
0x7e: {  	[sflag:s8] =	ssyncset.done $0x0  }
0x7f: {  	[sflag:s8] =	ssyncadd.s32 $0xFFFFF9C0  }
0x80: {  	_ =	swait.ge [sflag:s8], $0x640  }
0x81: {  	p2 =	seq.s32 s16, $0x0;
	[sflag:s8] =	ssyncset.done $0x0  }
0x82: {  	s19 =	simm.s32 @!p2 $0x5;
	[sflag:s8] =	ssyncadd.s32 $0xFFFFF9C0  }
0x83: {  	_ =	swait.ge @!p2 [sflag:s19], $0x640  }
0x84: {  	[sflag:s19] =	ssyncset.done @!p2 $0x0  }
0x85: {  	[sflag:s19] =	ssyncadd.s32 @!p2 $0xFFFFF9C0  }
0x86: {  	_ =	swait.ge @!p2 [sflag:s19], $0x640  }
0x87: {  	[sflag:s19] =	ssyncset.done @!p2 $0x0  }
0x88: {  	s21 =	simm.s32 $0x0;
	[sflag:s19] =	ssyncadd.s32 @!p2 $0xFFFFF9C0  }
0x89: {  	v0 =	vld [tilespmem:s21+$0xD00]  }
0x8a: {  	v1 =	vld [tilespmem:s21+$0x1380]  }
0x8b: {  	v2 =	vld [tilespmem:s21+$0x2080]  }
0x8c: {  	v3 =	vld [tilespmem:s21+$0x2700]  }
0x8d: {  	v4 =	vld [tilespmem:s21+$0x3400]  }
0x8e: {  	v5 =	vld [tilespmem:s21+$0x3A80]  }
0x8f: {  	v6 =	vld [tilespmem:s21+$0x1A00]  }
0x90: {  	s19 =	simm.s32 $0x10;
	v7 =	vld [tilespmem:s21+$0x2D80]  }
0x91: {  	v8 =	vld [tilespmem:s19+$0xD00];
	v9 =	vsub.f32 v0, v2;
	v1 =	vsub.f32 v1, v3  }
0x92: {  	v10 =	vld [tilespmem:s19+$0x1380];
	(erf) = vrcp.f32 v4  }
0x93: {  	v4 =	vld [tilespmem:s19+$0x2080];
	v3 =	vmul.f32 $8.995769530e+03, v9;
	v1 =	vmul.f32 $9.810000000e+03, v1  }
0x94: {  	v0 =	vadd.f32 v2, v0;
	v9 =	vld [tilespmem:s19+$0x2700]  }
0x95: {  	v11 =	vld [tilespmem:s19+$0x3400];
	v12 =	vsub.f32 v6, v7;
	v1 =	vadd.f32 v1, v3  }
0x96: {  	v6 =	vadd.f32 v7, v6;
	v2 =	vld [tilespmem:s19+$0x2D80];
	v13 =	vmul.f32 $8.995769530e+03, v0  }
0x97: {  	v0 =	vld [tilespmem:s19+$0x1A00];
	v14 =	vadd.f32 v1, v12  }
0x98: {  	s20 =	simm.s32 $0x20;
	vm0 =	veq.s32 v5, $0x0;
	v3 =	vld [tilespmem:s19+$0x3A80];
	v7 =	vsub.f32 v13, v6;
	v15 =	vadd.f32 v4, v8  }
0x99: {  	v6 =	vld [tilespmem:s20+$0x1380];
	v8 =	vsub.f32 v8, v4;
	v9 =	vsub.f32 v10, v9;
	v5 =	vsel vm0, v14, v12  }
0x9a: {  	(erf) = vrcp.f32 v11;
	v1 =	vld [tilespmem:s20+$0xD00];
	v4 =	vmul.f32 $8.995769530e+03, v15;
	v10 =	vsub.f32 $0.0e+00, v5  }
0x9b: {  	s26 =	simm.s32 $0xC0;
	v8 =	vmul.f32 $8.995769530e+03, v8;
	v5 =	vld [tilespmem:s20+$0x2080];
	v9 =	vmul.f32 $9.810000000e+03, v9;
	v11 =	vpop (erf)  }
.LBB2_3:
0x9c: {  	p0 =	sne.s32 s26, $0x18C0;
	v12 =	vld [tilespmem:s20+$0x2700];
	v10 =	vmul.f32 v10, v11;
	v7 =	vmul.f32 $5.000000000e-01, v7  }
0x9d: {  	v11 =	vld [tilespmem:s20+$0x3400];
	v13 =	vsub.f32 v0, v2;
	v8 =	vadd.f32 v9, v8  }
0x9e: {  	v9 =	vadd.f32 v2, v0;
	v14 =	vld [tilespmem:s20+$0x3A80];
	[tilespmem:s21+$0x4100] =	vst v10  }
.Ltmp4:
0x9f: {  	v0 =	vld [tilespmem:s20+$0x1A00];
	v8 =	vadd.f32 v8, v13;
	[tilespmem:s21+$0x4780] =	vst v7;
	s21 =	smov.u32 s19;
	s19 =	smov.u32 s20;
	(pc) =	sbr.rel @p0 .LBB2_3-.Ltmp4, $4  }
0xa0: {  	vm0 =	veq.s32 v3, $0x0;
	s20 =	sshra.s32 s26, $0x2;
	v7 =	vsub.f32 v4, v9;
	v2 =	vld [tilespmem:s19+$0x2D80];
	v10 =	vadd.f32 v5, v1  }
0xa1: {  	v15 =	vsub.f32 v1, v5;
	v1 =	vld [tilespmem:s20+$0xD00];
	v9 =	vsub.f32 v6, v12;
	v5 =	vsel vm0, v8, v13  }
0xa2: {  	v6 =	vld [tilespmem:s20+$0x1380];
	v4 =	vmul.f32 $8.995769530e+03, v10;
	(erf) = vrcp.f32 v11;
	v10 =	vsub.f32 $0.0e+00, v5  }
0xa3: {  	s26 =	sadd.s32 $0x40, s26;
	v8 =	vmul.f32 $8.995769530e+03, v15;
	v5 =	vld [tilespmem:s20+$0x2080];
	v9 =	vmul.f32 $9.810000000e+03, v9;
	v11 =	vpop (erf);
	v3 =	vmov v14  }
0xa4: {  	v12 =	vld [tilespmem:s20+$0x2700];
	v10 =	vmul.f32 v10, v11  }
0xa5: {  	v50 =	vld [tilespmem:s20+$0x3400];
	v7 =	vmul.f32 $5.000000000e-01, v7  }
0xa6: {  	v13 =	vld [tilespmem:s20+$0x3A80];
	[tilespmem:s21+$0x4100] =	vst v10  }
0xa7: {  	v10 =	vld [tilespmem:s20+$0x1A00];
	[tilespmem:s21+$0x4780] =	vst v7  }
0xa8: {  	v7 =	vld [tilespmem:s20+$0x2D80]  }
0xa9: {  	v51 =	vsub.f32 v1, v5;
	v6 =	vsub.f32 v6, v12  }
0xaa: {  	v8 =	vadd.f32 v9, v8;
	v52 =	vsub.f32 v0, v2;
	(erf) = vrcp.f32 v50  }
0xab: {  	v55 =	vadd.f32 v2, v0;
	v53 =	vmul.f32 $8.995769530e+03, v51;
	v6 =	vmul.f32 $9.810000000e+03, v6  }
0xac: {  	v8 =	vadd.f32 v8, v52;
	v56 =	vadd.f32 v5, v1  }
0xad: {  	vm0 =	veq.s32 v3, $0x0;
	v54 =	vsub.f32 v10, v7;
	v6 =	vadd.f32 v6, v53  }
0xae: {  	v0 =	vsub.f32 v4, v55;
	v57 =	vsel vm0, v8, v52  }
0xaf: {  	v1 =	vmul.f32 $8.995769530e+03, v56;
	v60 =	vadd.f32 v7, v10;
	v58 =	vadd.f32 v6, v54  }
0xb0: {  	vm15 =	veq.s32 v13, $0x0;
	v2 =	vsub.f32 $0.0e+00, v57  }
0xb1: {  	v0 =	vmul.f32 $5.000000000e-01, v0;
	v59 =	vpop (erf);
	v1 =	vsub.f32 v1, v60;
	v3 =	vsel vm15, v58, v54  }
0xb2: {  	v2 =	vmul.f32 v2, v59;
	v3 =	vsub.f32 $0.0e+00, v3  }
0xb3: {  	[tilespmem:s19+$0x4780] =	vst v0;
	v63 =	vmul.f32 $5.000000000e-01, v1;
	v61 =	vpop (erf)  }
0xb4: {  	p0 =	sgt.u32 s17, $0x1B3;
	s21 =	smul.u32 $0xC8, s17;
	[tilespmem:s19+$0x4100] =	vst v2;
	v62 =	vmul.f32 v3, v61  }
.Ltmp5:
0xb5: {  	[tilespmem:s20+$0x4780] =	vst v63;
	(pc) =	sbr.rel @p0 .LBB2_6-.Ltmp5, $4  }
0xb6: {  	s26 =	sadd.s32 s9, s21;
	[tilespmem:s20+$0x4100] =	vst v62  }
0xb7: {  	[hbm4b:s26+s11] =	stream.linear.scatter [tilespmem:s4], [sflag:$0x5], $0x640, $0x38;
	[tilespmem:$0x9C00] =	vst v63  }
0xb8: {  	s19 =	sadd.s32 s12, s21  }
0xb9: {  	[hbm4b:s19+s11] =	stream.linear.scatter [tilespmem:s28], [sflag:$0x5], $0x640, $0x38;
	[tilespmem:$0x9C00] =	vst v63  }
0xba: {  	s19 =	smul.u32 $0x640, s17;
	_ =	sdelay $0x1  }
0xbb: {  	s19 =	sshrl.u32 s19, $0x3  }
0xbc: {  	s19 =	sadd.s32 $0x3200, s19  }
0xbd: {  	s20 =	sadd.s32 s3, s19  }
0xbe: {  	[tilespmem:s11], [sflag:$0x1] =	stream.linear.gather [hbm4b:s20+s11], $0x640, $0x38;
	[tilespmem:$0x9C00] =	vst v63  }
0xbf: {  	s21 =	sadd.s32 s5, s19  }
0xc0: {  	[tilespmem:s22], [sflag:$0x1] =	stream.linear.gather [hbm4b:s21+s11], $0x640, $0x38;
	[tilespmem:$0x9C00] =	vst v63  }
.Ltmp6:
0xc1: {  	_ = 	snop;
	(pc) =	sbr.rel .LBB2_7-.Ltmp6, $4  }
0xc2: {  	s26 =	sadd.s32 s6, s19  }
0xc3: {  	[tilespmem:s23], [sflag:$0x1] =	stream.linear.gather [hbm4b:s26+s11], $0x640, $0x38;
	[tilespmem:$0x9C00] =	vst v63  }
0xc4: {  	s19 =	sadd.s32 s7, s19  }
0xc5: {  	[tilespmem:s24], [sflag:$0x1] =	stream.linear.gather [hbm4b:s19+s11], $0x640, $0x38;
	[tilespmem:$0x9C00] =	vst v63  }
.LBB2_6:
.Ltmp7:
0xc6: {  	(pc) =	sbr.rel @p1 .LBB2_10-.Ltmp7, $1  }
0xc7: {  	_ =	sdelay $0x3  }
.LBB2_7:
0xc8: {  	_ =	swait.ge [sflag:s29], $0x640  }
0xc9: {  	[sflag:s29] =	ssyncset.done $0x0  }
0xca: {  	[sflag:s29] =	ssyncadd.s32 $0xFFFFF9C0  }
0xcb: {  	_ =	swait.ge [sflag:s29], $0x640  }
0xcc: {  	[sflag:s29] =	ssyncset.done $0x0  }
0xcd: {  	[sflag:s29] =	ssyncadd.s32 $0xFFFFF9C0  }
0xce: {  	_ =	swait.ge [sflag:s29], $0x640  }
0xcf: {  	[sflag:s29] =	ssyncset.done $0x0  }
0xd0: {  	[sflag:s29] =	ssyncadd.s32 $0xFFFFF9C0  }
0xd1: {  	_ =	swait.ge [sflag:s29], $0x640  }
0xd2: {  	[sflag:s29] =	ssyncset.done $0x0  }
0xd3: {  	[sflag:s29] =	ssyncadd.s32 $0xFFFFF9C0  }
0xd4: {  	_ =	swait.ge [sflag:s29], $0x640  }
0xd5: {  	[sflag:s29] =	ssyncset.done $0x0  }
0xd6: {  	[sflag:s29] =	ssyncadd.s32 $0xFFFFF9C0  }
0xd7: {  	_ =	swait.ge [sflag:s29], $0x640  }
0xd8: {  	[sflag:s29] =	ssyncset.done $0x0  }
0xd9: {  	s19 =	simm.s32 @!p2 $0x6;
	[sflag:s29] =	ssyncadd.s32 $0xFFFFF9C0  }
0xda: {  	_ =	swait.ge @!p2 [sflag:s19], $0x640  }
0xdb: {  	[sflag:s19] =	ssyncset.done @!p2 $0x0  }
0xdc: {  	[sflag:s19] =	ssyncadd.s32 @!p2 $0xFFFFF9C0  }
0xdd: {  	_ =	swait.ge @!p2 [sflag:s19], $0x640  }
0xde: {  	[sflag:s19] =	ssyncset.done @!p2 $0x0  }
0xdf: {  	s21 =	simm.s32 $0x0;
	[sflag:s19] =	ssyncadd.s32 @!p2 $0xFFFFF9C0  }
0xe0: {  	v0 =	vld [tilespmem:s21+$0x5B00]  }
0xe1: {  	v1 =	vld [tilespmem:s21+$0x6180]  }
0xe2: {  	v2 =	vld [tilespmem:s21+$0x6E80]  }
0xe3: {  	v3 =	vld [tilespmem:s21+$0x7500]  }
0xe4: {  	v4 =	vld [tilespmem:s21+$0x8200]  }
0xe5: {  	v5 =	vld [tilespmem:s21+$0x8880]  }
0xe6: {  	v6 =	vld [tilespmem:s21+$0x6800]  }
0xe7: {  	s19 =	simm.s32 $0x10;
	v7 =	vld [tilespmem:s21+$0x7B80]  }
0xe8: {  	v8 =	vld [tilespmem:s19+$0x5B00];
	v9 =	vsub.f32 v0, v2;
	v1 =	vsub.f32 v1, v3  }
0xe9: {  	v10 =	vld [tilespmem:s19+$0x6180];
	(erf) = vrcp.f32 v4  }
0xea: {  	v4 =	vld [tilespmem:s19+$0x6E80];
	v3 =	vmul.f32 $8.995769530e+03, v9;
	v1 =	vmul.f32 $9.810000000e+03, v1  }
0xeb: {  	v0 =	vadd.f32 v2, v0;
	v9 =	vld [tilespmem:s19+$0x7500]  }
0xec: {  	v11 =	vld [tilespmem:s19+$0x8200];
	v12 =	vsub.f32 v6, v7;
	v1 =	vadd.f32 v1, v3  }
0xed: {  	v6 =	vadd.f32 v7, v6;
	v2 =	vld [tilespmem:s19+$0x7B80];
	v13 =	vmul.f32 $8.995769530e+03, v0  }
0xee: {  	v0 =	vld [tilespmem:s19+$0x6800];
	v14 =	vadd.f32 v1, v12  }
0xef: {  	s20 =	simm.s32 $0x20;
	vm0 =	veq.s32 v5, $0x0;
	v3 =	vld [tilespmem:s19+$0x8880];
	v7 =	vsub.f32 v13, v6;
	v15 =	vadd.f32 v4, v8  }
0xf0: {  	v6 =	vld [tilespmem:s20+$0x6180];
	v8 =	vsub.f32 v8, v4;
	v9 =	vsub.f32 v10, v9;
	v5 =	vsel vm0, v14, v12  }
0xf1: {  	(erf) = vrcp.f32 v11;
	v1 =	vld [tilespmem:s20+$0x5B00];
	v4 =	vmul.f32 $8.995769530e+03, v15;
	v10 =	vsub.f32 $0.0e+00, v5  }
0xf2: {  	s26 =	simm.s32 $0xC0;
	v8 =	vmul.f32 $8.995769530e+03, v8;
	v5 =	vld [tilespmem:s20+$0x6E80];
	v9 =	vmul.f32 $9.810000000e+03, v9;
	v11 =	vpop (erf)  }
.LBB2_8:
0xf3: {  	p1 =	sne.s32 s26, $0x18C0;
	v12 =	vld [tilespmem:s20+$0x7500];
	v10 =	vmul.f32 v10, v11;
	v7 =	vmul.f32 $5.000000000e-01, v7  }
0xf4: {  	v11 =	vld [tilespmem:s20+$0x8200];
	v13 =	vsub.f32 v0, v2;
	v8 =	vadd.f32 v9, v8  }
0xf5: {  	v9 =	vadd.f32 v2, v0;
	v14 =	vld [tilespmem:s20+$0x8880];
	[tilespmem:s21+$0x8F00] =	vst v10  }
.Ltmp8:
0xf6: {  	v0 =	vld [tilespmem:s20+$0x6800];
	v8 =	vadd.f32 v8, v13;
	[tilespmem:s21+$0x9580] =	vst v7;
	s21 =	smov.u32 s19;
	s19 =	smov.u32 s20;
	(pc) =	sbr.rel @p1 .LBB2_8-.Ltmp8, $4  }
0xf7: {  	vm0 =	veq.s32 v3, $0x0;
	s20 =	sshra.s32 s26, $0x2;
	v7 =	vsub.f32 v4, v9;
	v2 =	vld [tilespmem:s19+$0x7B80];
	v10 =	vadd.f32 v5, v1  }
0xf8: {  	v15 =	vsub.f32 v1, v5;
	v1 =	vld [tilespmem:s20+$0x5B00];
	v9 =	vsub.f32 v6, v12;
	v5 =	vsel vm0, v8, v13  }
0xf9: {  	v6 =	vld [tilespmem:s20+$0x6180];
	v4 =	vmul.f32 $8.995769530e+03, v10;
	(erf) = vrcp.f32 v11;
	v10 =	vsub.f32 $0.0e+00, v5  }
0xfa: {  	s26 =	sadd.s32 $0x40, s26;
	v8 =	vmul.f32 $8.995769530e+03, v15;
	v5 =	vld [tilespmem:s20+$0x6E80];
	v9 =	vmul.f32 $9.810000000e+03, v9;
	v11 =	vpop (erf);
	v3 =	vmov v14  }
0xfb: {  	v12 =	vld [tilespmem:s20+$0x7500];
	v10 =	vmul.f32 v10, v11  }
0xfc: {  	v50 =	vld [tilespmem:s20+$0x8200];
	v7 =	vmul.f32 $5.000000000e-01, v7  }
0xfd: {  	v13 =	vld [tilespmem:s20+$0x8880];
	[tilespmem:s21+$0x8F00] =	vst v10  }
0xfe: {  	v10 =	vld [tilespmem:s20+$0x6800];
	[tilespmem:s21+$0x9580] =	vst v7  }
0xff: {  	v7 =	vld [tilespmem:s20+$0x7B80]  }
0x100: {  	v51 =	vsub.f32 v1, v5;
	v6 =	vsub.f32 v6, v12  }
0x101: {  	v8 =	vadd.f32 v9, v8;
	v52 =	vsub.f32 v0, v2;
	(erf) = vrcp.f32 v50  }
0x102: {  	v55 =	vadd.f32 v2, v0;
	v53 =	vmul.f32 $8.995769530e+03, v51;
	v6 =	vmul.f32 $9.810000000e+03, v6  }
0x103: {  	v8 =	vadd.f32 v8, v52;
	v56 =	vadd.f32 v5, v1  }
0x104: {  	vm0 =	veq.s32 v3, $0x0;
	v54 =	vsub.f32 v10, v7;
	v6 =	vadd.f32 v6, v53  }
0x105: {  	v0 =	vsub.f32 v4, v55;
	v57 =	vsel vm0, v8, v52  }
0x106: {  	v1 =	vmul.f32 $8.995769530e+03, v56;
	v60 =	vadd.f32 v7, v10;
	v58 =	vadd.f32 v6, v54  }
0x107: {  	vm15 =	veq.s32 v13, $0x0;
	v2 =	vsub.f32 $0.0e+00, v57  }
0x108: {  	v0 =	vmul.f32 $5.000000000e-01, v0;
	v59 =	vpop (erf);
	v1 =	vsub.f32 v1, v60;
	v3 =	vsel vm15, v58, v54  }
0x109: {  	v2 =	vmul.f32 v2, v59;
	v3 =	vsub.f32 $0.0e+00, v3  }
0x10a: {  	[tilespmem:s19+$0x9580] =	vst v0;
	v63 =	vmul.f32 $5.000000000e-01, v1;
	v61 =	vpop (erf)  }
0x10b: {  	s18 =	smul.u32 $0xC8, s18;
	[tilespmem:s19+$0x8F00] =	vst v2;
	v62 =	vmul.f32 v3, v61  }
0x10c: {  	[tilespmem:s20+$0x9580] =	vst v63  }
0x10d: {  	s26 =	sadd.s32 s9, s18;
	[tilespmem:s20+$0x8F00] =	vst v62  }
0x10e: {  	[hbm4b:s26+s11] =	stream.linear.scatter [tilespmem:s30], [sflag:$0x6], $0x640, $0x38;
	[tilespmem:$0x9C00] =	vst v63  }
0x10f: {  	s18 =	sadd.s32 s12, s18  }
0x110: {  	[hbm4b:s18+s11] =	stream.linear.scatter [tilespmem:s31], [sflag:$0x6], $0x640, $0x38;
	[tilespmem:$0x9C00] =	vst v63  }
0x111: {  	s18 =	simm.s32 @!p0 $0x1  }
0x112: {  	_ =	swait.ge @!p0 [sflag:s18], $0x640  }
0x113: {  	[sflag:s18] =	ssyncset.done @!p0 $0x0  }
0x114: {  	[sflag:s18] =	ssyncadd.s32 @!p0 $0xFFFFF9C0  }
0x115: {  	_ =	swait.ge @!p0 [sflag:s18], $0x640  }
0x116: {  	[sflag:s18] =	ssyncset.done @!p0 $0x0  }
0x117: {  	[sflag:s18] =	ssyncadd.s32 @!p0 $0xFFFFF9C0  }
0x118: {  	_ =	swait.ge @!p0 [sflag:s18], $0x640  }
0x119: {  	[sflag:s18] =	ssyncset.done @!p0 $0x0  }
0x11a: {  	[sflag:s18] =	ssyncadd.s32 @!p0 $0xFFFFF9C0  }
0x11b: {  	_ =	swait.ge @!p0 [sflag:s18], $0x640  }
0x11c: {  	s19 =	simm.s32 @!p0 $0x0;
	[sflag:s18] =	ssyncset.done @!p0 $0x0  }
0x11d: {  	s20 =	simm.s32 @!p0 $0xD00;
	[sflag:s18] =	ssyncadd.s32 @!p0 $0xFFFFF9C0;
	s18 =	simm.s32 @!p0 $0x640  }
0x11e: {  	[tilespmem:s20], [sflag:$0x3] =	stream.indirect.gather @!p0 [hbm4b:s0+s18], $0x1, s19, s18, $0xb8;
	[tilespmem:$0x9C00] =	vst v63  }
0x11f: {  	p1 =	sgt.u32 @!p0 s17, $0x193;
	s20 =	simm.s32 @!p0 $0x1380  }
0x120: {  	[tilespmem:s20], [sflag:$0x3] =	stream.indirect.gather @!p0 [hbm4b:s1+s18], $0x1, s19, s18, $0xb8;
	[tilespmem:$0x9C00] =	vst v63  }
0x121: {  	p1 =	por p1, p0;
	s20 =	simm.s32 @!p0 $0x1A00  }
0x122: {  	[tilespmem:s20], [sflag:$0x3] =	stream.indirect.gather @!p0 [hbm4b:s2+s18], $0x1, s19, s18, $0xb8;
	[tilespmem:$0x9C00] =	vst v63  }
0x123: {  	s17 =	smul.u32 @!p1 $0x640, s17;
	s19 =	simm.s32 @!p0 $0x680;
	s20 =	simm.s32 @!p0 $0x2080  }
0x124: {  	[tilespmem:s20], [sflag:$0x3] =	stream.indirect.gather @!p0 [hbm4b:s0+s18], $0x1, s19, s18, $0xb8;
	[tilespmem:$0x9C00] =	vst v63  }
0x125: {  	s17 =	sshrl.u32 @!p1 s17, $0x3;
	s20 =	simm.s32 @!p0 $0x2700  }
0x126: {  	[tilespmem:s20], [sflag:$0x3] =	stream.indirect.gather @!p0 [hbm4b:s1+s18], $0x1, s19, s18, $0xb8;
	[tilespmem:$0x9C00] =	vst v63  }
0x127: {  	s17 =	sadd.s32 @!p1 $0x4B00, s17;
	s20 =	simm.s32 @!p0 $0x2D80  }
0x128: {  	[tilespmem:s20], [sflag:$0x3] =	stream.indirect.gather @!p0 [hbm4b:s2+s18], $0x1, s19, s18, $0xb8;
	[tilespmem:$0x9C00] =	vst v63  }
0x129: {  	s18 =	sadd.s32 @!p1 s3, s17;
	s19 =	simm.s32 @!p1 $0x0;
	s20 =	simm.s32 @!p1 $0x4E00  }
0x12a: {  	[tilespmem:s20], [sflag:$0x2] =	stream.linear.gather @!p1 [hbm4b:s18+s19], $0x640, $0x38;
	[tilespmem:$0x9C00] =	vst v63  }
0x12b: {  	s18 =	sadd.s32 @!p1 s5, s17;
	s20 =	simm.s32 @!p1 $0x5480  }
0x12c: {  	[tilespmem:s20], [sflag:$0x2] =	stream.linear.gather @!p1 [hbm4b:s18+s19], $0x640, $0x38;
	[tilespmem:$0x9C00] =	vst v63  }
.Ltmp9:
0x12d: {  	_ = 	snop;
	(pc) =	sbr.rel .LBB2_10-.Ltmp9, $4  }
0x12e: {  	s18 =	sadd.s32 @!p1 s6, s17;
	s20 =	simm.s32 @!p1 $0x8200  }
0x12f: {  	[tilespmem:s20], [sflag:$0x2] =	stream.linear.gather @!p1 [hbm4b:s18+s19], $0x640, $0x38;
	[tilespmem:$0x9C00] =	vst v63  }
0x130: {  	s17 =	sadd.s32 @!p1 s7, s17;
	s18 =	simm.s32 @!p1 $0x8880  }
0x131: {  	[tilespmem:s18], [sflag:$0x2] =	stream.linear.gather @!p1 [hbm4b:s17+s19], $0x640, $0x38;
	[tilespmem:$0x9C00] =	vst v63  }
.LBB2_12:
0x132: {  	_ =	sfence.sel $0x180000  }
0x133: {  	[bflag:$0x0] =	sbarrier.arrive $0xFFFF  }
0x134: {  	_ =	strace $0x90000047  }
0x135: {  	s0 =	stileid.u32;
	[bflag:$0x2] =	sbarrier.arrive $0xFFFF  }
0x136: {  	p0 =	sne.s32 s0, $0x0;
	s0 =	rddreg [dreg:$0x9]  }
0x137: {  	s0 =	sadd.s32 @!p0 $0x100000, s0  }
0x138: {  	[sflag:s0] =	ssyncadd.tile.s32 @!p0 $0x1;
	_ =	shalt  }
.Lfunc_end2:
_tile_overlayer_lowered:
.L_overlay_start_2:
0x139: {  	(tag) =	ssettag $0x2  }
0x13a: {  	s0 =	rddreg [dreg:$0x0];
	s2 =	stileid.u32  }
0x13b: {  	s1 =	rddreg [dreg:$0x1];
	p0 =	sne.s32 s2, $0x0  }
0x13c: {  	s3 =	rddreg [dreg:$0x2];
	[bflag:$0x3] =	sbarrier.arrive $0xFFFF;
	s2 =	simm.s32 @!p0 $0x1C07  }
0x13d: {  	[timem:s3], [sflag:s2] =	dma.local @!p0 [hbm:s0], s1  }
0x13e: {  	s0 =	simm.s32 @!p0 $0x7  }
0x13f: {  	_ =	swait.ge @!p0 [sflag:s0], s1  }
0x140: {  	s1 =	ssub.s32 @!p0 $0x0, s1;
	[sflag:s0] =	ssyncset.done @!p0 $0x0  }
0x141: {  	[sflag:s0] =	ssyncadd.s32 @!p0 s1  }
0x142: {  	[bflag:$0x3] =	sbarrier.arrive $0xFFFF  }
0x143: {  	_ =	shalt  }

// kernel: kernel.8.cloned.1.call-start
scs
__scs_entry_jumppad:
0x0: {  	(pc) =	sbr.rel $0x88, $3  }
0x1: {  	(tag) =	ssettag $0x0;
	lr =	simm.s32 $0x1  }
0x2: {  	[smem:$0x3F94] =	sst lr;
	_ =	strace $0xD0000000  }
0x3: {  	_ = 	snop  }
0x4: {  	_ = 	snop  }
0x5: {  	_ = 	snop  }
0x6: {  	_ = 	snop  }
0x7: {  	_ = 	snop  }
__scs_overlays_trampoline_lowered:
0x8: {  	[smem:$0x3FA3] =	sst s0  }
0x9: {  	[smem:$0x3FA4] =	sst s1  }
0xa: {  	[smem:$0x3FA5] =	sst s2  }
0xb: {  	[smem:$0x3FA6] =	sst s3  }
0xc: {  	[smem:$0x3FA7] =	sst s4  }
0xd: {  	[smem:$0x3FA8] =	sst s5  }
0xe: {  	[smem:$0x3FA9] =	sst s6  }
0xf: {  	[smem:$0x3FAA] =	sst s7  }
0x10: {  	[smem:$0x3FAB] =	sst s8  }
0x11: {  	[smem:$0x3FAC] =	sst s9;
	s0 =	simm.s32 @!p0 $0x0  }
0x12: {  	s1 =	sld [smem:$0x3F92];
	s0 =	simm.s32 @p0 $0x1  }
0x13: {  	[smem:$0x3FAD] =	sst s0;
	s0 =	simm.s32 @!p1 $0x0  }
0x14: {  	s2 =	sld [smem:$0x3F91];
	s0 =	simm.s32 @p1 $0x1  }
0x15: {  	[smem:$0x3FAE] =	sst s0;
	s0 =	simm.s32 @!p2 $0x0  }
0x16: {  	s3 =	sld [smem:$0x3FDB];
	s0 =	simm.s32 @p2 $0x1  }
0x17: {  	s4 =	simm.s32 $0x1BF5;
	[smem:$0x3FB0] =	sst s0  }
0x18: {  	s0 =	sld [smem:$0x3F93];
	_ =	swait.ge [sflag:s4], $0x0  }
0x19: {  	s7 =	sld [smem:$0x3F94]  }
0x1a: {  	s8 =	sadd.s32 $0xFFFFE003, lr  }
0x1b: {  	s9 =	sadd.s32 $0xFFFFFEF7, lr;
	s5 =	simm.s32 $0xFFFFFFFF;
	p2 =	slt.u32 s8, $0xFFFFF086  }
0x1c: {  	p1 =	slt.u32 s9, $0xF7A;
	s5 =	simm.s32 @!p2 $0x0  }
0x1d: {  	s5 =	simm.s32 @p1 $0x1;
	p0 =	seq.s32 s7, s2  }
0x1e: {  	s7 =	smul.u32 @!p0 $0xF7A, s2;
	p2 =	seq.s32 @!p0 s5, $0x0  }
0x1f: {  	s9 =	smul.u32 $0xF7A, s1;
	s8 =	simm.s32 @!p0 $0x1BF5;
	p2 =	por !p2, p0  }
0x20: {  	[sflag:s8] =	ssyncset.s32 @!p0 $0xFFFFF086;
	s6 =	sadd.s32 @!p0 s3, s7;
	s7 =	simm.s32 @!p0 $0x108  }
0x21: {  	s3 =	sadd.s32 s3, s9;
	s6 =	sadd.s32 @!p0 $0x88, s6;
	s7 =	simm.s32 @p2 $0x1082  }
0x22: {  	[simem:s7], [sflag:s8] =	dma.local @!p0 [hbm:s6], $0xF7A  }
0x23: {  	s9 =	sor.u32 $0xD0000000, s2;
	s6 =	simm.s32 $0x108;
	_ =	swait.ge @!p0 [sflag:s8], $0x0  }
0x24: {  	s3 =	sadd.s32 $0x88, s3;
	s6 =	simm.s32 @!p1 $0x1082;
	[sflag:s4] =	ssyncset.s32 $0xFFFFF086  }
0x25: {  	[simem:s6], [sflag:s4] =	dma.local [hbm:s3], $0xF7A  }
0x26: {  	[smem:$0x3F94] =	sst s1;
	(tag) =	ssettag s2;
	_ =	strace s9  }
0x27: {  	s1 =	sld [smem:$0x3FA4]  }
0x28: {  	s2 =	sld [smem:$0x3FA5]  }
0x29: {  	s4 =	sld [smem:$0x3FA7]  }
0x2a: {  	p0 =	seq.s32 s5, $0x0;
	s5 =	sld [smem:$0x3FA8]  }
0x2b: {  	s6 =	sld [smem:$0x3FA9]  }
0x2c: {  	s7 =	sld [smem:$0x3FAA]  }
0x2d: {  	s3 =	simm.s32 $0x108;
	s8 =	sld [smem:$0x3FAB]  }
0x2e: {  	s3 =	simm.s32 @!p0 $0x1082;
	s9 =	sld [smem:$0x3FAC]  }
0x2f: {  	lr =	sadd.s32 s0, s3;
	s0 =	sld [smem:$0x3FA3]  }
0x30: {  	s3 =	sld [smem:$0x3FA6]  }
0x31: {  	[smem:$0x3FAF] =	sst s10  }
0x32: {  	s10 =	sld [smem:$0x3FAD];
	_ =	sdelay $0x3  }
0x33: {  	p0 =	seq.s32 s10, $0x1;
	s10 =	sld [smem:$0x3FAF];
	_ =	sdelay $0x3  }
0x34: {  	[smem:$0x3FAF] =	sst s10  }
0x35: {  	s10 =	sld [smem:$0x3FAE];
	_ =	sdelay $0x3  }
0x36: {  	p1 =	seq.s32 s10, $0x1;
	s10 =	sld [smem:$0x3FAF];
	_ =	sdelay $0x3  }
0x37: {  	[smem:$0x3FAF] =	sst s10  }
0x38: {  	s10 =	sld [smem:$0x3FB0]  }
0x39: {  	_ = 	snop;
	(pc) =	sbr.ind lr, $3  }
0x3a: {  	_ = 	snop  }
0x3b: {  	_ = 	snop  }
0x3c: {  	p2 =	seq.s32 s10, $0x1;
	s10 =	sld [smem:$0x3FAF]  }
0x3d: {  	_ =	shalt  }
0x3e: {  	_ =	shalt  }
0x3f: {  	_ =	shalt  }
0x40: {  	_ =	shalt  }
0x41: {  	_ =	shalt  }
0x42: {  	_ =	shalt  }
0x43: {  	_ =	shalt  }
0x44: {  	_ =	shalt  }
0x45: {  	_ =	shalt  }
0x46: {  	_ =	shalt  }
0x47: {  	_ =	shalt  }
0x48: {  	_ =	shalt  }
0x49: {  	_ =	shalt  }
0x4a: {  	_ =	shalt  }
0x4b: {  	_ =	shalt  }
0x4c: {  	_ =	shalt  }
0x4d: {  	_ =	shalt  }
0x4e: {  	_ =	shalt  }
0x4f: {  	_ =	shalt  }
0x50: {  	_ =	shalt  }
0x51: {  	_ =	shalt  }
0x52: {  	_ =	shalt  }
0x53: {  	_ =	shalt  }
0x54: {  	_ =	shalt  }
0x55: {  	_ =	shalt  }
0x56: {  	_ =	shalt  }
0x57: {  	_ =	shalt  }
0x58: {  	_ =	shalt  }
0x59: {  	_ =	shalt  }
0x5a: {  	_ =	shalt  }
0x5b: {  	_ =	shalt  }
0x5c: {  	_ =	shalt  }
0x5d: {  	_ =	shalt  }
0x5e: {  	_ =	shalt  }
0x5f: {  	_ =	shalt  }
0x60: {  	_ =	shalt  }
0x61: {  	_ =	shalt  }
0x62: {  	_ =	shalt  }
0x63: {  	_ =	shalt  }
0x64: {  	_ =	shalt  }
0x65: {  	_ =	shalt  }
0x66: {  	_ =	shalt  }
0x67: {  	_ =	shalt  }
0x68: {  	_ =	shalt  }
0x69: {  	_ =	shalt  }
0x6a: {  	_ =	shalt  }
0x6b: {  	_ =	shalt  }
0x6c: {  	_ =	shalt  }
0x6d: {  	_ =	shalt  }
0x6e: {  	_ =	shalt  }
0x6f: {  	_ =	shalt  }
0x70: {  	_ =	shalt  }
0x71: {  	_ =	shalt  }
0x72: {  	_ =	shalt  }
0x73: {  	_ =	shalt  }
0x74: {  	_ =	shalt  }
0x75: {  	_ =	shalt  }
0x76: {  	_ =	shalt  }
0x77: {  	_ =	shalt  }
0x78: {  	_ =	shalt  }
0x79: {  	_ =	shalt  }
0x7a: {  	_ =	shalt  }
0x7b: {  	_ =	shalt  }
0x7c: {  	_ =	shalt  }
0x7d: {  	_ =	shalt  }
0x7e: {  	_ =	shalt  }
0x7f: {  	_ =	shalt  }
0x80: {  	_ =	shalt  }
0x81: {  	_ =	shalt  }
0x82: {  	_ =	shalt  }
0x83: {  	_ =	shalt  }
0x84: {  	_ =	shalt  }
0x85: {  	_ =	shalt  }
0x86: {  	_ =	shalt  }
0x87: {  	_ =	shalt  }
.Lfunc_end0:
.L_simem_size_0:
called_computation.1_lowered:
.L_overlay_start_0:
0x88: {  	s2 =	sld [smem:$0x3FD9]  }
0x89: {  	s3 =	sld [smem:$0x3FFE];
	_ =	sdelay $0x1  }
0x8a: {  	s1 =	srdreg.scid  }
0x8b: {  	s0 =	sand.u32 $0x1, s1  }
0x8c: {  	s14 =	sshll.u32 s0, $0xA;
	s2 =	sadd.s32 s3, s2  }
0x8d: {  	s2 =	sadd.s32 s2, s14  }
0x8e: {  	[smem:$0x3FBB] =	sst s2  }
0x8f: {  	_ = 	snop  }
0x90: {  	s2 =	sld [smem:$0x3FD0];
	_ =	sdelay $0x2  }
0x91: {  	s4 =	simm.s32 $0xA;
	s5 =	simm.s32 $0x10;
	s15 =	sld [smem:$0x3FC1]  }
0x92: {  	[smem:s5], [sflag:s4] =	dma.local [hbm:s2], $0x1  }
0x93: {  	_ =	swait.eq [sflag:s4], $0x1  }
0x94: {  	[sflag:s4] =	ssyncset.done $0x0  }
0x95: {  	[sflag:s4] =	ssyncadd.s32 $0xFFFFFFFF  }
0x96: {  	s16 =	sld [smem:$0x11];
	(tm) =	ssettm $0x1  }
0x97: {  	s17 =	sld [smem:$0x3FFB];
	_ =	sdelay $0x3  }
0x98: {  	_ =	strace s17  }
0x99: {  	s4 =	sld [smem:$0x3FFC];
	_ =	sdelay $0x3  }
0x9a: {  	_ =	strace s4  }
0x9b: {  	s4 =	sld [smem:$0x3FFD];
	_ =	sdelay $0x3  }
0x9c: {  	_ =	strace s4  }
0x9d: {  	_ =	strace $0x8FFFFFFF  }
0x9e: {  	s18 =	sld [smem:$0x3FDB];
	_ =	sdelay $0x1  }
0x9f: {  	s19 =	simm.s32 $_scs_section_size  }
0xa0: {  	s6 =	simm.s32 $_size__tile_overlayer_lowered;
	s7 =	simm.s32 $_tile_overlayer_lowered  }
0xa1: {  	s22 =	simm.s32 $0x1BFF;
	s21 =	sshll.u32 s7, $0x1;
	s4 =	sadd.s32 s19, s18  }
0xa2: {  	s8 =	simm.s32 $0x0;
	s20 =	sshll.u32 s6, $0x1;
	s6 =	sadd.s32 s21, s4  }
0xa3: {  	[timem:s8], [sflag:s22] =	dma.local [hbm:s6], s20  }
0xa4: {  	_ =	swait.ge [sflag:s22], s20  }
0xa5: {  	s5 =	ssub.s32 $0x0, s20;
	[sflag:s22] =	ssyncset.done $0x0  }
0xa6: {  	[sflag:s22] =	ssyncadd.s32 s5;
	_ =	sdelay $0x1  }
0xa7: {  	s23 =	simm.s32 $0x1B8B  }
0xa8: {  	_ =	swait.ge [sflag:s23], $0x1  }
0xa9: {  	[sflag:s23] =	ssyncset.done $0x0  }
0xaa: {  	s25 =	simm.s32 $0x1B8E;
	s24 =	sld [smem:$0x3FFE];
	[sflag:s23] =	ssyncadd.s32 $0xFFFFFFFF  }
0xab: {  	s26 =	simm.s32 $execute0_lowered;
	[smem:$0x3FD2] =	sst s25  }
0xac: {  	s6 =	sshll.u32 s26, $0x1;
	_ =	strace $0x80000049;
	[dreg:$0x1] =	wrdreg $0xFFFFFFFF  }
0xad: {  	s28 =	simm.s32 $_size_execute0_lowered;
	s4 =	sadd.s32 s4, s6;
	[dreg:$0x0] =	wrdreg $0x0  }
0xae: {  	s6 =	sshll.u32 s28, $0x1;
	[dreg:$0x2] =	wrdreg s4  }
0xaf: {  	[dreg:$0x3] =	wrdreg s6  }
0xb0: {  	[dreg:$0x4] =	wrdreg $0xC0  }
0xb1: {  	_ =	task [dreg:s8], $0x5FFFF  }
0xb2: {  	[dreg:$0x1] =	wrdreg $0xFFFFFFFF  }
0xb3: {  	[dreg:$0x0] =	wrdreg $0x60  }
0xb4: {  	[dreg:$0x2] =	wrdreg s24  }
0xb5: {  	[dreg:$0x3] =	wrdreg s15  }
0xb6: {  	[dreg:$0x4] =	wrdreg s16  }
0xb7: {  	[dreg:$0x5] =	wrdreg $0x9  }
0xb8: {  	_ =	task.clear_ibuf [dreg:s8], $0x6FFFF;
	_ =	strace $0x90000049  }
0xb9: {  	s29 =	simm.s32 $0x9;
	_ =	strace $0x8000004B  }
0xba: {  	_ =	swait.ge [sflag:s29], $0x1  }
0xbb: {  	[sflag:s29] =	ssyncadd.s32 $0xFFFFFFFF  }
0xbc: {  	_ =	strace $0x9000004B  }
0xbd: {  	_ =	sfence  }
0xbe: {  	s30 =	sld [smem:$0x0];
	_ =	sdelay $0x2  }
0xbf: {  	s31 =	sshll.u32 s1, $0xD;
	s1 =	sshrl.u32 s1, $0x2  }
0xc0: {  	s3 =	sand.u32 $0x4000, s31;
	s1 =	sadd.s32 s1, s30  }
0xc1: {  	s0 =	sor.u32 s3, s0;
	s1 =	sshll.u32 s1, $0x11  }
0xc2: {  	s0 =	sor.u32 s1, s0  }
0xc3: {  	s0 =	sadd.s32 $0x8F2B, s0  }
0xc4: {  	[sflag:s0] =	ssyncadd.remote.s32 $0x1  }
0xc5: {  	_ =	sfence.sel $0xFFFF  }
0xc6: {  	[dreg:$0x0] =	wrdreg $0xFFFFFFFF;
	(pc) =	sbr.abs _section_cstart, $3  }
0xc7: {  	[dreg:$0x1] =	wrdreg $0xFFFFFFFF  }
0xc8: {  	_ =	task.clear_ibuf [dreg:s8], $0x2FFFF;
	_ =	strace $0x9FFFFFFF  }
0xc9: {  	(tm) =	ssettm $0x7FFFFFFF  }
tec
execute0_lowered:
.L_overlay_start_1:
0x0: {  	(tag) =	ssettag $0x1  }
0x1: {  	s0 =	rddreg [dreg:$0x0]  }
0x2: {  	s1 =	rddreg [dreg:$0x1]  }
0x3: {  	s3 =	rddreg [dreg:$0x2];
	s4 =	simm.s32 $0x0;
	s2 =	srdreg.scid  }
0x4: {  	s5 =	stileid.u32;
	s16 =	simm.s32 $0x3200;
	s17 =	simm.s32 $0x9600  }
0x5: {  	s18 =	simm.s32 $0x1;
	s19 =	simm.s32 $0x6400;
	s21 =	simm.s32 $0xCF00  }
0x6: {  	s28 =	simm.s32 $0x13680;
	s29 =	simm.s32 $0x5;
	s30 =	simm.s32 $0x6  }
0x7: {  	s31 =	simm.s32 $0x0;
	s2 =	sand.u32 $0x1, s2;
	s5 =	sshll.u32 s5, $0x1  }
0x8: {  	[smem:$0x7FF] =	sst s4;
	s7 =	sadd.s32 $0x1D2A00, s0;
	s5 =	sor.u32 s2, s5  }
0x9: {  	v0 =	vlaneseq.u32;
	s6 =	sadd.s32 $0x2A00, s0;
	s8 =	sadd.s32 $0x1A1C00, s0;
	s9 =	smul.u32 $0x640, s5  }
0xa: {  	v1 =	vand.u32 $0x7, v0;
	v0 =	vmul.u32 $0x10, v0;
	s2 =	ssub.s32 $0x2, s2;
	s10 =	smul.u32 $0x64, s5;
	s11 =	sor.u32 $0x20, s5  }
0xb: {  	_ =	strace $0x8000004A;
	s22 =	sshrl.u32 s2, $0x1;
	s12 =	smul.u32 $0x640, s11  }
0xc: {  	v1 =	vmul.u32 $0x10, v1;
	v2 =	vor.u32 $0x1, v0;
	s0 =	ssub.s32 s2, s22;
	s24 =	smul.u32 $0x64, s11;
	s23 =	sadd.s32 s7, s9  }
.Ltmp0:
0xd: {  	v3 =	vor.u32 $0x2, v0;
	v4 =	vor.u32 $0x3, v0;
	v5 =	vor.u32 $0x4, v0;
	s9 =	sadd.s32 s8, s9;
	[dreg:$0x4] =	wrdreg s23;
	(pc) =	sbr.rel .LBB2_1-.Ltmp0, $4  }
0xe: {  	v6 =	vor.u32 $0x5, v0;
	v7 =	vor.u32 $0x6, v0;
	v8 =	vor.u32 $0x7, v0;
	s25 =	sadd.s32 s1, s10;
	s15 =	smax.u32 s0, $0x1;
	[dreg:$0x5] =	wrdreg s9  }
0xf: {  	v9 =	vor.u32 $0x8, v0;
	v10 =	vor.u32 $0x9, v0;
	v11 =	vor.u32 $0xA, v0;
	[dreg:$0x6] =	wrdreg s25;
	s26 =	sadd.s32 s7, s12;
	s13 =	sadd.s32 s8, s12  }
0x10: {  	v12 =	vor.u32 $0xB, v0;
	v13 =	vor.u32 $0xC, v0;
	v14 =	vor.u32 $0xD, v0;
	s14 =	sadd.s32 s1, s24;
	s23 =	simm.s32 $0x3;
	s24 =	simm.s32 $0x9980  }
0x11: {  	v15 =	vor.u32 $0xE, v0;
	v16 =	vor.u32 $0xF, v0;
	v1 =	vor.u32 $0xFFFFFF80, v1;
	s25 =	simm.s32 $0x4;
	[dreg:$0x7] =	wrdreg s26;
	s26 =	simm.s32 $0x10100  }
.LBB2_11:
0x12: {  	s31 =	sadd.s32 $0x1, s31  }
0x13: {  	_ =	swait.ge [sflag:s29], $0x320;
	p0 =	sne.s32 s31, s15  }
.Ltmp1:
0x14: {  	[sflag:s29] =	ssyncset.done $0x0;
	(pc) =	sbr.rel @!p0 .LBB2_12-.Ltmp1, $4  }
0x15: {  	[sflag:s29] =	ssyncadd.s32 $0xFFFFFCE0  }
0x16: {  	_ =	swait.ge [sflag:s30], $0x320  }
0x17: {  	[sflag:s30] =	ssyncset.done $0x0  }
0x18: {  	[sflag:s30] =	ssyncadd.s32 $0xFFFFFCE0  }
.LBB2_1:
0x19: {  	s0 =	rddreg [dreg:$0x4]  }
0x1a: {  	[tilespmem:s4], [sflag:$0x1] =	stream.linear.gather [hbm4b:s0+s4], $0x3200, $0x38;
	[tilespmem:$0x13A00] =	vst v63  }
0x1b: {  	s11 =	rddreg [dreg:$0x5]  }
0x1c: {  	[tilespmem:s16], [sflag:$0x1] =	stream.linear.gather [hbm4b:s11+s4], $0x3200, $0x38;
	[tilespmem:$0x13A00] =	vst v63  }
0x1d: {  	s12 =	rddreg [dreg:$0x6]  }
0x1e: {  	[tilespmem:s17], [sflag:$0x1] =	stream.linear.gather [hbm4b:s12+s4], $0x320, $0x38;
	[tilespmem:$0x13A00] =	vst v63  }
0x1f: {  	_ =	swait.ge [sflag:s18], $0x3200  }
0x20: {  	[sflag:s18] =	ssyncset.done $0x0  }
0x21: {  	[sflag:s18] =	ssyncadd.s32 $0xFFFFCE00  }
0x22: {  	_ =	swait.ge [sflag:s18], $0x3200  }
0x23: {  	[sflag:s18] =	ssyncset.done $0x0  }
0x24: {  	[sflag:s18] =	ssyncadd.s32 $0xFFFFCE00  }
0x25: {  	_ =	swait.ge [sflag:s18], $0x320  }
0x26: {  	[sflag:s18] =	ssyncset.done $0x0  }
0x27: {  	[sflag:s18] =	ssyncadd.s32 $0xFFFFFCE0  }
0x28: {  	[tilespmem:s19], [sflag:$0x3] =	stream.indirect.gather [hbm4b:s6+s16], $0x1, s4, s16, $0xb8;
	[tilespmem:$0x13A00] =	vst v63  }
0x29: {  	s2 =	simm.s32 $0x9D00;
	s20 =	rddreg [dreg:$0x7]  }
0x2a: {  	[tilespmem:s2], [sflag:$0x2] =	stream.linear.gather [hbm4b:s20+s4], $0x3200, $0x38;
	[tilespmem:$0x13A00] =	vst v63  }
.Ltmp2:
0x2b: {  	_ = 	snop;
	(pc) =	sbr.rel .LBB2_2-.Ltmp2, $4  }
0x2c: {  	s22 =	simm.s32 $0x13300  }
0x2d: {  	[tilespmem:s21], [sflag:$0x2] =	stream.linear.gather [hbm4b:s13+s4], $0x3200, $0x38;
	[tilespmem:$0x13A00] =	vst v63  }
0x2e: {  	p2 =	por $0x1, $0x1;
	p1 =	por $0x0, $0x0;
	s0 =	simm.s32 $0x0  }
0x2f: {  	[tilespmem:s22], [sflag:$0x2] =	stream.linear.gather [hbm4b:s14+s4], $0x320, $0x38;
	[tilespmem:$0x13A00] =	vst v63  }
.LBB2_10:
.Ltmp3:
0x30: {  	(pc) =	sbr.rel @!p0 .LBB2_11-.Ltmp3, $2  }
0x31: {  	_ =	sdelay $0x2  }
0x32: {  	s0 =	simm.s32 $0x40;
	p2 =	por $0x0, $0x0;
	p1 =	por $0x1, $0x1  }
.LBB2_2:
0x33: {  	s0 =	sor.u32 s5, s0  }
0x34: {  	s2 =	sor.u32 $0x20, s0  }
0x35: {  	p3 =	sgt.u32 s2, $0x7C  }
0x36: {  	s9 =	simm.s32 @!p3 $0x2  }
0x37: {  	_ =	swait.ge @!p3 [sflag:s9], $0x3200  }
0x38: {  	[sflag:s9] =	ssyncset.done @!p3 $0x0  }
0x39: {  	[sflag:s9] =	ssyncadd.s32 @!p3 $0xFFFFCE00  }
0x3a: {  	_ =	swait.ge @!p3 [sflag:s9], $0x3200  }
0x3b: {  	[sflag:s9] =	ssyncset.done @!p3 $0x0  }
0x3c: {  	[sflag:s9] =	ssyncadd.s32 @!p3 $0xFFFFCE00  }
0x3d: {  	_ =	swait.ge @!p3 [sflag:s9], $0x320  }
0x3e: {  	s12 =	simm.s32 $0x0;
	s10 =	simm.s32 @!p3 $0x9D00;
	[sflag:s9] =	ssyncset.done @!p3 $0x0  }
0x3f: {  	s11 =	simm.s32 @!p3 $0x10100;
	[sflag:s9] =	ssyncadd.s32 @!p3 $0xFFFFFCE0;
	s9 =	simm.s32 @!p3 $0x3200  }
0x40: {  	[tilespmem:s11], [sflag:$0x4] =	stream.indirect.gather @!p3 [hbm4b:s6+s9], $0x1, s10, s9, $0xb8;
	[tilespmem:$0x13A00] =	vst v63  }
0x41: {  	v17 =	vor.u32 s12, v0;
	_ =	swait.ge [sflag:s23], $0x3200  }
0x42: {  	v17 =	vand.u32 v1, v17;
	[sflag:s23] =	ssyncset.done $0x0  }
0x43: {  	s10 =	simm.s32 @p1 $0x5;
	[sflag:s23] =	ssyncadd.s32 $0xFFFFCE00  }
0x44: {  	v18 =	vor.u32 s12, v2;
	_ =	swait.ge @p1 [sflag:s10], $0x320  }
0x45: {  	[sflag:s10] =	ssyncset.done @p1 $0x0  }
0x46: {  	v19 =	vor.u32 s12, v3;
	[sflag:s10] =	ssyncadd.s32 @p1 $0xFFFFFCE0  }
0x47: {  	v20 =	vld.idx.msk [tilespmem:v17+s16+$0x0], $0xffff  }
0x48: {  	v21 =	vor.u32 s12, v4;
	v17 =	vld.idx.msk [tilespmem:v17+s19+$0x0], $0xffff  }
0x49: {  	v22 =	vld.idx.msk [tilespmem:v18+s19+$0x0], $0xffff  }
0x4a: {  	v23 =	vor.u32 s12, v5;
	v18 =	vld.idx.msk [tilespmem:v18+s16+$0x0], $0xffff  }
0x4b: {  	v24 =	vld.idx.msk [tilespmem:v19+s19+$0x0], $0xffff  }
0x4c: {  	v25 =	vor.u32 s12, v6;
	v19 =	vld.idx.msk [tilespmem:v19+s16+$0x0], $0xffff  }
0x4d: {  	v26 =	vld.idx.msk [tilespmem:v21+s19+$0x0], $0xffff;
	v17 =	vmul.f32 v20, v17  }
0x4e: {  	v43 =	vor.u32 s12, v7;
	v20 =	vld.idx.msk [tilespmem:v21+s16+$0x0], $0xffff  }
0x4f: {  	v27 =	vld.idx.msk [tilespmem:v23+s19+$0x0], $0xffff;
	v18 =	vmul.f32 v18, v22;
	v17 =	vadd.f32 $0.0e+00, v17  }
0x50: {  	v45 =	vor.u32 s12, v8;
	v44 =	vld.idx.msk [tilespmem:v23+s16+$0x0], $0xffff  }
0x51: {  	v28 =	vld.idx.msk [tilespmem:v25+s19+$0x0], $0xffff;
	v17 =	vadd.f32 v18, v17;
	v18 =	vmul.f32 v19, v24  }
0x52: {  	v46 =	vor.u32 s12, v9;
	v19 =	vld.idx.msk [tilespmem:v25+s16+$0x0], $0xffff  }
0x53: {  	v47 =	vld.idx.msk [tilespmem:v43+s19+$0x0], $0xffff;
	v17 =	vadd.f32 v18, v17;
	v18 =	vmul.f32 v20, v26  }
0x54: {  	v48 =	vor.u32 s12, v10;
	v20 =	vld.idx.msk [tilespmem:v43+s16+$0x0], $0xffff  }
0x55: {  	v49 =	vld.idx.msk [tilespmem:v45+s19+$0x0], $0xffff;
	v17 =	vadd.f32 v18, v17;
	v18 =	vmul.f32 v44, v27  }
0x56: {  	v51 =	vor.u32 s12, v11;
	v50 =	vld.idx.msk [tilespmem:v45+s16+$0x0], $0xffff  }
0x57: {  	v52 =	vld.idx.msk [tilespmem:v46+s19+$0x0], $0xffff;
	v17 =	vadd.f32 v18, v17;
	v18 =	vmul.f32 v19, v28  }
0x58: {  	v53 =	vor.u32 s12, v12;
	v19 =	vld.idx.msk [tilespmem:v46+s16+$0x0], $0xffff  }
0x59: {  	v54 =	vld.idx.msk [tilespmem:v48+s19+$0x0], $0xffff;
	v17 =	vadd.f32 v18, v17;
	v18 =	vmul.f32 v20, v47  }
0x5a: {  	v55 =	vor.u32 s12, v13;
	v20 =	vld.idx.msk [tilespmem:v48+s16+$0x0], $0xffff  }
0x5b: {  	v56 =	vld.idx.msk [tilespmem:v51+s19+$0x0], $0xffff;
	v17 =	vadd.f32 v18, v17;
	v18 =	vmul.f32 v50, v49  }
0x5c: {  	v58 =	vor.u32 s12, v14;
	v57 =	vld.idx.msk [tilespmem:v51+s16+$0x0], $0xffff  }
0x5d: {  	v59 =	vld.idx.msk [tilespmem:v53+s19+$0x0], $0xffff;
	v17 =	vadd.f32 v18, v17;
	v18 =	vmul.f32 v19, v52  }
0x5e: {  	v60 =	vor.u32 s12, v15;
	v19 =	vld.idx.msk [tilespmem:v53+s16+$0x0], $0xffff  }
0x5f: {  	v61 =	vld.idx.msk [tilespmem:v55+s19+$0x0], $0xffff;
	v17 =	vadd.f32 v18, v17;
	v18 =	vmul.f32 v20, v54  }
0x60: {  	v62 =	vor.u32 s12, v16;
	v20 =	vld.idx.msk [tilespmem:v55+s16+$0x0], $0xffff  }
0x61: {  	v63 =	vld.idx.msk [tilespmem:v58+s19+$0x0], $0xffff;
	v17 =	vadd.f32 v18, v17;
	v18 =	vmul.f32 v57, v56  }
0x62: {  	v29 =	vld.idx.msk [tilespmem:v58+s16+$0x0], $0xffff  }
0x63: {  	v30 =	vld.idx.msk [tilespmem:v60+s19+$0x0], $0xffff;
	v17 =	vadd.f32 v18, v17;
	v18 =	vmul.f32 v19, v59  }
0x64: {  	v19 =	vld.idx.msk [tilespmem:v60+s16+$0x0], $0xffff  }
0x65: {  	v31 =	vld.idx.msk [tilespmem:v62+s19+$0x0], $0xffff;
	v17 =	vadd.f32 v18, v17;
	v18 =	vmul.f32 v20, v61  }
0x66: {  	v20 =	vld.idx.msk [tilespmem:v62+s16+$0x0], $0xffff  }
0x67: {  	v17 =	vadd.f32 v18, v17;
	v18 =	vmul.f32 v29, v63;
	_ =	sdelay $0x1  }
0x68: {  	s20 =	simm.s32 $0x9600;
	v17 =	vadd.f32 v18, v17;
	v18 =	vmul.f32 v19, v30  }
0x69: {  	v19 =	vld [tilespmem:s20+$0x0]  }
0x6a: {  	s22 =	simm.s32 $0x100;
	v17 =	vadd.f32 v18, v17;
	v18 =	vmul.f32 v20, v31  }
0x6b: {  	v20 =	vor.u32 s22, v0  }
0x6c: {  	v20 =	vand.u32 v1, v20;
	v17 =	vadd.f32 v18, v17;
	_ =	sdelay $0x1  }
0x6d: {  	v18 =	vor.u32 s22, v2;
	v17 =	vsub.f32 v17, v19  }
0x6e: {  	s9 =	simm.s32 $0x9980  }
0x6f: {  	v19 =	vor.u32 s22, v3;
	[tilespmem:s9+$0x0] =	vst v17  }
0x70: {  	v17 =	vld.idx.msk [tilespmem:v20+s16+$0x0], $0xffff  }
0x71: {  	v32 =	vor.u32 s22, v4;
	v20 =	vld.idx.msk [tilespmem:v20+s19+$0x0], $0xffff  }
0x72: {  	v33 =	vld.idx.msk [tilespmem:v18+s19+$0x0], $0xffff  }
0x73: {  	v34 =	vor.u32 s22, v5;
	v18 =	vld.idx.msk [tilespmem:v18+s16+$0x0], $0xffff  }
0x74: {  	v35 =	vld.idx.msk [tilespmem:v19+s19+$0x0], $0xffff  }
0x75: {  	v36 =	vor.u32 s22, v6;
	v19 =	vld.idx.msk [tilespmem:v19+s16+$0x0], $0xffff  }
0x76: {  	v37 =	vld.idx.msk [tilespmem:v32+s19+$0x0], $0xffff;
	v17 =	vmul.f32 v17, v20  }
0x77: {  	v38 =	vor.u32 s22, v7;
	v20 =	vld.idx.msk [tilespmem:v32+s16+$0x0], $0xffff  }
0x78: {  	v39 =	vld.idx.msk [tilespmem:v34+s19+$0x0], $0xffff;
	v18 =	vmul.f32 v18, v33;
	v17 =	vadd.f32 $0.0e+00, v17  }
0x79: {  	v41 =	vor.u32 s22, v8;
	v40 =	vld.idx.msk [tilespmem:v34+s16+$0x0], $0xffff  }
0x7a: {  	v42 =	vld.idx.msk [tilespmem:v36+s19+$0x0], $0xffff;
	v17 =	vadd.f32 v18, v17;
	v18 =	vmul.f32 v19, v35  }
0x7b: {  	v43 =	vor.u32 s22, v9;
	v19 =	vld.idx.msk [tilespmem:v36+s16+$0x0], $0xffff  }
0x7c: {  	v44 =	vld.idx.msk [tilespmem:v38+s19+$0x0], $0xffff;
	v17 =	vadd.f32 v18, v17;
	v18 =	vmul.f32 v20, v37  }
0x7d: {  	v45 =	vor.u32 s22, v10;
	v20 =	vld.idx.msk [tilespmem:v38+s16+$0x0], $0xffff  }
0x7e: {  	v46 =	vld.idx.msk [tilespmem:v41+s19+$0x0], $0xffff;
	v17 =	vadd.f32 v18, v17;
	v18 =	vmul.f32 v40, v39  }
0x7f: {  	v48 =	vor.u32 s22, v11;
	v47 =	vld.idx.msk [tilespmem:v41+s16+$0x0], $0xffff  }
0x80: {  	v49 =	vld.idx.msk [tilespmem:v43+s19+$0x0], $0xffff;
	v17 =	vadd.f32 v18, v17;
	v18 =	vmul.f32 v19, v42  }
0x81: {  	v50 =	vor.u32 s22, v12;
	v19 =	vld.idx.msk [tilespmem:v43+s16+$0x0], $0xffff  }
0x82: {  	v51 =	vld.idx.msk [tilespmem:v45+s19+$0x0], $0xffff;
	v17 =	vadd.f32 v18, v17;
	v18 =	vmul.f32 v20, v44  }
0x83: {  	v52 =	vor.u32 s22, v13;
	v20 =	vld.idx.msk [tilespmem:v45+s16+$0x0], $0xffff  }
0x84: {  	v53 =	vld.idx.msk [tilespmem:v48+s19+$0x0], $0xffff;
	v17 =	vadd.f32 v18, v17;
	v18 =	vmul.f32 v47, v46  }
0x85: {  	v55 =	vor.u32 s22, v14;
	v54 =	vld.idx.msk [tilespmem:v48+s16+$0x0], $0xffff  }
0x86: {  	v56 =	vld.idx.msk [tilespmem:v50+s19+$0x0], $0xffff;
	v17 =	vadd.f32 v18, v17;
	v18 =	vmul.f32 v19, v49  }
0x87: {  	v57 =	vor.u32 s22, v15;
	v19 =	vld.idx.msk [tilespmem:v50+s16+$0x0], $0xffff  }
0x88: {  	v58 =	vld.idx.msk [tilespmem:v52+s19+$0x0], $0xffff;
	v17 =	vadd.f32 v18, v17;
	v18 =	vmul.f32 v20, v51  }
0x89: {  	v20 =	vld.idx.msk [tilespmem:v52+s16+$0x0], $0xffff  }
0x8a: {  	v59 =	vor.u32 s22, v16;
	v60 =	vld.idx.msk [tilespmem:v55+s19+$0x0], $0xffff;
	v17 =	vadd.f32 v18, v17;
	v18 =	vmul.f32 v54, v53  }
0x8b: {  	v61 =	vld.idx.msk [tilespmem:v55+s16+$0x0], $0xffff  }
0x8c: {  	v62 =	vld.idx.msk [tilespmem:v57+s19+$0x0], $0xffff;
	v17 =	vadd.f32 v18, v17;
	v18 =	vmul.f32 v19, v56  }
0x8d: {  	v19 =	vld.idx.msk [tilespmem:v57+s16+$0x0], $0xffff  }
0x8e: {  	v17 =	vadd.f32 v18, v17;
	v18 =	vmul.f32 v20, v58  }
0x8f: {  	v63 =	vld.idx.msk [tilespmem:v59+s19+$0x0], $0xffff  }
0x90: {  	v20 =	vld.idx.msk [tilespmem:v59+s16+$0x0], $0xffff;
	v17 =	vadd.f32 v18, v17;
	v18 =	vmul.f32 v61, v60;
	_ =	sdelay $0x1  }
0x91: {  	v17 =	vadd.f32 v18, v17;
	v18 =	vmul.f32 v19, v62  }
0x92: {  	s10 =	simm.s32 $0x9610  }
0x93: {  	v19 =	vadd.f32 v18, v17;
	v18 =	vld [tilespmem:s10+$0x0]  }
0x94: {  	s11 =	simm.s32 $0x200;
	v20 =	vmul.f32 v20, v63  }
0x95: {  	p0 =	por p2, p2;
	v17 =	vor.u32 s11, v0  }
0x96: {  	s12 =	simm.s32 $0x300;
	s20 =	sadd.s32 $0x60, s0;
	s22 =	sadd.s32 $0x40, s0;
	v17 =	vand.u32 v1, v17;
	v19 =	vadd.f32 v20, v19  }
.LBB2_3:
0x97: {  	p2 =	sne.s32 s12, $0x3100  }
0x98: {  	v20 =	vor.u32 s11, v2;
	v18 =	vsub.f32 v19, v18  }
0x99: {  	s9 =	sadd.s32 $0x10, s9  }
0x9a: {  	v19 =	vor.u32 s11, v3;
	[tilespmem:s9+$0x0] =	vst v18  }
0x9b: {  	v18 =	vld.idx.msk [tilespmem:v17+s16+$0x0], $0xffff  }
0x9c: {  	v21 =	vor.u32 s11, v4;
	v17 =	vld.idx.msk [tilespmem:v17+s19+$0x0], $0xffff  }
0x9d: {  	v22 =	vld.idx.msk [tilespmem:v20+s19+$0x0], $0xffff  }
0x9e: {  	v23 =	vor.u32 s11, v5;
	v20 =	vld.idx.msk [tilespmem:v20+s16+$0x0], $0xffff  }
0x9f: {  	v24 =	vld.idx.msk [tilespmem:v19+s19+$0x0], $0xffff  }
0xa0: {  	v25 =	vor.u32 s11, v6;
	v19 =	vld.idx.msk [tilespmem:v19+s16+$0x0], $0xffff  }
0xa1: {  	v26 =	vld.idx.msk [tilespmem:v21+s19+$0x0], $0xffff  }
0xa2: {  	v17 =	vmul.f32 v18, v17;
	v18 =	vld.idx.msk [tilespmem:v21+s16+$0x0], $0xffff;
	v21 =	vor.u32 s11, v7  }
0xa3: {  	v27 =	vld.idx.msk [tilespmem:v23+s19+$0x0], $0xffff  }
0xa4: {  	v17 =	vadd.f32 $0.0e+00, v17;
	v20 =	vmul.f32 v20, v22;
	v22 =	vld.idx.msk [tilespmem:v23+s16+$0x0], $0xffff;
	v23 =	vor.u32 s11, v8  }
0xa5: {  	v28 =	vld.idx.msk [tilespmem:v25+s19+$0x0], $0xffff  }
0xa6: {  	v17 =	vadd.f32 v20, v17;
	v19 =	vmul.f32 v19, v24;
	v24 =	vor.u32 s11, v9;
	v20 =	vld.idx.msk [tilespmem:v25+s16+$0x0], $0xffff  }
0xa7: {  	v25 =	vld.idx.msk [tilespmem:v21+s19+$0x0], $0xffff  }
0xa8: {  	v17 =	vadd.f32 v19, v17;
	v18 =	vmul.f32 v18, v26;
	v19 =	vld.idx.msk [tilespmem:v21+s16+$0x0], $0xffff;
	v21 =	vor.u32 s11, v10  }
0xa9: {  	v26 =	vld.idx.msk [tilespmem:v23+s19+$0x0], $0xffff  }
0xaa: {  	v17 =	vadd.f32 v18, v17;
	v18 =	vmul.f32 v22, v27;
	v22 =	vld.idx.msk [tilespmem:v23+s16+$0x0], $0xffff;
	v23 =	vor.u32 s11, v11  }
0xab: {  	v27 =	vld.idx.msk [tilespmem:v24+s19+$0x0], $0xffff  }
0xac: {  	v17 =	vadd.f32 v18, v17;
	v18 =	vmul.f32 v20, v28;
	v20 =	vld.idx.msk [tilespmem:v24+s16+$0x0], $0xffff;
	v24 =	vor.u32 s11, v12  }
0xad: {  	v28 =	vld.idx.msk [tilespmem:v21+s19+$0x0], $0xffff  }
0xae: {  	v17 =	vadd.f32 v18, v17;
	v18 =	vmul.f32 v19, v25;
	v19 =	vld.idx.msk [tilespmem:v21+s16+$0x0], $0xffff;
	v21 =	vor.u32 s11, v13  }
0xaf: {  	v25 =	vld.idx.msk [tilespmem:v23+s19+$0x0], $0xffff  }
0xb0: {  	v17 =	vadd.f32 v18, v17;
	v18 =	vmul.f32 v22, v26;
	v22 =	vld.idx.msk [tilespmem:v23+s16+$0x0], $0xffff;
	v23 =	vor.u32 s11, v14  }
0xb1: {  	v26 =	vld.idx.msk [tilespmem:v24+s19+$0x0], $0xffff  }
0xb2: {  	v17 =	vadd.f32 v18, v17;
	v18 =	vmul.f32 v20, v27;
	v20 =	vld.idx.msk [tilespmem:v24+s16+$0x0], $0xffff;
	v24 =	vor.u32 s11, v15  }
0xb3: {  	v27 =	vld.idx.msk [tilespmem:v21+s19+$0x0], $0xffff  }
0xb4: {  	v17 =	vadd.f32 v18, v17;
	v18 =	vmul.f32 v19, v28;
	v19 =	vld.idx.msk [tilespmem:v21+s16+$0x0], $0xffff;
	v21 =	vor.u32 s11, v16;
	s11 =	smov.u32 s12  }
0xb5: {  	v28 =	vld.idx.msk [tilespmem:v23+s19+$0x0], $0xffff  }
0xb6: {  	v17 =	vadd.f32 v18, v17;
	v18 =	vmul.f32 v22, v25;
	v22 =	vld.idx.msk [tilespmem:v23+s16+$0x0], $0xffff  }
0xb7: {  	v23 =	vld.idx.msk [tilespmem:v24+s19+$0x0], $0xffff  }
0xb8: {  	v17 =	vadd.f32 v18, v17;
	v18 =	vmul.f32 v20, v26;
	v20 =	vld.idx.msk [tilespmem:v24+s16+$0x0], $0xffff  }
0xb9: {  	v24 =	vld.idx.msk [tilespmem:v21+s19+$0x0], $0xffff  }
0xba: {  	v17 =	vadd.f32 v18, v17;
	v18 =	vmul.f32 v19, v27;
	v19 =	vld.idx.msk [tilespmem:v21+s16+$0x0], $0xffff;
	_ =	sdelay $0x1  }
0xbb: {  	v17 =	vadd.f32 v18, v17;
	v18 =	vmul.f32 v22, v28;
	_ =	sdelay $0x1  }
.Ltmp4:
0xbc: {  	s10 =	sadd.s32 $0x10, s10;
	v17 =	vadd.f32 v18, v17;
	v20 =	vmul.f32 v20, v23;
	(pc) =	sbr.rel @p2 .LBB2_3-.Ltmp4, $4  }
0xbd: {  	v18 =	vld [tilespmem:s10+$0x0]  }
0xbe: {  	v20 =	vadd.f32 v20, v17;
	v19 =	vmul.f32 v19, v24  }
0xbf: {  	v17 =	vor.u32 s12, v0  }
0xc0: {  	s12 =	sadd.s32 $0x100, s12;
	v17 =	vand.u32 v1, v17;
	v19 =	vadd.f32 v19, v20  }
0xc1: {  	_ = 	snop  }
0xc2: {  	v20 =	vor.u32 s11, v2;
	v18 =	vsub.f32 v19, v18  }
0xc3: {  	s9 =	sadd.s32 $0x10, s9  }
0xc4: {  	v19 =	vor.u32 s11, v3;
	[tilespmem:s9+$0x0] =	vst v18  }
0xc5: {  	v18 =	vld.idx.msk [tilespmem:v17+s16+$0x0], $0xffff  }
0xc6: {  	v21 =	vor.u32 s11, v4;
	v17 =	vld.idx.msk [tilespmem:v17+s19+$0x0], $0xffff  }
0xc7: {  	v22 =	vld.idx.msk [tilespmem:v20+s19+$0x0], $0xffff  }
0xc8: {  	v23 =	vor.u32 s11, v5;
	v20 =	vld.idx.msk [tilespmem:v20+s16+$0x0], $0xffff  }
0xc9: {  	v24 =	vld.idx.msk [tilespmem:v19+s19+$0x0], $0xffff  }
0xca: {  	v25 =	vor.u32 s11, v6;
	v19 =	vld.idx.msk [tilespmem:v19+s16+$0x0], $0xffff  }
0xcb: {  	v26 =	vld.idx.msk [tilespmem:v21+s19+$0x0], $0xffff;
	v17 =	vmul.f32 v18, v17  }
0xcc: {  	v35 =	vor.u32 s11, v7;
	v18 =	vld.idx.msk [tilespmem:v21+s16+$0x0], $0xffff  }
0xcd: {  	v27 =	vld.idx.msk [tilespmem:v23+s19+$0x0], $0xffff;
	v20 =	vmul.f32 v20, v22;
	v17 =	vadd.f32 $0.0e+00, v17  }
0xce: {  	v37 =	vor.u32 s11, v8;
	v36 =	vld.idx.msk [tilespmem:v23+s16+$0x0], $0xffff  }
0xcf: {  	v28 =	vld.idx.msk [tilespmem:v25+s19+$0x0], $0xffff;
	v19 =	vmul.f32 v19, v24;
	v17 =	vadd.f32 v20, v17  }
0xd0: {  	v39 =	vor.u32 s11, v9;
	v38 =	vld.idx.msk [tilespmem:v25+s16+$0x0], $0xffff  }
0xd1: {  	v40 =	vld.idx.msk [tilespmem:v35+s19+$0x0], $0xffff;
	v18 =	vmul.f32 v18, v26;
	v17 =	vadd.f32 v19, v17  }
0xd2: {  	v41 =	vor.u32 s11, v10;
	v19 =	vld.idx.msk [tilespmem:v35+s16+$0x0], $0xffff  }
0xd3: {  	v42 =	vld.idx.msk [tilespmem:v37+s19+$0x0], $0xffff;
	v17 =	vadd.f32 v18, v17;
	v18 =	vmul.f32 v36, v27  }
0xd4: {  	v44 =	vor.u32 s11, v11;
	v43 =	vld.idx.msk [tilespmem:v37+s16+$0x0], $0xffff  }
0xd5: {  	v45 =	vld.idx.msk [tilespmem:v39+s19+$0x0], $0xffff;
	v17 =	vadd.f32 v18, v17;
	v18 =	vmul.f32 v38, v28  }
0xd6: {  	v47 =	vor.u32 s11, v12;
	v46 =	vld.idx.msk [tilespmem:v39+s16+$0x0], $0xffff  }
0xd7: {  	v48 =	vld.idx.msk [tilespmem:v41+s19+$0x0], $0xffff;
	v17 =	vadd.f32 v18, v17;
	v18 =	vmul.f32 v19, v40  }
0xd8: {  	v49 =	vor.u32 s11, v13;
	v19 =	vld.idx.msk [tilespmem:v41+s16+$0x0], $0xffff  }
0xd9: {  	v50 =	vld.idx.msk [tilespmem:v44+s19+$0x0], $0xffff;
	v17 =	vadd.f32 v18, v17;
	v18 =	vmul.f32 v43, v42  }
0xda: {  	v52 =	vor.u32 s11, v14;
	v51 =	vld.idx.msk [tilespmem:v44+s16+$0x0], $0xffff  }
0xdb: {  	v53 =	vld.idx.msk [tilespmem:v47+s19+$0x0], $0xffff;
	v17 =	vadd.f32 v18, v17;
	v18 =	vmul.f32 v46, v45  }
0xdc: {  	v55 =	vor.u32 s11, v15;
	v54 =	vld.idx.msk [tilespmem:v47+s16+$0x0], $0xffff  }
0xdd: {  	v56 =	vld.idx.msk [tilespmem:v49+s19+$0x0], $0xffff;
	v17 =	vadd.f32 v18, v17;
	v18 =	vmul.f32 v19, v48  }
0xde: {  	v57 =	vor.u32 s11, v16;
	v19 =	vld.idx.msk [tilespmem:v49+s16+$0x0], $0xffff  }
0xdf: {  	v58 =	vld.idx.msk [tilespmem:v52+s19+$0x0], $0xffff;
	v17 =	vadd.f32 v18, v17;
	v18 =	vmul.f32 v51, v50  }
0xe0: {  	v59 =	vld.idx.msk [tilespmem:v52+s16+$0x0], $0xffff  }
0xe1: {  	v60 =	vld.idx.msk [tilespmem:v55+s19+$0x0], $0xffff;
	v17 =	vadd.f32 v18, v17;
	v18 =	vmul.f32 v54, v53  }
0xe2: {  	v61 =	vld.idx.msk [tilespmem:v55+s16+$0x0], $0xffff  }
0xe3: {  	v62 =	vld.idx.msk [tilespmem:v57+s19+$0x0], $0xffff;
	v17 =	vadd.f32 v18, v17;
	v18 =	vmul.f32 v19, v56  }
0xe4: {  	v19 =	vld.idx.msk [tilespmem:v57+s16+$0x0], $0xffff  }
0xe5: {  	v17 =	vadd.f32 v18, v17;
	v18 =	vmul.f32 v59, v58;
	_ =	sdelay $0x1  }
0xe6: {  	s10 =	sadd.s32 $0x10, s10;
	v17 =	vadd.f32 v18, v17;
	v18 =	vmul.f32 v61, v60  }
0xe7: {  	v63 =	vld [tilespmem:s10+$0x0]  }
0xe8: {  	v17 =	vadd.f32 v18, v17;
	v18 =	vmul.f32 v19, v62;
	_ =	sdelay $0x1  }
0xe9: {  	p2 =	sgt.u32 s0, $0x3C;
	v17 =	vadd.f32 v18, v17  }
.Ltmp5:
0xea: {  	_ = 	snop;
	(pc) =	sbr.rel @p2 .LBB2_6-.Ltmp5, $4  }
0xeb: {  	s11 =	smul.u32 $0x64, s0;
	v17 =	vsub.f32 v17, v63  }
0xec: {  	s9 =	sadd.s32 $0x10, s9  }
0xed: {  	s12 =	sadd.s32 s3, s11;
	[tilespmem:s9+$0x0] =	vst v17  }
0xee: {  	[hbm4b:s12+s4] =	stream.linear.scatter [tilespmem:s24], [sflag:$0x5], $0x320, $0x38;
	[tilespmem:$0x13A00] =	vst v63  }
0xef: {  	s9 =	smul.u32 $0x640, s22;
	_ =	sdelay $0x1  }
0xf0: {  	s10 =	sadd.s32 s7, s9  }
0xf1: {  	[tilespmem:s4], [sflag:$0x1] =	stream.linear.gather [hbm4b:s10+s4], $0x3200, $0x38;
	[tilespmem:$0x13A00] =	vst v63  }
.Ltmp6:
0xf2: {  	_ = 	snop;
	(pc) =	sbr.rel .LBB2_7-.Ltmp6, $4  }
0xf3: {  	s12 =	smul.u32 $0x64, s22;
	s9 =	sadd.s32 s8, s9  }
0xf4: {  	[tilespmem:s16], [sflag:$0x1] =	stream.linear.gather [hbm4b:s9+s4], $0x3200, $0x38;
	[tilespmem:$0x13A00] =	vst v63  }
0xf5: {  	s22 =	sadd.s32 s1, s12  }
0xf6: {  	[tilespmem:s17], [sflag:$0x1] =	stream.linear.gather [hbm4b:s22+s4], $0x320, $0x38;
	[tilespmem:$0x13A00] =	vst v63  }
.LBB2_6:
.Ltmp7:
0xf7: {  	(pc) =	sbr.rel @p3 .LBB2_10-.Ltmp7, $1  }
0xf8: {  	_ =	sdelay $0x3  }
.LBB2_7:
0xf9: {  	s9 =	simm.s32 $0x0  }
0xfa: {  	_ =	swait.ge [sflag:s25], $0x3200;
	v17 =	vor.u32 s9, v0  }
0xfb: {  	[sflag:s25] =	ssyncset.done $0x0;
	v17 =	vand.u32 v1, v17  }
0xfc: {  	s10 =	simm.s32 @p1 $0x6;
	[sflag:s25] =	ssyncadd.s32 $0xFFFFCE00  }
0xfd: {  	v18 =	vor.u32 s9, v2;
	_ =	swait.ge @p1 [sflag:s10], $0x320  }
0xfe: {  	[sflag:s10] =	ssyncset.done @p1 $0x0  }
0xff: {  	v19 =	vor.u32 s9, v3;
	[sflag:s10] =	ssyncadd.s32 @p1 $0xFFFFFCE0  }
0x100: {  	v20 =	vld.idx.msk [tilespmem:v17+s21+$0x0], $0xffff  }
0x101: {  	v21 =	vor.u32 s9, v4;
	v17 =	vld.idx.msk [tilespmem:v17+s26+$0x0], $0xffff  }
0x102: {  	v22 =	vld.idx.msk [tilespmem:v18+s26+$0x0], $0xffff  }
0x103: {  	v23 =	vor.u32 s9, v5;
	v18 =	vld.idx.msk [tilespmem:v18+s21+$0x0], $0xffff  }
0x104: {  	v24 =	vld.idx.msk [tilespmem:v19+s26+$0x0], $0xffff  }
0x105: {  	v25 =	vor.u32 s9, v6;
	v19 =	vld.idx.msk [tilespmem:v19+s21+$0x0], $0xffff  }
0x106: {  	v26 =	vld.idx.msk [tilespmem:v21+s26+$0x0], $0xffff;
	v17 =	vmul.f32 v20, v17  }
0x107: {  	v43 =	vor.u32 s9, v7;
	v20 =	vld.idx.msk [tilespmem:v21+s21+$0x0], $0xffff  }
0x108: {  	v27 =	vld.idx.msk [tilespmem:v23+s26+$0x0], $0xffff;
	v18 =	vmul.f32 v18, v22;
	v17 =	vadd.f32 $0.0e+00, v17  }
0x109: {  	v45 =	vor.u32 s9, v8;
	v44 =	vld.idx.msk [tilespmem:v23+s21+$0x0], $0xffff  }
0x10a: {  	v28 =	vld.idx.msk [tilespmem:v25+s26+$0x0], $0xffff;
	v17 =	vadd.f32 v18, v17;
	v18 =	vmul.f32 v19, v24  }
0x10b: {  	v46 =	vor.u32 s9, v9;
	v19 =	vld.idx.msk [tilespmem:v25+s21+$0x0], $0xffff  }
0x10c: {  	v47 =	vld.idx.msk [tilespmem:v43+s26+$0x0], $0xffff;
	v17 =	vadd.f32 v18, v17;
	v18 =	vmul.f32 v20, v26  }
0x10d: {  	v48 =	vor.u32 s9, v10;
	v20 =	vld.idx.msk [tilespmem:v43+s21+$0x0], $0xffff  }
0x10e: {  	v49 =	vld.idx.msk [tilespmem:v45+s26+$0x0], $0xffff;
	v17 =	vadd.f32 v18, v17;
	v18 =	vmul.f32 v44, v27  }
0x10f: {  	v51 =	vor.u32 s9, v11;
	v50 =	vld.idx.msk [tilespmem:v45+s21+$0x0], $0xffff  }
0x110: {  	v52 =	vld.idx.msk [tilespmem:v46+s26+$0x0], $0xffff;
	v17 =	vadd.f32 v18, v17;
	v18 =	vmul.f32 v19, v28  }
0x111: {  	v53 =	vor.u32 s9, v12;
	v19 =	vld.idx.msk [tilespmem:v46+s21+$0x0], $0xffff  }
0x112: {  	v54 =	vld.idx.msk [tilespmem:v48+s26+$0x0], $0xffff;
	v17 =	vadd.f32 v18, v17;
	v18 =	vmul.f32 v20, v47  }
0x113: {  	v55 =	vor.u32 s9, v13;
	v20 =	vld.idx.msk [tilespmem:v48+s21+$0x0], $0xffff  }
0x114: {  	v56 =	vld.idx.msk [tilespmem:v51+s26+$0x0], $0xffff;
	v17 =	vadd.f32 v18, v17;
	v18 =	vmul.f32 v50, v49  }
0x115: {  	v58 =	vor.u32 s9, v14;
	v57 =	vld.idx.msk [tilespmem:v51+s21+$0x0], $0xffff  }
0x116: {  	v59 =	vld.idx.msk [tilespmem:v53+s26+$0x0], $0xffff;
	v17 =	vadd.f32 v18, v17;
	v18 =	vmul.f32 v19, v52  }
0x117: {  	v60 =	vor.u32 s9, v15;
	v19 =	vld.idx.msk [tilespmem:v53+s21+$0x0], $0xffff  }
0x118: {  	v61 =	vld.idx.msk [tilespmem:v55+s26+$0x0], $0xffff;
	v17 =	vadd.f32 v18, v17;
	v18 =	vmul.f32 v20, v54  }
0x119: {  	v62 =	vor.u32 s9, v16;
	v20 =	vld.idx.msk [tilespmem:v55+s21+$0x0], $0xffff  }
0x11a: {  	v63 =	vld.idx.msk [tilespmem:v58+s26+$0x0], $0xffff;
	v17 =	vadd.f32 v18, v17;
	v18 =	vmul.f32 v57, v56  }
0x11b: {  	v29 =	vld.idx.msk [tilespmem:v58+s21+$0x0], $0xffff  }
0x11c: {  	v30 =	vld.idx.msk [tilespmem:v60+s26+$0x0], $0xffff;
	v17 =	vadd.f32 v18, v17;
	v18 =	vmul.f32 v19, v59  }
0x11d: {  	v19 =	vld.idx.msk [tilespmem:v60+s21+$0x0], $0xffff  }
0x11e: {  	v31 =	vld.idx.msk [tilespmem:v62+s26+$0x0], $0xffff;
	v17 =	vadd.f32 v18, v17;
	v18 =	vmul.f32 v20, v61  }
0x11f: {  	v20 =	vld.idx.msk [tilespmem:v62+s21+$0x0], $0xffff  }
0x120: {  	v17 =	vadd.f32 v18, v17;
	v18 =	vmul.f32 v29, v63;
	_ =	sdelay $0x1  }
0x121: {  	s12 =	simm.s32 $0x13300;
	v17 =	vadd.f32 v18, v17;
	v18 =	vmul.f32 v19, v30  }
0x122: {  	v19 =	vld [tilespmem:s12+$0x0]  }
0x123: {  	s22 =	simm.s32 $0x100;
	v17 =	vadd.f32 v18, v17;
	v18 =	vmul.f32 v20, v31  }
0x124: {  	v20 =	vor.u32 s22, v0  }
0x125: {  	v20 =	vand.u32 v1, v20;
	v17 =	vadd.f32 v18, v17;
	_ =	sdelay $0x1  }
0x126: {  	v18 =	vor.u32 s22, v2;
	v17 =	vsub.f32 v17, v19  }
0x127: {  	s9 =	simm.s32 $0x13680  }
0x128: {  	v19 =	vor.u32 s22, v3;
	[tilespmem:s9+$0x0] =	vst v17  }
0x129: {  	v17 =	vld.idx.msk [tilespmem:v20+s21+$0x0], $0xffff  }
0x12a: {  	v32 =	vor.u32 s22, v4;
	v20 =	vld.idx.msk [tilespmem:v20+s26+$0x0], $0xffff  }
0x12b: {  	v33 =	vld.idx.msk [tilespmem:v18+s26+$0x0], $0xffff  }
0x12c: {  	v34 =	vor.u32 s22, v5;
	v18 =	vld.idx.msk [tilespmem:v18+s21+$0x0], $0xffff  }
0x12d: {  	v35 =	vld.idx.msk [tilespmem:v19+s26+$0x0], $0xffff  }
0x12e: {  	v36 =	vor.u32 s22, v6;
	v19 =	vld.idx.msk [tilespmem:v19+s21+$0x0], $0xffff  }
0x12f: {  	v37 =	vld.idx.msk [tilespmem:v32+s26+$0x0], $0xffff;
	v17 =	vmul.f32 v17, v20  }
0x130: {  	v38 =	vor.u32 s22, v7;
	v20 =	vld.idx.msk [tilespmem:v32+s21+$0x0], $0xffff  }
0x131: {  	v39 =	vld.idx.msk [tilespmem:v34+s26+$0x0], $0xffff;
	v18 =	vmul.f32 v18, v33;
	v17 =	vadd.f32 $0.0e+00, v17  }
0x132: {  	v41 =	vor.u32 s22, v8;
	v40 =	vld.idx.msk [tilespmem:v34+s21+$0x0], $0xffff  }
0x133: {  	v42 =	vld.idx.msk [tilespmem:v36+s26+$0x0], $0xffff;
	v17 =	vadd.f32 v18, v17;
	v18 =	vmul.f32 v19, v35  }
0x134: {  	v43 =	vor.u32 s22, v9;
	v19 =	vld.idx.msk [tilespmem:v36+s21+$0x0], $0xffff  }
0x135: {  	v44 =	vld.idx.msk [tilespmem:v38+s26+$0x0], $0xffff;
	v17 =	vadd.f32 v18, v17;
	v18 =	vmul.f32 v20, v37  }
0x136: {  	v45 =	vor.u32 s22, v10;
	v20 =	vld.idx.msk [tilespmem:v38+s21+$0x0], $0xffff  }
0x137: {  	v46 =	vld.idx.msk [tilespmem:v41+s26+$0x0], $0xffff;
	v17 =	vadd.f32 v18, v17;
	v18 =	vmul.f32 v40, v39  }
0x138: {  	v48 =	vor.u32 s22, v11;
	v47 =	vld.idx.msk [tilespmem:v41+s21+$0x0], $0xffff  }
0x139: {  	v49 =	vld.idx.msk [tilespmem:v43+s26+$0x0], $0xffff;
	v17 =	vadd.f32 v18, v17;
	v18 =	vmul.f32 v19, v42  }
0x13a: {  	v50 =	vor.u32 s22, v12;
	v19 =	vld.idx.msk [tilespmem:v43+s21+$0x0], $0xffff  }
0x13b: {  	v51 =	vld.idx.msk [tilespmem:v45+s26+$0x0], $0xffff;
	v17 =	vadd.f32 v18, v17;
	v18 =	vmul.f32 v20, v44  }
0x13c: {  	v52 =	vor.u32 s22, v13;
	v20 =	vld.idx.msk [tilespmem:v45+s21+$0x0], $0xffff  }
0x13d: {  	v53 =	vld.idx.msk [tilespmem:v48+s26+$0x0], $0xffff;
	v17 =	vadd.f32 v18, v17;
	v18 =	vmul.f32 v47, v46  }
0x13e: {  	v55 =	vor.u32 s22, v14;
	v54 =	vld.idx.msk [tilespmem:v48+s21+$0x0], $0xffff  }
0x13f: {  	v56 =	vld.idx.msk [tilespmem:v50+s26+$0x0], $0xffff;
	v17 =	vadd.f32 v18, v17;
	v18 =	vmul.f32 v19, v49  }
0x140: {  	v57 =	vor.u32 s22, v15;
	v19 =	vld.idx.msk [tilespmem:v50+s21+$0x0], $0xffff  }
0x141: {  	v58 =	vld.idx.msk [tilespmem:v52+s26+$0x0], $0xffff;
	v17 =	vadd.f32 v18, v17;
	v18 =	vmul.f32 v20, v51  }
0x142: {  	v20 =	vld.idx.msk [tilespmem:v52+s21+$0x0], $0xffff  }
0x143: {  	v59 =	vor.u32 s22, v16;
	v60 =	vld.idx.msk [tilespmem:v55+s26+$0x0], $0xffff;
	v17 =	vadd.f32 v18, v17;
	v18 =	vmul.f32 v54, v53  }
0x144: {  	v61 =	vld.idx.msk [tilespmem:v55+s21+$0x0], $0xffff  }
0x145: {  	v62 =	vld.idx.msk [tilespmem:v57+s26+$0x0], $0xffff;
	v17 =	vadd.f32 v18, v17;
	v18 =	vmul.f32 v19, v56  }
0x146: {  	v19 =	vld.idx.msk [tilespmem:v57+s21+$0x0], $0xffff  }
0x147: {  	v17 =	vadd.f32 v18, v17;
	v18 =	vmul.f32 v20, v58  }
0x148: {  	v63 =	vld.idx.msk [tilespmem:v59+s26+$0x0], $0xffff  }
0x149: {  	v20 =	vld.idx.msk [tilespmem:v59+s21+$0x0], $0xffff;
	v17 =	vadd.f32 v18, v17;
	v18 =	vmul.f32 v61, v60;
	_ =	sdelay $0x1  }
0x14a: {  	v17 =	vadd.f32 v18, v17;
	v18 =	vmul.f32 v19, v62  }
0x14b: {  	s10 =	simm.s32 $0x13310  }
0x14c: {  	v19 =	vadd.f32 v18, v17;
	v18 =	vld [tilespmem:s10+$0x0]  }
0x14d: {  	s11 =	simm.s32 $0x200;
	v20 =	vmul.f32 v20, v63  }
0x14e: {  	v17 =	vor.u32 s11, v0  }
0x14f: {  	s12 =	simm.s32 $0x300;
	v17 =	vand.u32 v1, v17;
	v19 =	vadd.f32 v20, v19  }
.LBB2_8:
0x150: {  	p1 =	sne.s32 s12, $0x3100  }
0x151: {  	v20 =	vor.u32 s11, v2;
	v18 =	vsub.f32 v19, v18  }
0x152: {  	s9 =	sadd.s32 $0x10, s9  }
0x153: {  	v19 =	vor.u32 s11, v3;
	[tilespmem:s9+$0x0] =	vst v18  }
0x154: {  	v18 =	vld.idx.msk [tilespmem:v17+s21+$0x0], $0xffff  }
0x155: {  	v21 =	vor.u32 s11, v4;
	v17 =	vld.idx.msk [tilespmem:v17+s26+$0x0], $0xffff  }
0x156: {  	v22 =	vld.idx.msk [tilespmem:v20+s26+$0x0], $0xffff  }
0x157: {  	v23 =	vor.u32 s11, v5;
	v20 =	vld.idx.msk [tilespmem:v20+s21+$0x0], $0xffff  }
0x158: {  	v24 =	vld.idx.msk [tilespmem:v19+s26+$0x0], $0xffff  }
0x159: {  	v25 =	vor.u32 s11, v6;
	v19 =	vld.idx.msk [tilespmem:v19+s21+$0x0], $0xffff  }
0x15a: {  	v26 =	vld.idx.msk [tilespmem:v21+s26+$0x0], $0xffff  }
0x15b: {  	v17 =	vmul.f32 v18, v17;
	v18 =	vld.idx.msk [tilespmem:v21+s21+$0x0], $0xffff;
	v21 =	vor.u32 s11, v7  }
0x15c: {  	v27 =	vld.idx.msk [tilespmem:v23+s26+$0x0], $0xffff  }
0x15d: {  	v17 =	vadd.f32 $0.0e+00, v17;
	v20 =	vmul.f32 v20, v22;
	v22 =	vld.idx.msk [tilespmem:v23+s21+$0x0], $0xffff;
	v23 =	vor.u32 s11, v8  }
0x15e: {  	v28 =	vld.idx.msk [tilespmem:v25+s26+$0x0], $0xffff  }
0x15f: {  	v17 =	vadd.f32 v20, v17;
	v19 =	vmul.f32 v19, v24;
	v24 =	vor.u32 s11, v9;
	v20 =	vld.idx.msk [tilespmem:v25+s21+$0x0], $0xffff  }
0x160: {  	v25 =	vld.idx.msk [tilespmem:v21+s26+$0x0], $0xffff  }
0x161: {  	v17 =	vadd.f32 v19, v17;
	v18 =	vmul.f32 v18, v26;
	v19 =	vld.idx.msk [tilespmem:v21+s21+$0x0], $0xffff;
	v21 =	vor.u32 s11, v10  }
0x162: {  	v26 =	vld.idx.msk [tilespmem:v23+s26+$0x0], $0xffff  }
0x163: {  	v17 =	vadd.f32 v18, v17;
	v18 =	vmul.f32 v22, v27;
	v22 =	vld.idx.msk [tilespmem:v23+s21+$0x0], $0xffff;
	v23 =	vor.u32 s11, v11  }
0x164: {  	v27 =	vld.idx.msk [tilespmem:v24+s26+$0x0], $0xffff  }
0x165: {  	v17 =	vadd.f32 v18, v17;
	v18 =	vmul.f32 v20, v28;
	v20 =	vld.idx.msk [tilespmem:v24+s21+$0x0], $0xffff;
	v24 =	vor.u32 s11, v12  }
0x166: {  	v28 =	vld.idx.msk [tilespmem:v21+s26+$0x0], $0xffff  }
0x167: {  	v17 =	vadd.f32 v18, v17;
	v18 =	vmul.f32 v19, v25;
	v19 =	vld.idx.msk [tilespmem:v21+s21+$0x0], $0xffff;
	v21 =	vor.u32 s11, v13  }
0x168: {  	v25 =	vld.idx.msk [tilespmem:v23+s26+$0x0], $0xffff  }
0x169: {  	v17 =	vadd.f32 v18, v17;
	v18 =	vmul.f32 v22, v26;
	v22 =	vld.idx.msk [tilespmem:v23+s21+$0x0], $0xffff;
	v23 =	vor.u32 s11, v14  }
0x16a: {  	v26 =	vld.idx.msk [tilespmem:v24+s26+$0x0], $0xffff  }
0x16b: {  	v17 =	vadd.f32 v18, v17;
	v18 =	vmul.f32 v20, v27;
	v20 =	vld.idx.msk [tilespmem:v24+s21+$0x0], $0xffff;
	v24 =	vor.u32 s11, v15  }
0x16c: {  	v27 =	vld.idx.msk [tilespmem:v21+s26+$0x0], $0xffff  }
0x16d: {  	v17 =	vadd.f32 v18, v17;
	v18 =	vmul.f32 v19, v28;
	v19 =	vld.idx.msk [tilespmem:v21+s21+$0x0], $0xffff;
	v21 =	vor.u32 s11, v16;
	s11 =	smov.u32 s12  }
0x16e: {  	v28 =	vld.idx.msk [tilespmem:v23+s26+$0x0], $0xffff  }
0x16f: {  	v17 =	vadd.f32 v18, v17;
	v18 =	vmul.f32 v22, v25;
	v22 =	vld.idx.msk [tilespmem:v23+s21+$0x0], $0xffff  }
0x170: {  	v23 =	vld.idx.msk [tilespmem:v24+s26+$0x0], $0xffff  }
0x171: {  	v17 =	vadd.f32 v18, v17;
	v18 =	vmul.f32 v20, v26;
	v20 =	vld.idx.msk [tilespmem:v24+s21+$0x0], $0xffff  }
0x172: {  	v24 =	vld.idx.msk [tilespmem:v21+s26+$0x0], $0xffff  }
0x173: {  	v17 =	vadd.f32 v18, v17;
	v18 =	vmul.f32 v19, v27;
	v19 =	vld.idx.msk [tilespmem:v21+s21+$0x0], $0xffff;
	_ =	sdelay $0x1  }
0x174: {  	v17 =	vadd.f32 v18, v17;
	v18 =	vmul.f32 v22, v28;
	_ =	sdelay $0x1  }
.Ltmp8:
0x175: {  	s10 =	sadd.s32 $0x10, s10;
	v17 =	vadd.f32 v18, v17;
	v20 =	vmul.f32 v20, v23;
	(pc) =	sbr.rel @p1 .LBB2_8-.Ltmp8, $4  }
0x176: {  	v18 =	vld [tilespmem:s10+$0x0]  }
0x177: {  	v20 =	vadd.f32 v20, v17;
	v19 =	vmul.f32 v19, v24  }
0x178: {  	v17 =	vor.u32 s12, v0  }
0x179: {  	s12 =	sadd.s32 $0x100, s12;
	v17 =	vand.u32 v1, v17;
	v19 =	vadd.f32 v19, v20  }
0x17a: {  	_ = 	snop  }
0x17b: {  	v20 =	vor.u32 s11, v2;
	v18 =	vsub.f32 v19, v18  }
0x17c: {  	s9 =	sadd.s32 $0x10, s9  }
0x17d: {  	v19 =	vor.u32 s11, v3;
	[tilespmem:s9+$0x0] =	vst v18  }
0x17e: {  	v18 =	vld.idx.msk [tilespmem:v17+s21+$0x0], $0xffff  }
0x17f: {  	v21 =	vor.u32 s11, v4;
	v17 =	vld.idx.msk [tilespmem:v17+s26+$0x0], $0xffff  }
0x180: {  	v22 =	vld.idx.msk [tilespmem:v20+s26+$0x0], $0xffff  }
0x181: {  	v23 =	vor.u32 s11, v5;
	v20 =	vld.idx.msk [tilespmem:v20+s21+$0x0], $0xffff  }
0x182: {  	v24 =	vld.idx.msk [tilespmem:v19+s26+$0x0], $0xffff  }
0x183: {  	v25 =	vor.u32 s11, v6;
	v19 =	vld.idx.msk [tilespmem:v19+s21+$0x0], $0xffff  }
0x184: {  	v26 =	vld.idx.msk [tilespmem:v21+s26+$0x0], $0xffff;
	v17 =	vmul.f32 v18, v17  }
0x185: {  	v35 =	vor.u32 s11, v7;
	v18 =	vld.idx.msk [tilespmem:v21+s21+$0x0], $0xffff  }
0x186: {  	v27 =	vld.idx.msk [tilespmem:v23+s26+$0x0], $0xffff;
	v20 =	vmul.f32 v20, v22;
	v17 =	vadd.f32 $0.0e+00, v17  }
0x187: {  	v37 =	vor.u32 s11, v8;
	v36 =	vld.idx.msk [tilespmem:v23+s21+$0x0], $0xffff  }
0x188: {  	v28 =	vld.idx.msk [tilespmem:v25+s26+$0x0], $0xffff;
	v19 =	vmul.f32 v19, v24;
	v17 =	vadd.f32 v20, v17  }
0x189: {  	v39 =	vor.u32 s11, v9;
	v38 =	vld.idx.msk [tilespmem:v25+s21+$0x0], $0xffff  }
0x18a: {  	v40 =	vld.idx.msk [tilespmem:v35+s26+$0x0], $0xffff;
	v18 =	vmul.f32 v18, v26;
	v17 =	vadd.f32 v19, v17  }
0x18b: {  	v41 =	vor.u32 s11, v10;
	v19 =	vld.idx.msk [tilespmem:v35+s21+$0x0], $0xffff  }
0x18c: {  	v42 =	vld.idx.msk [tilespmem:v37+s26+$0x0], $0xffff;
	v17 =	vadd.f32 v18, v17;
	v18 =	vmul.f32 v36, v27  }
0x18d: {  	v44 =	vor.u32 s11, v11;
	v43 =	vld.idx.msk [tilespmem:v37+s21+$0x0], $0xffff  }
0x18e: {  	v45 =	vld.idx.msk [tilespmem:v39+s26+$0x0], $0xffff;
	v17 =	vadd.f32 v18, v17;
	v18 =	vmul.f32 v38, v28  }
0x18f: {  	v47 =	vor.u32 s11, v12;
	v46 =	vld.idx.msk [tilespmem:v39+s21+$0x0], $0xffff  }
0x190: {  	v48 =	vld.idx.msk [tilespmem:v41+s26+$0x0], $0xffff;
	v17 =	vadd.f32 v18, v17;
	v18 =	vmul.f32 v19, v40  }
0x191: {  	v49 =	vor.u32 s11, v13;
	v19 =	vld.idx.msk [tilespmem:v41+s21+$0x0], $0xffff  }
0x192: {  	v50 =	vld.idx.msk [tilespmem:v44+s26+$0x0], $0xffff;
	v17 =	vadd.f32 v18, v17;
	v18 =	vmul.f32 v43, v42  }
0x193: {  	v52 =	vor.u32 s11, v14;
	v51 =	vld.idx.msk [tilespmem:v44+s21+$0x0], $0xffff  }
0x194: {  	v53 =	vld.idx.msk [tilespmem:v47+s26+$0x0], $0xffff;
	v17 =	vadd.f32 v18, v17;
	v18 =	vmul.f32 v46, v45  }
0x195: {  	v55 =	vor.u32 s11, v15;
	v54 =	vld.idx.msk [tilespmem:v47+s21+$0x0], $0xffff  }
0x196: {  	v56 =	vld.idx.msk [tilespmem:v49+s26+$0x0], $0xffff;
	v17 =	vadd.f32 v18, v17;
	v18 =	vmul.f32 v19, v48  }
0x197: {  	v57 =	vor.u32 s11, v16;
	v19 =	vld.idx.msk [tilespmem:v49+s21+$0x0], $0xffff  }
0x198: {  	v58 =	vld.idx.msk [tilespmem:v52+s26+$0x0], $0xffff;
	v17 =	vadd.f32 v18, v17;
	v18 =	vmul.f32 v51, v50  }
0x199: {  	v59 =	vld.idx.msk [tilespmem:v52+s21+$0x0], $0xffff  }
0x19a: {  	v60 =	vld.idx.msk [tilespmem:v55+s26+$0x0], $0xffff;
	v17 =	vadd.f32 v18, v17;
	v18 =	vmul.f32 v54, v53  }
0x19b: {  	v61 =	vld.idx.msk [tilespmem:v55+s21+$0x0], $0xffff  }
0x19c: {  	v62 =	vld.idx.msk [tilespmem:v57+s26+$0x0], $0xffff;
	v17 =	vadd.f32 v18, v17;
	v18 =	vmul.f32 v19, v56  }
0x19d: {  	v19 =	vld.idx.msk [tilespmem:v57+s21+$0x0], $0xffff  }
0x19e: {  	v17 =	vadd.f32 v18, v17;
	v18 =	vmul.f32 v59, v58;
	_ =	sdelay $0x1  }
0x19f: {  	s10 =	sadd.s32 $0x10, s10;
	v17 =	vadd.f32 v18, v17;
	v18 =	vmul.f32 v61, v60  }
0x1a0: {  	v63 =	vld [tilespmem:s10+$0x0]  }
0x1a1: {  	v17 =	vadd.f32 v18, v17;
	v18 =	vmul.f32 v19, v62;
	_ =	sdelay $0x1  }
0x1a2: {  	v17 =	vadd.f32 v18, v17;
	_ =	sdelay $0x1  }
0x1a3: {  	s2 =	smul.u32 $0x64, s2;
	v17 =	vsub.f32 v17, v63  }
0x1a4: {  	s9 =	sadd.s32 $0x10, s9  }
0x1a5: {  	s2 =	sadd.s32 s3, s2;
	[tilespmem:s9+$0x0] =	vst v17  }
0x1a6: {  	[hbm4b:s2+s4] =	stream.linear.scatter [tilespmem:s28], [sflag:$0x6], $0x320, $0x38;
	[tilespmem:$0x13A00] =	vst v63  }
0x1a7: {  	s2 =	simm.s32 @!p2 $0x1  }
0x1a8: {  	_ =	swait.ge @!p2 [sflag:s2], $0x3200  }
0x1a9: {  	[sflag:s2] =	ssyncset.done @!p2 $0x0  }
0x1aa: {  	[sflag:s2] =	ssyncadd.s32 @!p2 $0xFFFFCE00  }
0x1ab: {  	_ =	swait.ge @!p2 [sflag:s2], $0x3200  }
0x1ac: {  	[sflag:s2] =	ssyncset.done @!p2 $0x0  }
0x1ad: {  	p1 =	sgt.u32 @!p2 s0, $0x1C;
	[sflag:s2] =	ssyncadd.s32 @!p2 $0xFFFFCE00  }
0x1ae: {  	p1 =	por p1, p2;
	_ =	swait.ge @!p2 [sflag:s2], $0x320  }
0x1af: {  	s0 =	simm.s32 @!p2 $0x3200;
	s10 =	smul.u32 @!p1 $0x640, s20;
	[sflag:s2] =	ssyncset.done @!p2 $0x0  }
0x1b0: {  	s9 =	simm.s32 @!p2 $0x6400;
	[sflag:s2] =	ssyncadd.s32 @!p2 $0xFFFFFCE0;
	s2 =	simm.s32 @!p2 $0x0  }
0x1b1: {  	[tilespmem:s9], [sflag:$0x3] =	stream.indirect.gather @!p2 [hbm4b:s6+s0], $0x1, s2, s0, $0xb8;
	[tilespmem:$0x13A00] =	vst v63  }
0x1b2: {  	s0 =	sadd.s32 @!p1 s7, s10;
	s2 =	simm.s32 @!p1 $0x0;
	s9 =	simm.s32 @!p1 $0x9D00  }
0x1b3: {  	[tilespmem:s9], [sflag:$0x2] =	stream.linear.gather @!p1 [hbm4b:s0+s2], $0x3200, $0x38;
	[tilespmem:$0x13A00] =	vst v63  }
.Ltmp9:
0x1b4: {  	_ = 	snop;
	(pc) =	sbr.rel .LBB2_10-.Ltmp9, $4  }
0x1b5: {  	s0 =	sadd.s32 @!p1 s8, s10;
	s9 =	simm.s32 @!p1 $0xCF00;
	s10 =	smul.u32 @!p1 $0x64, s20  }
0x1b6: {  	[tilespmem:s9], [sflag:$0x2] =	stream.linear.gather @!p1 [hbm4b:s0+s2], $0x3200, $0x38;
	[tilespmem:$0x13A00] =	vst v63  }
0x1b7: {  	s0 =	sadd.s32 @!p1 s1, s10;
	s9 =	simm.s32 @!p1 $0x13300  }
0x1b8: {  	[tilespmem:s9], [sflag:$0x2] =	stream.linear.gather @!p1 [hbm4b:s0+s2], $0x320, $0x38;
	[tilespmem:$0x13A00] =	vst v63  }
.LBB2_12:
0x1b9: {  	_ =	sfence.sel $0x180000  }
0x1ba: {  	[bflag:$0x0] =	sbarrier.arrive $0xFFFF  }
0x1bb: {  	_ =	strace $0x9000004A  }
0x1bc: {  	s0 =	stileid.u32;
	[bflag:$0x2] =	sbarrier.arrive $0xFFFF  }
0x1bd: {  	p0 =	sne.s32 s0, $0x0;
	s0 =	rddreg [dreg:$0x3]  }
0x1be: {  	s0 =	sadd.s32 @!p0 $0x100000, s0  }
0x1bf: {  	[sflag:s0] =	ssyncadd.tile.s32 @!p0 $0x1;
	_ =	shalt  }
.Lfunc_end2:
_tile_overlayer_lowered:
.L_overlay_start_2:
0x1c0: {  	(tag) =	ssettag $0x2  }
0x1c1: {  	s0 =	rddreg [dreg:$0x0];
	s2 =	stileid.u32  }
0x1c2: {  	s1 =	rddreg [dreg:$0x1];
	p0 =	sne.s32 s2, $0x0  }
0x1c3: {  	s3 =	rddreg [dreg:$0x2];
	[bflag:$0x3] =	sbarrier.arrive $0xFFFF;
	s2 =	simm.s32 @!p0 $0x1C07  }
0x1c4: {  	[timem:s3], [sflag:s2] =	dma.local @!p0 [hbm:s0], s1  }
0x1c5: {  	s0 =	simm.s32 @!p0 $0x7  }
0x1c6: {  	_ =	swait.ge @!p0 [sflag:s0], s1  }
0x1c7: {  	s1 =	ssub.s32 @!p0 $0x0, s1;
	[sflag:s0] =	ssyncset.done @!p0 $0x0  }
0x1c8: {  	[sflag:s0] =	ssyncadd.s32 @!p0 s1  }
0x1c9: {  	[bflag:$0x3] =	sbarrier.arrive $0xFFFF  }
0x1ca: {  	_ =	shalt  }

</sc_bundles>
